<compile_context>
chip_gen: v7x
topology: tpu7x:2x2x1
jax: 0.10.2.dev20260603
libtpu: 0.0.44.dev20260713+nightly
codegen_flags: <defaults>
</compile_context>

<pallas_src>
import jax
import jax.numpy as jnp
from jax import lax
from jax.experimental import pallas as pl
from jax.experimental.pallas import tpu as pltpu
from jax.experimental.pallas import tpu_sc as plsc

NUM_SEGMENTS = 25000

NC = 2
NS = 16
L = 16


def _build(n, m, d, interpret=False):
    dh = d // NC
    CH = 128
    n_full = n // CH
    n_tail = n - n_full * CH
    CB = 40
    assert m % CB == 0 and CB % 8 == 0 and dh % L == 0
    n_out = m // CB
    cb_pad = ((CB + 2 * L - 1) // L) * L
    tail = max(n_tail, 8)

    mesh = plsc.VectorSubcoreMesh(
        core_axis_name="c", subcore_axis_name="s",
        num_cores=NC, num_subcores=NS)

    def body(x_hbm, cm_hbm, out_hbm, acc, cnt,
             idx2, idx_t, feat2, feat_t, ones_b, vbuf, cbuf,
             sld0, sld1, ssc0, ssc1):
        sld = (sld0, sld1)
        ssc = (ssc0, ssc1)
        cid = lax.axis_index("c")
        sid = lax.axis_index("s")
        col0 = cid * dh

        zvec = jnp.zeros((L,), jnp.float32)
        ovec = jnp.ones((L,), jnp.float32)

        def zrow(i, _):
            for j in range(dh // L):
                vbuf[0, i, pl.ds(j * L, L)] = zvec
            return 0
        lax.fori_loop(0, CB, zrow, 0)
        for B in range(2):
            for j in range(cb_pad // L):
                cbuf[B, pl.ds(j * L, L)] = zvec
        for j in range(CH // L):
            ones_b[pl.ds(j * L, L)] = ovec

        def issue_loads(c, B):
            r0 = c * CH
            pltpu.async_copy(cm_hbm.at[pl.ds(r0, CH)], idx2.at[B], sld[B])
            pltpu.async_copy(x_hbm.at[pl.ds(r0, CH), pl.ds(col0, dh)],
                             feat2.at[B], sld[B])

        def wait_loads(c, B):
            r0 = c * CH
            pltpu.make_async_copy(
                cm_hbm.at[pl.ds(r0, CH)], idx2.at[B], sld[B]).wait()
            pltpu.make_async_copy(
                x_hbm.at[pl.ds(r0, CH), pl.ds(col0, dh)],
                feat2.at[B], sld[B]).wait()

        def issue_scats(B):
            pltpu.async_copy(feat2.at[B], acc.at[idx2.at[B]], ssc[B], add=True)
            pltpu.async_copy(ones_b, cnt.at[idx2.at[B]], ssc[B], add=True)

        def wait_scats(B):
            pltpu.make_async_copy(
                feat2.at[B], acc.at[idx2.at[B]], ssc[B]).wait()
            pltpu.make_async_copy(
                ones_b, cnt.at[idx2.at[B]], ssc[B]).wait()

        c0 = sid * n_full // NS
        c1 = (sid + 1) * n_full // NS

        @pl.when(c0 < c1)
        def _():
            issue_loads(c0, 0)

        k0 = sid * n_out // NS
        k1 = (sid + 1) * n_out // NS

        ZW = 6

        def zissue(k):
            r0 = k * CB
            pltpu.async_copy(vbuf.at[0], acc.at[pl.ds(r0, CB)], ssc0)
            pltpu.async_copy(cbuf.at[0, pl.ds(0, CB)], cnt.at[pl.ds(r0, CB)],
                             ssc0)

        def zwait(k):
            r0 = k * CB
            pltpu.make_async_copy(
                vbuf.at[0], acc.at[pl.ds(r0, CB)], ssc0).wait()
            pltpu.make_async_copy(
                cbuf.at[0, pl.ds(0, CB)], cnt.at[pl.ds(r0, CB)], ssc0).wait()

        def zchunk(k, _):
            zissue(k)

            @pl.when(k - ZW >= k0)
            def _():
                zwait(k - ZW)
            return 0

        with jax.named_scope("zero_phase"):
            lax.fori_loop(k0, k1, zchunk, 0)

            def zdrain(k, _):
                zwait(k)
                return 0
            lax.fori_loop(jnp.maximum(k0, k1 - ZW), k1, zdrain, 0)
            plsc.subcore_barrier()

        def achunk(c, _):
            def step(B):
                wait_loads(c, B)

                @pl.when(c + 1 < c1)
                def _():
                    @pl.when(c > c0)
                    def _():
                        wait_scats(1 - B)
                    issue_loads(c + 1, 1 - B)
                issue_scats(B)

            b_is0 = ((c - c0) % 2) == 0

            @pl.when(b_is0)
            def _():
                step(0)

            @pl.when(jnp.logical_not(b_is0))
            def _():
                step(1)
            return 0

        with jax.named_scope("accum_phase"):
            lax.fori_loop(c0, c1, achunk, 0)

        nch = c1 - c0

        def drain(c):
            p = (c - c0) % 2

            @pl.when(p == 0)
            def _():
                wait_scats(0)

            @pl.when(p == 1)
            def _():
                wait_scats(1)

        with jax.named_scope("accum_drain"):
            @pl.when(nch >= 2)
            def _():
                drain(c1 - 2)

            @pl.when(nch >= 1)
            def _():
                drain(c1 - 1)

        if n_tail:
            @pl.when(sid == NS - 1)
            def _():
                r0 = n_full * CH
                pltpu.sync_copy(cm_hbm.at[pl.ds(r0, n_tail)],
                                idx_t.at[pl.ds(0, n_tail)])
                pltpu.sync_copy(x_hbm.at[pl.ds(r0, n_tail), pl.ds(col0, dh)],
                                feat_t.at[pl.ds(0, n_tail)])
                pltpu.sync_copy(feat_t.at[pl.ds(0, n_tail)],
                                acc.at[idx_t], add=True)
                pltpu.sync_copy(ones_b.at[pl.ds(0, n_tail)],
                                cnt.at[idx_t], add=True)
        plsc.subcore_barrier()

        def issue_dload(k, B):
            r0 = k * CB
            pltpu.async_copy(acc.at[pl.ds(r0, CB)], vbuf.at[B], sld[B])
            pltpu.async_copy(cnt.at[pl.ds(r0, CB)],
                             cbuf.at[B, pl.ds(0, CB)], sld[B])

        def wait_dload(k, B):
            r0 = k * CB
            pltpu.make_async_copy(
                acc.at[pl.ds(r0, CB)], vbuf.at[B], sld[B]).wait()
            pltpu.make_async_copy(
                cnt.at[pl.ds(r0, CB)], cbuf.at[B, pl.ds(0, CB)], sld[B]).wait()

        def issue_dstore(k, B):
            r0 = k * CB
            pltpu.async_copy(
                vbuf.at[B], out_hbm.at[pl.ds(r0, CB), pl.ds(col0, dh)], ssc[B])

        def wait_dstore(k, B):
            r0 = k * CB
            pltpu.make_async_copy(
                vbuf.at[B],
                out_hbm.at[pl.ds(r0, CB), pl.ds(col0, dh)], ssc[B]).wait()

        @pl.when(k0 < k1)
        def _():
            issue_dload(k0, 0)

        def dchunk(k, _):
            def dstep(B):
                wait_dload(k, B)

                @pl.when(k + 1 < k1)
                def _():
                    @pl.when(k > k0)
                    def _():
                        wait_dstore(k - 1, 1 - B)
                    issue_dload(k + 1, 1 - B)
                for j in range(cb_pad // L):
                    v = cbuf[B, pl.ds(j * L, L)]
                    cbuf[B, pl.ds(j * L, L)] = 1.0 / jnp.maximum(v, 1.0)

                def drow(i, _):
                    r = cbuf[B, pl.ds(i, L)][0]
                    for j in range(dh // L):
                        v = vbuf[B, i, pl.ds(j * L, L)]
                        vbuf[B, i, pl.ds(j * L, L)] = v * r
                    return 0
                lax.fori_loop(0, CB, drow, 0)
                issue_dstore(k, B)

            b_is0 = ((k - k0) % 2) == 0

            @pl.when(b_is0)
            def _():
                dstep(0)

            @pl.when(jnp.logical_not(b_is0))
            def _():
                dstep(1)
            return 0

        with jax.named_scope("divide_phase"):
            lax.fori_loop(k0, k1, dchunk, 0)

        def ddrain(k):
            p = (k - k0) % 2

            @pl.when(p == 0)
            def _():
                wait_dstore(k, 0)

            @pl.when(p == 1)
            def _():
                wait_dstore(k, 1)

        nko = k1 - k0

        @pl.when(nko >= 2)
        def _():
            ddrain(k1 - 2)

        @pl.when(nko >= 1)
        def _():
            ddrain(k1 - 1)

    return pl.kernel(
        body,
        out_type=jax.ShapeDtypeStruct((m, d), jnp.float32),
        mesh=mesh,
        interpret=interpret,
        compiler_params=pltpu.CompilerParams(use_tc_tiling_on_sc=False),
        scratch_types=[
            pltpu.VMEM_SHARED((m, dh), jnp.float32),
            pltpu.VMEM_SHARED((m,), jnp.float32),
            pltpu.VMEM((2, CH), jnp.int32),
            pltpu.VMEM((tail,), jnp.int32),
            pltpu.VMEM((2, CH, dh), jnp.float32),
            pltpu.VMEM((tail, dh), jnp.float32),
            pltpu.VMEM((CH,), jnp.float32),
            pltpu.VMEM((2, CB, dh), jnp.float32),
            pltpu.VMEM((2, cb_pad), jnp.float32),
            pltpu.SemaphoreType.DMA,
            pltpu.SemaphoreType.DMA,
            pltpu.SemaphoreType.DMA,
            pltpu.SemaphoreType.DMA,
        ],
    )


def kernel(x, scale1_cluster_map, scale1_edge_index):
    n, d = x.shape
    cm = scale1_cluster_map.astype(jnp.int32)
    pooled = _build(n, NUM_SEGMENTS, d)(x, cm)
    return pooled, scale1_edge_index

# --- scband reference (transcript-rebuilt; emitter-appended) ---
"""Pipeline reference for scband-cluster-pooling-21406117003594 (READ-ONLY COPY).

The authoritative reference and input builder live on the scoring server;
editing this copy changes nothing except your own understanding.
"""

import jax, jax.numpy as jnp
import numpy as np

N_NODES = 100000
N_CLUSTERS = 25000
D_FEAT = 128
N_COARSE_EDGES = 400000

def setup_inputs(seed: int = 0) -> dict:
    key = jax.random.key(seed)
    k1, k2, k3 = jax.random.split(key, 3)
    x = jax.random.normal(k1, (N_NODES, D_FEAT), dtype=jnp.float32)
    cluster_map = jax.random.randint(k2, (N_NODES,), 0, N_CLUSTERS, dtype=jnp.int64)
    edge_index = jax.random.randint(k3, (2, N_COARSE_EDGES), 0, N_CLUSTERS, dtype=jnp.int64)
    return {"x": x, "scale1_cluster_map": cluster_map, "scale1_edge_index": edge_index}

def reference(x, scale1_cluster_map, scale1_edge_index):
    # ClusterPooling.forward with reduction='mean':
    #   data.x = scatter(data.x, cluster_map, dim=0, reduce='mean')
    #   data.edge_index = coarse edge_index
    seg_sum = jax.ops.segment_sum(x, scale1_cluster_map, num_segments=N_CLUSTERS)
    counts = jax.ops.segment_sum(jnp.ones((x.shape[0],), dtype=x.dtype), scale1_cluster_map, num_segments=N_CLUSTERS)
    denom = jnp.maximum(counts, 1.0)[:, None]
    pooled_x = seg_sum / denom
    return pooled_x, scale1_edge_index

if __name__ == "__main__":
    import jax
    _d = setup_inputs()
    print(jax.jit(kernel)(*tuple(_d.values())))

</pallas_src>

<mosaic_0001>
#map = affine_map<(d0, d1) -> (0, 0)>
#map1 = affine_map<(d0, d1) -> (0)>
module attributes {stable_mosaic.version = 14 : i64} {
  func.func @body(%arg0: i32, %arg1: i32, %arg2: memref<100000x128xf32, #tpu.memory_space<hbm>>, %arg3: memref<100000xi32, #tpu.memory_space<hbm>>, %arg4: memref<25000x128xf32, #tpu.memory_space<hbm>>, %arg5: memref<25000x64xf32, #tpu.memory_space<vmem_shared>>, %arg6: memref<25000xf32, #tpu.memory_space<vmem_shared>>, %arg7: memref<2x128xi32, #tpu.memory_space<vmem>>, %arg8: memref<32xi32, #tpu.memory_space<vmem>>, %arg9: memref<2x128x64xf32, #tpu.memory_space<vmem>>, %arg10: memref<32x64xf32, #tpu.memory_space<vmem>>, %arg11: memref<128xf32, #tpu.memory_space<vmem>>, %arg12: memref<2x40x64xf32, #tpu.memory_space<vmem>>, %arg13: memref<2x64xf32, #tpu.memory_space<vmem>>, %arg14: memref<!tpu.dma_semaphore, #tpu.memory_space<semaphore_mem>>, %arg15: memref<!tpu.dma_semaphore, #tpu.memory_space<semaphore_mem>>, %arg16: memref<!tpu.dma_semaphore, #tpu.memory_space<semaphore_mem>>, %arg17: memref<!tpu.dma_semaphore, #tpu.memory_space<semaphore_mem>>) attributes {dimension_semantics = [#tpu.dimension_semantics<core_parallel>, #tpu.dimension_semantics<subcore_parallel>], iteration_bounds = array<i64: 2, 16>, scalar_prefetch = 0 : i64, scratch_operands = 13 : i64, tpu.core_type = #tpu.core_type<sc_vector_subcore>, window_params = [{transform_indices = #map}, {transform_indices = #map1}, {transform_indices = #map}]} {
    %mul3A = arith.constant 64 : i32
    %mul3A_0 = arith.muli %arg0, %mul3A : i32
    %broadcast_in_dim3A = arith.constant 0.000000e+00 : f32
    %broadcast_in_dim3A_1 = vector.broadcast %broadcast_in_dim3A : f32 to vector<16xf32>
    %broadcast_in_dim3A_2 = arith.constant 1.000000e+00 : f32
    %broadcast_in_dim3A_3 = vector.broadcast %broadcast_in_dim3A_2 : f32 to vector<16xf32>
    %scan3A = arith.constant 0 : i32
    %scan3A_4 = arith.constant 0 : i32
    %scan3A_5 = arith.constant 40 : i32
    %scan3A_6 = arith.addi %scan3A_4, %scan3A_5 : i32
    %scan3A_7 = arith.constant 1 : i32
    %scan3A_8 = scf.for %scan3A_264 = %scan3A_4 to %scan3A_6 step %scan3A_7 iter_args(%scan3A_265 = %scan3A) -> (i32)  : i32 {
      %swap3A_266 = arith.constant 0 : i32
      %swap3A_267 = arith.index_cast %swap3A_266 : i32 to index
      %swap3A_268 = arith.index_cast %scan3A_264 : i32 to index
      %swap3A_269 = arith.constant 0 : index
      %swap3A_270 = tpu.vector_load %arg12[%swap3A_267, %swap3A_268, %swap3A_269] {strides = array<i32>} : memref<2x40x64xf32, #tpu.memory_space<vmem>>, vector<1x1x16xf32>,
      %swap3A_271 = vector.shape_cast %swap3A_270 : vector<1x1x16xf32> to vector<16xf32>
      %swap3A_272 = vector.shape_cast %broadcast_in_dim3A_1 : vector<16xf32> to vector<1x1x16xf32>
      tpu.vector_store %arg12[%swap3A_267, %swap3A_268, %swap3A_269], %swap3A_272 {strides = array<i32>} : memref<2x40x64xf32, #tpu.memory_space<vmem>>, vector<1x1x16xf32>,
      %swap3A_273 = arith.constant 0 : i32
      %swap3A_274 = arith.index_cast %swap3A_273 : i32 to index
      %swap3A_275 = arith.index_cast %scan3A_264 : i32 to index
      %swap3A_276 = arith.constant 16 : index
      %swap3A_277 = tpu.vector_load %arg12[%swap3A_274, %swap3A_275, %swap3A_276] {strides = array<i32>} : memref<2x40x64xf32, #tpu.memory_space<vmem>>, vector<1x1x16xf32>,
      %swap3A_278 = vector.shape_cast %swap3A_277 : vector<1x1x16xf32> to vector<16xf32>
      %swap3A_279 = vector.shape_cast %broadcast_in_dim3A_1 : vector<16xf32> to vector<1x1x16xf32>
      tpu.vector_store %arg12[%swap3A_274, %swap3A_275, %swap3A_276], %swap3A_279 {strides = array<i32>} : memref<2x40x64xf32, #tpu.memory_space<vmem>>, vector<1x1x16xf32>,
      %swap3A_280 = arith.constant 0 : i32
      %swap3A_281 = arith.index_cast %swap3A_280 : i32 to index
      %swap3A_282 = arith.index_cast %scan3A_264 : i32 to index
      %swap3A_283 = arith.constant 32 : index
      %swap3A_284 = tpu.vector_load %arg12[%swap3A_281, %swap3A_282, %swap3A_283] {strides = array<i32>} : memref<2x40x64xf32, #tpu.memory_space<vmem>>, vector<1x1x16xf32>,
      %swap3A_285 = vector.shape_cast %swap3A_284 : vector<1x1x16xf32> to vector<16xf32>
      %swap3A_286 = vector.shape_cast %broadcast_in_dim3A_1 : vector<16xf32> to vector<1x1x16xf32>
      tpu.vector_store %arg12[%swap3A_281, %swap3A_282, %swap3A_283], %swap3A_286 {strides = array<i32>} : memref<2x40x64xf32, #tpu.memory_space<vmem>>, vector<1x1x16xf32>,
      %swap3A_287 = arith.constant 0 : i32
      %swap3A_288 = arith.index_cast %swap3A_287 : i32 to index
      %swap3A_289 = arith.index_cast %scan3A_264 : i32 to index
      %swap3A_290 = arith.constant 48 : index
      %swap3A_291 = tpu.vector_load %arg12[%swap3A_288, %swap3A_289, %swap3A_290] {strides = array<i32>} : memref<2x40x64xf32, #tpu.memory_space<vmem>>, vector<1x1x16xf32>,
      %swap3A_292 = vector.shape_cast %swap3A_291 : vector<1x1x16xf32> to vector<16xf32>
      %swap3A_293 = vector.shape_cast %broadcast_in_dim3A_1 : vector<16xf32> to vector<1x1x16xf32>
      tpu.vector_store %arg12[%swap3A_288, %swap3A_289, %swap3A_290], %swap3A_293 {strides = array<i32>} : memref<2x40x64xf32, #tpu.memory_space<vmem>>, vector<1x1x16xf32>,
      %scan3A_294 = arith.constant 0 : i32
      scf.yield %scan3A_294 : i32
    }
    %scan3A_9 = arith.constant 40 : i32
    %swap3A = arith.constant 0 : i32
    %swap3A_10 = arith.index_cast %swap3A : i32 to index
    %swap3A_11 = arith.constant 0 : index
    %swap3A_12 = tpu.vector_load %arg13[%swap3A_10, %swap3A_11] {strides = array<i32>} : memref<2x64xf32, #tpu.memory_space<vmem>>, vector<1x16xf32>,
    %swap3A_13 = vector.shape_cast %swap3A_12 : vector<1x16xf32> to vector<16xf32>
    %swap3A_14 = vector.shape_cast %broadcast_in_dim3A_1 : vector<16xf32> to vector<1x16xf32>
    tpu.vector_store %arg13[%swap3A_10, %swap3A_11], %swap3A_14 {strides = array<i32>} : memref<2x64xf32, #tpu.memory_space<vmem>>, vector<1x16xf32>,
    %swap3A_15 = arith.constant 0 : i32
    %swap3A_16 = arith.index_cast %swap3A_15 : i32 to index
    %swap3A_17 = arith.constant 16 : index
    %swap3A_18 = tpu.vector_load %arg13[%swap3A_16, %swap3A_17] {strides = array<i32>} : memref<2x64xf32, #tpu.memory_space<vmem>>, vector<1x16xf32>,
    %swap3A_19 = vector.shape_cast %swap3A_18 : vector<1x16xf32> to vector<16xf32>
    %swap3A_20 = vector.shape_cast %broadcast_in_dim3A_1 : vector<16xf32> to vector<1x16xf32>
    tpu.vector_store %arg13[%swap3A_16, %swap3A_17], %swap3A_20 {strides = array<i32>} : memref<2x64xf32, #tpu.memory_space<vmem>>, vector<1x16xf32>,
    %swap3A_21 = arith.constant 0 : i32
    %swap3A_22 = arith.index_cast %swap3A_21 : i32 to index
    %swap3A_23 = arith.constant 32 : index
    %swap3A_24 = tpu.vector_load %arg13[%swap3A_22, %swap3A_23] {strides = array<i32>} : memref<2x64xf32, #tpu.memory_space<vmem>>, vector<1x16xf32>,
    %swap3A_25 = vector.shape_cast %swap3A_24 : vector<1x16xf32> to vector<16xf32>
    %swap3A_26 = vector.shape_cast %broadcast_in_dim3A_1 : vector<16xf32> to vector<1x16xf32>
    tpu.vector_store %arg13[%swap3A_22, %swap3A_23], %swap3A_26 {strides = array<i32>} : memref<2x64xf32, #tpu.memory_space<vmem>>, vector<1x16xf32>,
    %swap3A_27 = arith.constant 0 : i32
    %swap3A_28 = arith.index_cast %swap3A_27 : i32 to index
    %swap3A_29 = arith.constant 48 : index
    %swap3A_30 = tpu.vector_load %arg13[%swap3A_28, %swap3A_29] {strides = array<i32>} : memref<2x64xf32, #tpu.memory_space<vmem>>, vector<1x16xf32>,
    %swap3A_31 = vector.shape_cast %swap3A_30 : vector<1x16xf32> to vector<16xf32>
    %swap3A_32 = vector.shape_cast %broadcast_in_dim3A_1 : vector<16xf32> to vector<1x16xf32>
    tpu.vector_store %arg13[%swap3A_28, %swap3A_29], %swap3A_32 {strides = array<i32>} : memref<2x64xf32, #tpu.memory_space<vmem>>, vector<1x16xf32>,
    %swap3A_33 = arith.constant 1 : i32
    %swap3A_34 = arith.index_cast %swap3A_33 : i32 to index
    %swap3A_35 = arith.constant 0 : index
    %swap3A_36 = tpu.vector_load %arg13[%swap3A_34, %swap3A_35] {strides = array<i32>} : memref<2x64xf32, #tpu.memory_space<vmem>>, vector<1x16xf32>,
    %swap3A_37 = vector.shape_cast %swap3A_36 : vector<1x16xf32> to vector<16xf32>
    %swap3A_38 = vector.shape_cast %broadcast_in_dim3A_1 : vector<16xf32> to vector<1x16xf32>
    tpu.vector_store %arg13[%swap3A_34, %swap3A_35], %swap3A_38 {strides = array<i32>} : memref<2x64xf32, #tpu.memory_space<vmem>>, vector<1x16xf32>,
    %swap3A_39 = arith.constant 1 : i32
    %swap3A_40 = arith.index_cast %swap3A_39 : i32 to index
    %swap3A_41 = arith.constant 16 : index
    %swap3A_42 = tpu.vector_load %arg13[%swap3A_40, %swap3A_41] {strides = array<i32>} : memref<2x64xf32, #tpu.memory_space<vmem>>, vector<1x16xf32>,
    %swap3A_43 = vector.shape_cast %swap3A_42 : vector<1x16xf32> to vector<16xf32>
    %swap3A_44 = vector.shape_cast %broadcast_in_dim3A_1 : vector<16xf32> to vector<1x16xf32>
    tpu.vector_store %arg13[%swap3A_40, %swap3A_41], %swap3A_44 {strides = array<i32>} : memref<2x64xf32, #tpu.memory_space<vmem>>, vector<1x16xf32>,
    %swap3A_45 = arith.constant 1 : i32
    %swap3A_46 = arith.index_cast %swap3A_45 : i32 to index
    %swap3A_47 = arith.constant 32 : index
    %swap3A_48 = tpu.vector_load %arg13[%swap3A_46, %swap3A_47] {strides = array<i32>} : memref<2x64xf32, #tpu.memory_space<vmem>>, vector<1x16xf32>,
    %swap3A_49 = vector.shape_cast %swap3A_48 : vector<1x16xf32> to vector<16xf32>
    %swap3A_50 = vector.shape_cast %broadcast_in_dim3A_1 : vector<16xf32> to vector<1x16xf32>
    tpu.vector_store %arg13[%swap3A_46, %swap3A_47], %swap3A_50 {strides = array<i32>} : memref<2x64xf32, #tpu.memory_space<vmem>>, vector<1x16xf32>,
    %swap3A_51 = arith.constant 1 : i32
    %swap3A_52 = arith.index_cast %swap3A_51 : i32 to index
    %swap3A_53 = arith.constant 48 : index
    %swap3A_54 = tpu.vector_load %arg13[%swap3A_52, %swap3A_53] {strides = array<i32>} : memref<2x64xf32, #tpu.memory_space<vmem>>, vector<1x16xf32>,
    %swap3A_55 = vector.shape_cast %swap3A_54 : vector<1x16xf32> to vector<16xf32>
    %swap3A_56 = vector.shape_cast %broadcast_in_dim3A_1 : vector<16xf32> to vector<1x16xf32>
    tpu.vector_store %arg13[%swap3A_52, %swap3A_53], %swap3A_56 {strides = array<i32>} : memref<2x64xf32, #tpu.memory_space<vmem>>, vector<1x16xf32>,
    %swap3A_57 = arith.constant 0 : index
    %swap3A_58 = tpu.vector_load %arg11[%swap3A_57] {strides = array<i32>} : memref<128xf32, #tpu.memory_space<vmem>>, vector<16xf32>,
    %swap3A_59 = vector.shape_cast %swap3A_58 : vector<16xf32> to vector<16xf32>
    %swap3A_60 = vector.shape_cast %broadcast_in_dim3A_3 : vector<16xf32> to vector<16xf32>
    tpu.vector_store %arg11[%swap3A_57], %swap3A_60 {strides = array<i32>} : memref<128xf32, #tpu.memory_space<vmem>>, vector<16xf32>,
    %swap3A_61 = arith.constant 16 : index
    %swap3A_62 = tpu.vector_load %arg11[%swap3A_61] {strides = array<i32>} : memref<128xf32, #tpu.memory_space<vmem>>, vector<16xf32>,
    %swap3A_63 = vector.shape_cast %swap3A_62 : vector<16xf32> to vector<16xf32>
    %swap3A_64 = vector.shape_cast %broadcast_in_dim3A_3 : vector<16xf32> to vector<16xf32>
    tpu.vector_store %arg11[%swap3A_61], %swap3A_64 {strides = array<i32>} : memref<128xf32, #tpu.memory_space<vmem>>, vector<16xf32>,
    %swap3A_65 = arith.constant 32 : index
    %swap3A_66 = tpu.vector_load %arg11[%swap3A_65] {strides = array<i32>} : memref<128xf32, #tpu.memory_space<vmem>>, vector<16xf32>,
    %swap3A_67 = vector.shape_cast %swap3A_66 : vector<16xf32> to vector<16xf32>
    %swap3A_68 = vector.shape_cast %broadcast_in_dim3A_3 : vector<16xf32> to vector<16xf32>
    tpu.vector_store %arg11[%swap3A_65], %swap3A_68 {strides = array<i32>} : memref<128xf32, #tpu.memory_space<vmem>>, vector<16xf32>,
    %swap3A_69 = arith.constant 48 : index
    %swap3A_70 = tpu.vector_load %arg11[%swap3A_69] {strides = array<i32>} : memref<128xf32, #tpu.memory_space<vmem>>, vector<16xf32>,
    %swap3A_71 = vector.shape_cast %swap3A_70 : vector<16xf32> to vector<16xf32>
    %swap3A_72 = vector.shape_cast %broadcast_in_dim3A_3 : vector<16xf32> to vector<16xf32>
    tpu.vector_store %arg11[%swap3A_69], %swap3A_72 {strides = array<i32>} : memref<128xf32, #tpu.memory_space<vmem>>, vector<16xf32>,
    %swap3A_73 = arith.constant 64 : index
    %swap3A_74 = tpu.vector_load %arg11[%swap3A_73] {strides = array<i32>} : memref<128xf32, #tpu.memory_space<vmem>>, vector<16xf32>,
    %swap3A_75 = vector.shape_cast %swap3A_74 : vector<16xf32> to vector<16xf32>
    %swap3A_76 = vector.shape_cast %broadcast_in_dim3A_3 : vector<16xf32> to vector<16xf32>
    tpu.vector_store %arg11[%swap3A_73], %swap3A_76 {strides = array<i32>} : memref<128xf32, #tpu.memory_space<vmem>>, vector<16xf32>,
    %swap3A_77 = arith.constant 80 : index
    %swap3A_78 = tpu.vector_load %arg11[%swap3A_77] {strides = array<i32>} : memref<128xf32, #tpu.memory_space<vmem>>, vector<16xf32>,
    %swap3A_79 = vector.shape_cast %swap3A_78 : vector<16xf32> to vector<16xf32>
    %swap3A_80 = vector.shape_cast %broadcast_in_dim3A_3 : vector<16xf32> to vector<16xf32>
    tpu.vector_store %arg11[%swap3A_77], %swap3A_80 {strides = array<i32>} : memref<128xf32, #tpu.memory_space<vmem>>, vector<16xf32>,
    %swap3A_81 = arith.constant 96 : index
    %swap3A_82 = tpu.vector_load %arg11[%swap3A_81] {strides = array<i32>} : memref<128xf32, #tpu.memory_space<vmem>>, vector<16xf32>,
    %swap3A_83 = vector.shape_cast %swap3A_82 : vector<16xf32> to vector<16xf32>
    %swap3A_84 = vector.shape_cast %broadcast_in_dim3A_3 : vector<16xf32> to vector<16xf32>
    tpu.vector_store %arg11[%swap3A_81], %swap3A_84 {strides = array<i32>} : memref<128xf32, #tpu.memory_space<vmem>>, vector<16xf32>,
    %swap3A_85 = arith.constant 112 : index
    %swap3A_86 = tpu.vector_load %arg11[%swap3A_85] {strides = array<i32>} : memref<128xf32, #tpu.memory_space<vmem>>, vector<16xf32>,
    %swap3A_87 = vector.shape_cast %swap3A_86 : vector<16xf32> to vector<16xf32>
    %swap3A_88 = vector.shape_cast %broadcast_in_dim3A_3 : vector<16xf32> to vector<16xf32>
    tpu.vector_store %arg11[%swap3A_85], %swap3A_88 {strides = array<i32>} : memref<128xf32, #tpu.memory_space<vmem>>, vector<16xf32>,
    %mul3A_89 = arith.constant 781 : i32
    %mul3A_90 = arith.muli %arg1, %mul3A_89 : i32
    %jit3A = arith.constant 16 : i32
    %div3A = arith.divsi %mul3A_90, %jit3A : i32
    %sign3A = arith.constant 0 : i32
    %sign3A_91 = arith.cmpi sgt, %mul3A_90, %sign3A : i32
    %sign3A_92 = arith.extui %sign3A_91 : i1 to i32
    %sign3A_93 = arith.constant 0 : i32
    %sign3A_94 = arith.cmpi slt, %mul3A_90, %sign3A_93 : i32
    %sign3A_95 = arith.extui %sign3A_94 : i1 to i32
    %sign3A_96 = arith.subi %sign3A_92, %sign3A_95 : i32
    %sign3A_97 = arith.constant 0 : i32
    %sign3A_98 = arith.cmpi sgt, %jit3A, %sign3A_97 : i32
    %sign3A_99 = arith.extui %sign3A_98 : i1 to i32
    %sign3A_100 = arith.constant 0 : i32
    %sign3A_101 = arith.cmpi slt, %jit3A, %sign3A_100 : i32
    %sign3A_102 = arith.extui %sign3A_101 : i1 to i32
    %sign3A_103 = arith.subi %sign3A_99, %sign3A_102 : i32
    %ne3A = arith.cmpi ne, %sign3A_96, %sign3A_103 : i32
    %rem3A = arith.remsi %mul3A_90, %jit3A : i32
    %ne3A_104 = arith.constant 0 : i32
    %ne3A_105 = arith.cmpi ne, %rem3A, %ne3A_104 : i32
    %and3A = arith.andi %ne3A, %ne3A_105 : i1
    %sub3A = arith.constant 1 : i32
    %sub3A_106 = arith.subi %div3A, %sub3A : i32
    %select_n3A = arith.select %and3A, %sub3A_106, %div3A : i32
    %add3A = arith.constant 1 : i32
    %add3A_107 = arith.addi %arg1, %add3A : i32
    %mul3A_108 = arith.constant 781 : i32
    %mul3A_109 = arith.muli %add3A_107, %mul3A_108 : i32
    %jit3A_110 = arith.constant 16 : i32
    %div3A_111 = arith.divsi %mul3A_109, %jit3A_110 : i32
    %sign3A_112 = arith.constant 0 : i32
    %sign3A_113 = arith.cmpi sgt, %mul3A_109, %sign3A_112 : i32
    %sign3A_114 = arith.extui %sign3A_113 : i1 to i32
    %sign3A_115 = arith.constant 0 : i32
    %sign3A_116 = arith.cmpi slt, %mul3A_109, %sign3A_115 : i32
    %sign3A_117 = arith.extui %sign3A_116 : i1 to i32
    %sign3A_118 = arith.subi %sign3A_114, %sign3A_117 : i32
    %sign3A_119 = arith.constant 0 : i32
    %sign3A_120 = arith.cmpi sgt, %jit3A_110, %sign3A_119 : i32
    %sign3A_121 = arith.extui %sign3A_120 : i1 to i32
    %sign3A_122 = arith.constant 0 : i32
    %sign3A_123 = arith.cmpi slt, %jit3A_110, %sign3A_122 : i32
    %sign3A_124 = arith.extui %sign3A_123 : i1 to i32
    %sign3A_125 = arith.subi %sign3A_121, %sign3A_124 : i32
    %ne3A_126 = arith.cmpi ne, %sign3A_118, %sign3A_125 : i32
    %rem3A_127 = arith.remsi %mul3A_109, %jit3A_110 : i32
    %ne3A_128 = arith.constant 0 : i32
    %ne3A_129 = arith.cmpi ne, %rem3A_127, %ne3A_128 : i32
    %and3A_130 = arith.andi %ne3A_126, %ne3A_129 : i1
    %sub3A_131 = arith.constant 1 : i32
    %sub3A_132 = arith.subi %div3A_111, %sub3A_131 : i32
    %select_n3A_133 = arith.select %and3A_130, %sub3A_132, %div3A_111 : i32
    %lt3A = arith.cmpi slt, %select_n3A, %select_n3A_133 : i32
    %convert_element_type3A = arith.extui %lt3A : i1 to i32
    %cond3A = arith.constant 0 : i32
    %cond3A_134 = arith.cmpi ne, %convert_element_type3A, %cond3A : i32
    scf.if %cond3A_134 {
      %mul3A_264 = arith.constant 128 : i32
      %mul3A_265 = arith.muli %select_n3A, %mul3A_264 : i32
      %dma_start3A = arith.constant 0 : i32
      %dma_start3A_266 = arith.constant 0 : i32
      %dma_start3A_267 = tpu.memref_slice %arg7[%dma_start3A, %dma_start3A_266] : memref<2x128xi32, #tpu.memory_space<vmem>> -> memref<1x128xi32, #tpu.memory_space<vmem>>
      %dma_start3A_268 = tpu.memref_squeeze %dma_start3A_267 : memref<1x128xi32, #tpu.memory_space<vmem>> -> memref<128xi32, #tpu.memory_space<vmem>>
      %dma_start3A_269 = tpu.memref_slice %arg3[%mul3A_265] : memref<100000xi32, #tpu.memory_space<hbm>> -> memref<128xi32, #tpu.memory_space<hbm>>
      %dma_start3A_270 = arith.constant 0 : i32
      %dma_start3A_271 = tpu.memref_slice %arg7[%dma_start3A, %dma_start3A_270] : memref<2x128xi32, #tpu.memory_space<vmem>> -> memref<1x128xi32, #tpu.memory_space<vmem>>
      %dma_start3A_272 = tpu.memref_squeeze %dma_start3A_271 : memref<1x128xi32, #tpu.memory_space<vmem>> -> memref<128xi32, #tpu.memory_space<vmem>>
      %dma_start3A_273 = tpu.memref_slice %arg3[%mul3A_265] : memref<100000xi32, #tpu.memory_space<hbm>> -> memref<128xi32, #tpu.memory_space<hbm>>
      tpu.enqueue_dma source(%dma_start3A_273 : memref<128xi32, #tpu.memory_space<hbm>>) target(%dma_start3A_272 : memref<128xi32, #tpu.memory_space<vmem>>) target_semaphore(%arg14 : memref<!tpu.dma_semaphore, #tpu.memory_space<semaphore_mem>>)
      %dma_start3A_274 = arith.constant 0 : i32
      %dma_start3A_275 = arith.constant 0 : i32
      %dma_start3A_276 = arith.constant 0 : i32
      %dma_start3A_277 = tpu.memref_slice %arg9[%dma_start3A_274, %dma_start3A_275, %dma_start3A_276] : memref<2x128x64xf32, #tpu.memory_space<vmem>> -> memref<1x128x64xf32, #tpu.memory_space<vmem>>
      %dma_start3A_278 = tpu.memref_squeeze %dma_start3A_277 : memref<1x128x64xf32, #tpu.memory_space<vmem>> -> memref<128x64xf32, #tpu.memory_space<vmem>>
      %dma_start3A_279 = tpu.memref_slice %arg2[%mul3A_265, %mul3A_0] : memref<100000x128xf32, #tpu.memory_space<hbm>> -> memref<128x64xf32, #tpu.memory_space<hbm>>
      %dma_start3A_280 = arith.constant 0 : i32
      %dma_start3A_281 = arith.constant 0 : i32
      %dma_start3A_282 = tpu.memref_slice %arg9[%dma_start3A_274, %dma_start3A_280, %dma_start3A_281] : memref<2x128x64xf32, #tpu.memory_space<vmem>> -> memref<1x128x64xf32, #tpu.memory_space<vmem>>
      %dma_start3A_283 = tpu.memref_squeeze %dma_start3A_282 : memref<1x128x64xf32, #tpu.memory_space<vmem>> -> memref<128x64xf32, #tpu.memory_space<vmem>>
      %dma_start3A_284 = tpu.memref_slice %arg2[%mul3A_265, %mul3A_0] : memref<100000x128xf32, #tpu.memory_space<hbm>> -> memref<128x64xf32, #tpu.memory_space<hbm>>
      tpu.enqueue_dma source(%dma_start3A_284 : memref<128x64xf32, #tpu.memory_space<hbm>>) target(%dma_start3A_283 : memref<128x64xf32, #tpu.memory_space<vmem>>) target_semaphore(%arg14 : memref<!tpu.dma_semaphore, #tpu.memory_space<semaphore_mem>>)
    } else {
    }
    %mul3A_135 = arith.constant 625 : i32
    %mul3A_136 = arith.muli %arg1, %mul3A_135 : i32
    %jit3A_137 = arith.constant 16 : i32
    %div3A_138 = arith.divsi %mul3A_136, %jit3A_137 : i32
    %sign3A_139 = arith.constant 0 : i32
    %sign3A_140 = arith.cmpi sgt, %mul3A_136, %sign3A_139 : i32
    %sign3A_141 = arith.extui %sign3A_140 : i1 to i32
    %sign3A_142 = arith.constant 0 : i32
    %sign3A_143 = arith.cmpi slt, %mul3A_136, %sign3A_142 : i32
    %sign3A_144 = arith.extui %sign3A_143 : i1 to i32
    %sign3A_145 = arith.subi %sign3A_141, %sign3A_144 : i32
    %sign3A_146 = arith.constant 0 : i32
    %sign3A_147 = arith.cmpi sgt, %jit3A_137, %sign3A_146 : i32
    %sign3A_148 = arith.extui %sign3A_147 : i1 to i32
    %sign3A_149 = arith.constant 0 : i32
    %sign3A_150 = arith.cmpi slt, %jit3A_137, %sign3A_149 : i32
    %sign3A_151 = arith.extui %sign3A_150 : i1 to i32
    %sign3A_152 = arith.subi %sign3A_148, %sign3A_151 : i32
    %ne3A_153 = arith.cmpi ne, %sign3A_145, %sign3A_152 : i32
    %rem3A_154 = arith.remsi %mul3A_136, %jit3A_137 : i32
    %ne3A_155 = arith.constant 0 : i32
    %ne3A_156 = arith.cmpi ne, %rem3A_154, %ne3A_155 : i32
    %and3A_157 = arith.andi %ne3A_153, %ne3A_156 : i1
    %sub3A_158 = arith.constant 1 : i32
    %sub3A_159 = arith.subi %div3A_138, %sub3A_158 : i32
    %select_n3A_160 = arith.select %and3A_157, %sub3A_159, %div3A_138 : i32
    %add3A_161 = arith.constant 1 : i32
    %add3A_162 = arith.addi %arg1, %add3A_161 : i32
    %mul3A_163 = arith.constant 625 : i32
    %mul3A_164 = arith.muli %add3A_162, %mul3A_163 : i32
    %jit3A_165 = arith.constant 16 : i32
    %div3A_166 = arith.divsi %mul3A_164, %jit3A_165 : i32
    %sign3A_167 = arith.constant 0 : i32
    %sign3A_168 = arith.cmpi sgt, %mul3A_164, %sign3A_167 : i32
    %sign3A_169 = arith.extui %sign3A_168 : i1 to i32
    %sign3A_170 = arith.constant 0 : i32
    %sign3A_171 = arith.cmpi slt, %mul3A_164, %sign3A_170 : i32
    %sign3A_172 = arith.extui %sign3A_171 : i1 to i32
    %sign3A_173 = arith.subi %sign3A_169, %sign3A_172 : i32
    %sign3A_174 = arith.constant 0 : i32
    %sign3A_175 = arith.cmpi sgt, %jit3A_165, %sign3A_174 : i32
    %sign3A_176 = arith.extui %sign3A_175 : i1 to i32
    %sign3A_177 = arith.constant 0 : i32
    %sign3A_178 = arith.cmpi slt, %jit3A_165, %sign3A_177 : i32
    %sign3A_179 = arith.extui %sign3A_178 : i1 to i32
    %sign3A_180 = arith.subi %sign3A_176, %sign3A_179 : i32
    %ne3A_181 = arith.cmpi ne, %sign3A_173, %sign3A_180 : i32
    %rem3A_182 = arith.remsi %mul3A_164, %jit3A_165 : i32
    %ne3A_183 = arith.constant 0 : i32
    %ne3A_184 = arith.cmpi ne, %rem3A_182, %ne3A_183 : i32
    %and3A_185 = arith.andi %ne3A_181, %ne3A_184 : i1
    %sub3A_186 = arith.constant 1 : i32
    %sub3A_187 = arith.subi %div3A_166, %sub3A_186 : i32
    %select_n3A_188 = arith.select %and3A_185, %sub3A_187, %div3A_166 : i32
    %while3A = arith.constant 0 : i32
    "tpu.trace_start"() <{level = 10 : i32, message = "zero_phase"}> : () -> ()
    %while3A_189 = arith.subi %select_n3A_188, %select_n3A_160 : i32
    %while3A_190 = arith.addi %select_n3A_160, %while3A_189 : i32
    %while3A_191 = arith.constant 1 : i32
    %while3A_192 = arith.divsi %while3A_189, %while3A_191 : i32
    %while3A_193 = arith.muli %while3A_192, %while3A_191 : i32
    %while3A_194 = arith.addi %select_n3A_160, %while3A_193 : i32
    %while3A_195 = arith.constant 1 : i32
    %while3A_196 = scf.for %while3A_264 = %select_n3A_160 to %while3A_194 step %while3A_195 iter_args(%while3A_265 = %while3A) -> (i32)  : i32 {
      %mul3A_266 = arith.constant 40 : i32
      %mul3A_267 = arith.muli %while3A_264, %mul3A_266 : i32
      %dma_start3A = arith.constant 0 : i32
      %dma_start3A_268 = arith.constant 0 : i32
      %dma_start3A_269 = arith.constant 0 : i32
      %dma_start3A_270 = tpu.memref_slice %arg12[%dma_start3A, %dma_start3A_268, %dma_start3A_269] : memref<2x40x64xf32, #tpu.memory_space<vmem>> -> memref<1x40x64xf32, #tpu.memory_space<vmem>>
      %dma_start3A_271 = tpu.memref_squeeze %dma_start3A_270 : memref<1x40x64xf32, #tpu.memory_space<vmem>> -> memref<40x64xf32, #tpu.memory_space<vmem>>
      %dma_start3A_272 = arith.constant 0 : i32
      %dma_start3A_273 = tpu.memref_slice %arg5[%mul3A_267, %dma_start3A_272] : memref<25000x64xf32, #tpu.memory_space<vmem_shared>> -> memref<40x64xf32, #tpu.memory_space<vmem_shared>>
      %dma_start3A_274 = arith.constant 0 : i32
      %dma_start3A_275 = tpu.memref_slice %arg5[%mul3A_267, %dma_start3A_274] : memref<25000x64xf32, #tpu.memory_space<vmem_shared>> -> memref<40x64xf32, #tpu.memory_space<vmem_shared>>
      %dma_start3A_276 = arith.constant 0 : i32
      %dma_start3A_277 = arith.constant 0 : i32
      %dma_start3A_278 = tpu.memref_slice %arg12[%dma_start3A, %dma_start3A_276, %dma_start3A_277] : memref<2x40x64xf32, #tpu.memory_space<vmem>> -> memref<1x40x64xf32, #tpu.memory_space<vmem>>
      %dma_start3A_279 = tpu.memref_squeeze %dma_start3A_278 : memref<1x40x64xf32, #tpu.memory_space<vmem>> -> memref<40x64xf32, #tpu.memory_space<vmem>>
      tpu.enqueue_dma source(%dma_start3A_279 : memref<40x64xf32, #tpu.memory_space<vmem>>) target(%dma_start3A_275 : memref<40x64xf32, #tpu.memory_space<vmem_shared>>) target_semaphore(%arg16 : memref<!tpu.dma_semaphore, #tpu.memory_space<semaphore_mem>>)
      %dma_start3A_280 = arith.constant 0 : i32
      %dma_start3A_281 = arith.constant 0 : i32
      %dma_start3A_282 = tpu.memref_slice %arg13[%dma_start3A_280, %dma_start3A_281] : memref<2x64xf32, #tpu.memory_space<vmem>> -> memref<1x40xf32, #tpu.memory_space<vmem>>
      %dma_start3A_283 = tpu.memref_squeeze %dma_start3A_282 : memref<1x40xf32, #tpu.memory_space<vmem>> -> memref<40xf32, #tpu.memory_space<vmem>>
      %dma_start3A_284 = tpu.memref_slice %arg6[%mul3A_267] : memref<25000xf32, #tpu.memory_space<vmem_shared>> -> memref<40xf32, #tpu.memory_space<vmem_shared>>
      %dma_start3A_285 = tpu.memref_slice %arg6[%mul3A_267] : memref<25000xf32, #tpu.memory_space<vmem_shared>> -> memref<40xf32, #tpu.memory_space<vmem_shared>>
      %dma_start3A_286 = arith.constant 0 : i32
      %dma_start3A_287 = tpu.memref_slice %arg13[%dma_start3A_280, %dma_start3A_286] : memref<2x64xf32, #tpu.memory_space<vmem>> -> memref<1x40xf32, #tpu.memory_space<vmem>>
      %dma_start3A_288 = tpu.memref_squeeze %dma_start3A_287 : memref<1x40xf32, #tpu.memory_space<vmem>> -> memref<40xf32, #tpu.memory_space<vmem>>
      tpu.enqueue_dma source(%dma_start3A_288 : memref<40xf32, #tpu.memory_space<vmem>>) target(%dma_start3A_285 : memref<40xf32, #tpu.memory_space<vmem_shared>>) target_semaphore(%arg16 : memref<!tpu.dma_semaphore, #tpu.memory_space<semaphore_mem>>)
      %sub3A_289 = arith.constant 6 : i32
      %sub3A_290 = arith.subi %while3A_264, %sub3A_289 : i32
      %ge3A_291 = arith.cmpi sge, %sub3A_290, %select_n3A_160 : i32
      %convert_element_type3A_292 = arith.extui %ge3A_291 : i1 to i32
      %cond3A_293 = arith.constant 0 : i32
      %cond3A_294 = arith.cmpi ne, %convert_element_type3A_292, %cond3A_293 : i32
      scf.if %cond3A_294 {
        %sub3A_296 = arith.constant 6 : i32
        %sub3A_297 = arith.subi %while3A_264, %sub3A_296 : i32
        %mul3A_298 = arith.constant 40 : i32
        %mul3A_299 = arith.muli %sub3A_297, %mul3A_298 : i32
        %dma_wait3A = arith.constant 0 : i32
        %dma_wait3A_300 = arith.constant 0 : i32
        %dma_wait3A_301 = arith.constant 0 : i32
        %dma_wait3A_302 = tpu.memref_slice %arg12[%dma_wait3A, %dma_wait3A_300, %dma_wait3A_301] : memref<2x40x64xf32, #tpu.memory_space<vmem>> -> memref<1x40x64xf32, #tpu.memory_space<vmem>>
        %dma_wait3A_303 = tpu.memref_squeeze %dma_wait3A_302 : memref<1x40x64xf32, #tpu.memory_space<vmem>> -> memref<40x64xf32, #tpu.memory_space<vmem>>
        %dma_wait3A_304 = arith.constant 0 : i32
        %dma_wait3A_305 = tpu.memref_slice %arg5[%mul3A_299, %dma_wait3A_304] : memref<25000x64xf32, #tpu.memory_space<vmem_shared>> -> memref<40x64xf32, #tpu.memory_space<vmem_shared>>
        %dma_wait3A_306 = arith.constant 0 : i32
        %dma_wait3A_307 = tpu.memref_slice %arg5[%mul3A_299, %dma_wait3A_306] : memref<25000x64xf32, #tpu.memory_space<vmem_shared>> -> memref<40x64xf32, #tpu.memory_space<vmem_shared>>
        %dma_wait3A_308 = arith.constant 0 : i32
        %dma_wait3A_309 = arith.constant 0 : i32
        %dma_wait3A_310 = tpu.memref_slice %arg12[%dma_wait3A, %dma_wait3A_308, %dma_wait3A_309] : memref<2x40x64xf32, #tpu.memory_space<vmem>> -> memref<1x40x64xf32, #tpu.memory_space<vmem>>
        %dma_wait3A_311 = tpu.memref_squeeze %dma_wait3A_310 : memref<1x40x64xf32, #tpu.memory_space<vmem>> -> memref<40x64xf32, #tpu.memory_space<vmem>>
        tpu.wait_dma2 semaphore(%arg16 : memref<!tpu.dma_semaphore, #tpu.memory_space<semaphore_mem>>) src(%dma_wait3A_311 : memref<40x64xf32, #tpu.memory_space<vmem>>) dst(%dma_wait3A_307 : memref<40x64xf32, #tpu.memory_space<vmem_shared>>)
        %dma_wait3A_312 = arith.constant 0 : i32
        %dma_wait3A_313 = arith.constant 0 : i32
        %dma_wait3A_314 = tpu.memref_slice %arg13[%dma_wait3A_312, %dma_wait3A_313] : memref<2x64xf32, #tpu.memory_space<vmem>> -> memref<1x40xf32, #tpu.memory_space<vmem>>
        %dma_wait3A_315 = tpu.memref_squeeze %dma_wait3A_314 : memref<1x40xf32, #tpu.memory_space<vmem>> -> memref<40xf32, #tpu.memory_space<vmem>>
        %dma_wait3A_316 = tpu.memref_slice %arg6[%mul3A_299] : memref<25000xf32, #tpu.memory_space<vmem_shared>> -> memref<40xf32, #tpu.memory_space<vmem_shared>>
        %dma_wait3A_317 = tpu.memref_slice %arg6[%mul3A_299] : memref<25000xf32, #tpu.memory_space<vmem_shared>> -> memref<40xf32, #tpu.memory_space<vmem_shared>>
        %dma_wait3A_318 = arith.constant 0 : i32
        %dma_wait3A_319 = tpu.memref_slice %arg13[%dma_wait3A_312, %dma_wait3A_318] : memref<2x64xf32, #tpu.memory_space<vmem>> -> memref<1x40xf32, #tpu.memory_space<vmem>>
        %dma_wait3A_320 = tpu.memref_squeeze %dma_wait3A_319 : memref<1x40xf32, #tpu.memory_space<vmem>> -> memref<40xf32, #tpu.memory_space<vmem>>
        tpu.wait_dma2 semaphore(%arg16 : memref<!tpu.dma_semaphore, #tpu.memory_space<semaphore_mem>>) src(%dma_wait3A_320 : memref<40xf32, #tpu.memory_space<vmem>>) dst(%dma_wait3A_317 : memref<40xf32, #tpu.memory_space<vmem_shared>>)
      } else {
      }
      %while3A_295 = arith.constant 0 : i32
      scf.yield %while3A_295 : i32
    }
    %while3A_197 = arith.constant 1 : i32
    %while3A_198 = scf.for %while3A_264 = %while3A_194 to %while3A_190 step %while3A_197 iter_args(%while3A_265 = %while3A_196) -> (i32)  : i32 {
      %mul3A_266 = arith.constant 40 : i32
      %mul3A_267 = arith.muli %while3A_264, %mul3A_266 : i32
      %dma_start3A = arith.constant 0 : i32
      %dma_start3A_268 = arith.constant 0 : i32
      %dma_start3A_269 = arith.constant 0 : i32
      %dma_start3A_270 = tpu.memref_slice %arg12[%dma_start3A, %dma_start3A_268, %dma_start3A_269] : memref<2x40x64xf32, #tpu.memory_space<vmem>> -> memref<1x40x64xf32, #tpu.memory_space<vmem>>
      %dma_start3A_271 = tpu.memref_squeeze %dma_start3A_270 : memref<1x40x64xf32, #tpu.memory_space<vmem>> -> memref<40x64xf32, #tpu.memory_space<vmem>>
      %dma_start3A_272 = arith.constant 0 : i32
      %dma_start3A_273 = tpu.memref_slice %arg5[%mul3A_267, %dma_start3A_272] : memref<25000x64xf32, #tpu.memory_space<vmem_shared>> -> memref<40x64xf32, #tpu.memory_space<vmem_shared>>
      %dma_start3A_274 = arith.constant 0 : i32
      %dma_start3A_275 = tpu.memref_slice %arg5[%mul3A_267, %dma_start3A_274] : memref<25000x64xf32, #tpu.memory_space<vmem_shared>> -> memref<40x64xf32, #tpu.memory_space<vmem_shared>>
      %dma_start3A_276 = arith.constant 0 : i32
      %dma_start3A_277 = arith.constant 0 : i32
      %dma_start3A_278 = tpu.memref_slice %arg12[%dma_start3A, %dma_start3A_276, %dma_start3A_277] : memref<2x40x64xf32, #tpu.memory_space<vmem>> -> memref<1x40x64xf32, #tpu.memory_space<vmem>>
      %dma_start3A_279 = tpu.memref_squeeze %dma_start3A_278 : memref<1x40x64xf32, #tpu.memory_space<vmem>> -> memref<40x64xf32, #tpu.memory_space<vmem>>
      tpu.enqueue_dma source(%dma_start3A_279 : memref<40x64xf32, #tpu.memory_space<vmem>>) target(%dma_start3A_275 : memref<40x64xf32, #tpu.memory_space<vmem_shared>>) target_semaphore(%arg16 : memref<!tpu.dma_semaphore, #tpu.memory_space<semaphore_mem>>)
      %dma_start3A_280 = arith.constant 0 : i32
      %dma_start3A_281 = arith.constant 0 : i32
      %dma_start3A_282 = tpu.memref_slice %arg13[%dma_start3A_280, %dma_start3A_281] : memref<2x64xf32, #tpu.memory_space<vmem>> -> memref<1x40xf32, #tpu.memory_space<vmem>>
      %dma_start3A_283 = tpu.memref_squeeze %dma_start3A_282 : memref<1x40xf32, #tpu.memory_space<vmem>> -> memref<40xf32, #tpu.memory_space<vmem>>
      %dma_start3A_284 = tpu.memref_slice %arg6[%mul3A_267] : memref<25000xf32, #tpu.memory_space<vmem_shared>> -> memref<40xf32, #tpu.memory_space<vmem_shared>>
      %dma_start3A_285 = tpu.memref_slice %arg6[%mul3A_267] : memref<25000xf32, #tpu.memory_space<vmem_shared>> -> memref<40xf32, #tpu.memory_space<vmem_shared>>
      %dma_start3A_286 = arith.constant 0 : i32
      %dma_start3A_287 = tpu.memref_slice %arg13[%dma_start3A_280, %dma_start3A_286] : memref<2x64xf32, #tpu.memory_space<vmem>> -> memref<1x40xf32, #tpu.memory_space<vmem>>
      %dma_start3A_288 = tpu.memref_squeeze %dma_start3A_287 : memref<1x40xf32, #tpu.memory_space<vmem>> -> memref<40xf32, #tpu.memory_space<vmem>>
      tpu.enqueue_dma source(%dma_start3A_288 : memref<40xf32, #tpu.memory_space<vmem>>) target(%dma_start3A_285 : memref<40xf32, #tpu.memory_space<vmem_shared>>) target_semaphore(%arg16 : memref<!tpu.dma_semaphore, #tpu.memory_space<semaphore_mem>>)
      %sub3A_289 = arith.constant 6 : i32
      %sub3A_290 = arith.subi %while3A_264, %sub3A_289 : i32
      %ge3A_291 = arith.cmpi sge, %sub3A_290, %select_n3A_160 : i32
      %convert_element_type3A_292 = arith.extui %ge3A_291 : i1 to i32
      %cond3A_293 = arith.constant 0 : i32
      %cond3A_294 = arith.cmpi ne, %convert_element_type3A_292, %cond3A_293 : i32
      scf.if %cond3A_294 {
        %sub3A_296 = arith.constant 6 : i32
        %sub3A_297 = arith.subi %while3A_264, %sub3A_296 : i32
        %mul3A_298 = arith.constant 40 : i32
        %mul3A_299 = arith.muli %sub3A_297, %mul3A_298 : i32
        %dma_wait3A = arith.constant 0 : i32
        %dma_wait3A_300 = arith.constant 0 : i32
        %dma_wait3A_301 = arith.constant 0 : i32
        %dma_wait3A_302 = tpu.memref_slice %arg12[%dma_wait3A, %dma_wait3A_300, %dma_wait3A_301] : memref<2x40x64xf32, #tpu.memory_space<vmem>> -> memref<1x40x64xf32, #tpu.memory_space<vmem>>
        %dma_wait3A_303 = tpu.memref_squeeze %dma_wait3A_302 : memref<1x40x64xf32, #tpu.memory_space<vmem>> -> memref<40x64xf32, #tpu.memory_space<vmem>>
        %dma_wait3A_304 = arith.constant 0 : i32
        %dma_wait3A_305 = tpu.memref_slice %arg5[%mul3A_299, %dma_wait3A_304] : memref<25000x64xf32, #tpu.memory_space<vmem_shared>> -> memref<40x64xf32, #tpu.memory_space<vmem_shared>>
        %dma_wait3A_306 = arith.constant 0 : i32
        %dma_wait3A_307 = tpu.memref_slice %arg5[%mul3A_299, %dma_wait3A_306] : memref<25000x64xf32, #tpu.memory_space<vmem_shared>> -> memref<40x64xf32, #tpu.memory_space<vmem_shared>>
        %dma_wait3A_308 = arith.constant 0 : i32
        %dma_wait3A_309 = arith.constant 0 : i32
        %dma_wait3A_310 = tpu.memref_slice %arg12[%dma_wait3A, %dma_wait3A_308, %dma_wait3A_309] : memref<2x40x64xf32, #tpu.memory_space<vmem>> -> memref<1x40x64xf32, #tpu.memory_space<vmem>>
        %dma_wait3A_311 = tpu.memref_squeeze %dma_wait3A_310 : memref<1x40x64xf32, #tpu.memory_space<vmem>> -> memref<40x64xf32, #tpu.memory_space<vmem>>
        tpu.wait_dma2 semaphore(%arg16 : memref<!tpu.dma_semaphore, #tpu.memory_space<semaphore_mem>>) src(%dma_wait3A_311 : memref<40x64xf32, #tpu.memory_space<vmem>>) dst(%dma_wait3A_307 : memref<40x64xf32, #tpu.memory_space<vmem_shared>>)
        %dma_wait3A_312 = arith.constant 0 : i32
        %dma_wait3A_313 = arith.constant 0 : i32
        %dma_wait3A_314 = tpu.memref_slice %arg13[%dma_wait3A_312, %dma_wait3A_313] : memref<2x64xf32, #tpu.memory_space<vmem>> -> memref<1x40xf32, #tpu.memory_space<vmem>>
        %dma_wait3A_315 = tpu.memref_squeeze %dma_wait3A_314 : memref<1x40xf32, #tpu.memory_space<vmem>> -> memref<40xf32, #tpu.memory_space<vmem>>
        %dma_wait3A_316 = tpu.memref_slice %arg6[%mul3A_299] : memref<25000xf32, #tpu.memory_space<vmem_shared>> -> memref<40xf32, #tpu.memory_space<vmem_shared>>
        %dma_wait3A_317 = tpu.memref_slice %arg6[%mul3A_299] : memref<25000xf32, #tpu.memory_space<vmem_shared>> -> memref<40xf32, #tpu.memory_space<vmem_shared>>
        %dma_wait3A_318 = arith.constant 0 : i32
        %dma_wait3A_319 = tpu.memref_slice %arg13[%dma_wait3A_312, %dma_wait3A_318] : memref<2x64xf32, #tpu.memory_space<vmem>> -> memref<1x40xf32, #tpu.memory_space<vmem>>
        %dma_wait3A_320 = tpu.memref_squeeze %dma_wait3A_319 : memref<1x40xf32, #tpu.memory_space<vmem>> -> memref<40xf32, #tpu.memory_space<vmem>>
        tpu.wait_dma2 semaphore(%arg16 : memref<!tpu.dma_semaphore, #tpu.memory_space<semaphore_mem>>) src(%dma_wait3A_320 : memref<40xf32, #tpu.memory_space<vmem>>) dst(%dma_wait3A_317 : memref<40xf32, #tpu.memory_space<vmem_shared>>)
      } else {
      }
      %while3A_295 = arith.constant 0 : i32
      scf.yield %while3A_295 : i32
    }
    %sub3A_199 = arith.constant 6 : i32
    %sub3A_200 = arith.subi %select_n3A_188, %sub3A_199 : i32
    %max3A = arith.maxsi %select_n3A_160, %sub3A_200 : i32
    %while3A_201 = arith.constant 0 : i32
    %while3A_202 = arith.subi %select_n3A_188, %max3A : i32
    %while3A_203 = arith.addi %max3A, %while3A_202 : i32
    %while3A_204 = arith.constant 1 : i32
    %while3A_205 = arith.divsi %while3A_202, %while3A_204 : i32
    %while3A_206 = arith.muli %while3A_205, %while3A_204 : i32
    %while3A_207 = arith.addi %max3A, %while3A_206 : i32
    %while3A_208 = arith.constant 1 : i32
    %while3A_209 = scf.for %while3A_264 = %max3A to %while3A_207 step %while3A_208 iter_args(%while3A_265 = %while3A_201) -> (i32)  : i32 {
      %mul3A_266 = arith.constant 40 : i32
      %mul3A_267 = arith.muli %while3A_264, %mul3A_266 : i32
      %dma_wait3A = arith.constant 0 : i32
      %dma_wait3A_268 = arith.constant 0 : i32
      %dma_wait3A_269 = arith.constant 0 : i32
      %dma_wait3A_270 = tpu.memref_slice %arg12[%dma_wait3A, %dma_wait3A_268, %dma_wait3A_269] : memref<2x40x64xf32, #tpu.memory_space<vmem>> -> memref<1x40x64xf32, #tpu.memory_space<vmem>>
      %dma_wait3A_271 = tpu.memref_squeeze %dma_wait3A_270 : memref<1x40x64xf32, #tpu.memory_space<vmem>> -> memref<40x64xf32, #tpu.memory_space<vmem>>
      %dma_wait3A_272 = arith.constant 0 : i32
      %dma_wait3A_273 = tpu.memref_slice %arg5[%mul3A_267, %dma_wait3A_272] : memref<25000x64xf32, #tpu.memory_space<vmem_shared>> -> memref<40x64xf32, #tpu.memory_space<vmem_shared>>
      %dma_wait3A_274 = arith.constant 0 : i32
      %dma_wait3A_275 = tpu.memref_slice %arg5[%mul3A_267, %dma_wait3A_274] : memref<25000x64xf32, #tpu.memory_space<vmem_shared>> -> memref<40x64xf32, #tpu.memory_space<vmem_shared>>
      %dma_wait3A_276 = arith.constant 0 : i32
      %dma_wait3A_277 = arith.constant 0 : i32
      %dma_wait3A_278 = tpu.memref_slice %arg12[%dma_wait3A, %dma_wait3A_276, %dma_wait3A_277] : memref<2x40x64xf32, #tpu.memory_space<vmem>> -> memref<1x40x64xf32, #tpu.memory_space<vmem>>
      %dma_wait3A_279 = tpu.memref_squeeze %dma_wait3A_278 : memref<1x40x64xf32, #tpu.memory_space<vmem>> -> memref<40x64xf32, #tpu.memory_space<vmem>>
      tpu.wait_dma2 semaphore(%arg16 : memref<!tpu.dma_semaphore, #tpu.memory_space<semaphore_mem>>) src(%dma_wait3A_279 : memref<40x64xf32, #tpu.memory_space<vmem>>) dst(%dma_wait3A_275 : memref<40x64xf32, #tpu.memory_space<vmem_shared>>)
      %dma_wait3A_280 = arith.constant 0 : i32
      %dma_wait3A_281 = arith.constant 0 : i32
      %dma_wait3A_282 = tpu.memref_slice %arg13[%dma_wait3A_280, %dma_wait3A_281] : memref<2x64xf32, #tpu.memory_space<vmem>> -> memref<1x40xf32, #tpu.memory_space<vmem>>
      %dma_wait3A_283 = tpu.memref_squeeze %dma_wait3A_282 : memref<1x40xf32, #tpu.memory_space<vmem>> -> memref<40xf32, #tpu.memory_space<vmem>>
      %dma_wait3A_284 = tpu.memref_slice %arg6[%mul3A_267] : memref<25000xf32, #tpu.memory_space<vmem_shared>> -> memref<40xf32, #tpu.memory_space<vmem_shared>>
      %dma_wait3A_285 = tpu.memref_slice %arg6[%mul3A_267] : memref<25000xf32, #tpu.memory_space<vmem_shared>> -> memref<40xf32, #tpu.memory_space<vmem_shared>>
      %dma_wait3A_286 = arith.constant 0 : i32
      %dma_wait3A_287 = tpu.memref_slice %arg13[%dma_wait3A_280, %dma_wait3A_286] : memref<2x64xf32, #tpu.memory_space<vmem>> -> memref<1x40xf32, #tpu.memory_space<vmem>>
      %dma_wait3A_288 = tpu.memref_squeeze %dma_wait3A_287 : memref<1x40xf32, #tpu.memory_space<vmem>> -> memref<40xf32, #tpu.memory_space<vmem>>
      tpu.wait_dma2 semaphore(%arg16 : memref<!tpu.dma_semaphore, #tpu.memory_space<semaphore_mem>>) src(%dma_wait3A_288 : memref<40xf32, #tpu.memory_space<vmem>>) dst(%dma_wait3A_285 : memref<40xf32, #tpu.memory_space<vmem_shared>>)
      %while3A_289 = arith.constant 0 : i32
      scf.yield %while3A_289 : i32
    }
    %while3A_210 = arith.constant 1 : i32
    %while3A_211 = scf.for %while3A_264 = %while3A_207 to %while3A_203 step %while3A_210 iter_args(%while3A_265 = %while3A_209) -> (i32)  : i32 {
      %mul3A_266 = arith.constant 40 : i32
      %mul3A_267 = arith.muli %while3A_264, %mul3A_266 : i32
      %dma_wait3A = arith.constant 0 : i32
      %dma_wait3A_268 = arith.constant 0 : i32
      %dma_wait3A_269 = arith.constant 0 : i32
      %dma_wait3A_270 = tpu.memref_slice %arg12[%dma_wait3A, %dma_wait3A_268, %dma_wait3A_269] : memref<2x40x64xf32, #tpu.memory_space<vmem>> -> memref<1x40x64xf32, #tpu.memory_space<vmem>>
      %dma_wait3A_271 = tpu.memref_squeeze %dma_wait3A_270 : memref<1x40x64xf32, #tpu.memory_space<vmem>> -> memref<40x64xf32, #tpu.memory_space<vmem>>
      %dma_wait3A_272 = arith.constant 0 : i32
      %dma_wait3A_273 = tpu.memref_slice %arg5[%mul3A_267, %dma_wait3A_272] : memref<25000x64xf32, #tpu.memory_space<vmem_shared>> -> memref<40x64xf32, #tpu.memory_space<vmem_shared>>
      %dma_wait3A_274 = arith.constant 0 : i32
      %dma_wait3A_275 = tpu.memref_slice %arg5[%mul3A_267, %dma_wait3A_274] : memref<25000x64xf32, #tpu.memory_space<vmem_shared>> -> memref<40x64xf32, #tpu.memory_space<vmem_shared>>
      %dma_wait3A_276 = arith.constant 0 : i32
      %dma_wait3A_277 = arith.constant 0 : i32
      %dma_wait3A_278 = tpu.memref_slice %arg12[%dma_wait3A, %dma_wait3A_276, %dma_wait3A_277] : memref<2x40x64xf32, #tpu.memory_space<vmem>> -> memref<1x40x64xf32, #tpu.memory_space<vmem>>
      %dma_wait3A_279 = tpu.memref_squeeze %dma_wait3A_278 : memref<1x40x64xf32, #tpu.memory_space<vmem>> -> memref<40x64xf32, #tpu.memory_space<vmem>>
      tpu.wait_dma2 semaphore(%arg16 : memref<!tpu.dma_semaphore, #tpu.memory_space<semaphore_mem>>) src(%dma_wait3A_279 : memref<40x64xf32, #tpu.memory_space<vmem>>) dst(%dma_wait3A_275 : memref<40x64xf32, #tpu.memory_space<vmem_shared>>)
      %dma_wait3A_280 = arith.constant 0 : i32
      %dma_wait3A_281 = arith.constant 0 : i32
      %dma_wait3A_282 = tpu.memref_slice %arg13[%dma_wait3A_280, %dma_wait3A_281] : memref<2x64xf32, #tpu.memory_space<vmem>> -> memref<1x40xf32, #tpu.memory_space<vmem>>
      %dma_wait3A_283 = tpu.memref_squeeze %dma_wait3A_282 : memref<1x40xf32, #tpu.memory_space<vmem>> -> memref<40xf32, #tpu.memory_space<vmem>>
      %dma_wait3A_284 = tpu.memref_slice %arg6[%mul3A_267] : memref<25000xf32, #tpu.memory_space<vmem_shared>> -> memref<40xf32, #tpu.memory_space<vmem_shared>>
      %dma_wait3A_285 = tpu.memref_slice %arg6[%mul3A_267] : memref<25000xf32, #tpu.memory_space<vmem_shared>> -> memref<40xf32, #tpu.memory_space<vmem_shared>>
      %dma_wait3A_286 = arith.constant 0 : i32
      %dma_wait3A_287 = tpu.memref_slice %arg13[%dma_wait3A_280, %dma_wait3A_286] : memref<2x64xf32, #tpu.memory_space<vmem>> -> memref<1x40xf32, #tpu.memory_space<vmem>>
      %dma_wait3A_288 = tpu.memref_squeeze %dma_wait3A_287 : memref<1x40xf32, #tpu.memory_space<vmem>> -> memref<40xf32, #tpu.memory_space<vmem>>
      tpu.wait_dma2 semaphore(%arg16 : memref<!tpu.dma_semaphore, #tpu.memory_space<semaphore_mem>>) src(%dma_wait3A_288 : memref<40xf32, #tpu.memory_space<vmem>>) dst(%dma_wait3A_285 : memref<40xf32, #tpu.memory_space<vmem_shared>>)
      %while3A_289 = arith.constant 0 : i32
      scf.yield %while3A_289 : i32
    }
    %barrier3A = arith.constant 0 : index
    tpu.barrier barrier_id(%barrier3A)
    %while3A_212 = arith.constant 0 : i32
    "tpu.trace_stop"() : () -> ()
    "tpu.trace_start"() <{level = 10 : i32, message = "accum_phase"}> : () -> ()
    %while3A_213 = arith.subi %select_n3A_133, %select_n3A : i32
    %while3A_214 = arith.addi %select_n3A, %while3A_213 : i32
    %while3A_215 = arith.constant 1 : i32
    %while3A_216 = arith.divsi %while3A_213, %while3A_215 : i32
    %while3A_217 = arith.muli %while3A_216, %while3A_215 : i32
    %while3A_218 = arith.addi %select_n3A, %while3A_217 : i32
    %while3A_219 = arith.constant 1 : i32
    %while3A_220 = scf.for %while3A_264 = %select_n3A to %while3A_218 step %while3A_219 iter_args(%while3A_265 = %while3A_212) -> (i32)  : i32 {
      %sub3A_266 = arith.subi %while3A_264, %select_n3A : i32
      %jit3A_267 = arith.constant 2 : i32
      %eq3A_268 = arith.constant 0 : i32
      %eq3A_269 = arith.cmpi eq, %jit3A_267, %eq3A_268 : i32
      %jit3A_270 = arith.constant 1 : i32
      %select_n3A_271 = arith.select %eq3A_269, %jit3A_270, %jit3A_267 : i32
      %rem3A_272 = arith.remsi %sub3A_266, %select_n3A_271 : i32
      %ne3A_273 = arith.constant 0 : i32
      %ne3A_274 = arith.cmpi ne, %rem3A_272, %ne3A_273 : i32
      %lt3A_275 = arith.constant 0 : i32
      %lt3A_276 = arith.cmpi slt, %rem3A_272, %lt3A_275 : i32
      %lt3A_277 = arith.constant 0 : i32
      %lt3A_278 = arith.cmpi slt, %select_n3A_271, %lt3A_277 : i32
      %ne3A_279 = arith.xori %lt3A_276, %lt3A_278 : i1
      %and3A_280 = arith.andi %ne3A_279, %ne3A_274 : i1
      %add3A_281 = arith.addi %rem3A_272, %select_n3A_271 : i32
      %select_n3A_282 = arith.select %and3A_280, %add3A_281, %rem3A_272 : i32
      %eq3A_283 = arith.constant 0 : i32
      %eq3A_284 = arith.cmpi eq, %select_n3A_282, %eq3A_283 : i32
      %convert_element_type3A_285 = arith.extui %eq3A_284 : i1 to i32
      %cond3A_286 = arith.constant 0 : i32
      %cond3A_287 = arith.cmpi ne, %convert_element_type3A_285, %cond3A_286 : i32
      scf.if %cond3A_287 {
        %mul3A_293 = arith.constant 128 : i32
        %mul3A_294 = arith.muli %while3A_264, %mul3A_293 : i32
        %dma_wait3A = arith.constant 0 : i32
        %dma_wait3A_295 = arith.constant 0 : i32
        %dma_wait3A_296 = tpu.memref_slice %arg7[%dma_wait3A, %dma_wait3A_295] : memref<2x128xi32, #tpu.memory_space<vmem>> -> memref<1x128xi32, #tpu.memory_space<vmem>>
        %dma_wait3A_297 = tpu.memref_squeeze %dma_wait3A_296 : memref<1x128xi32, #tpu.memory_space<vmem>> -> memref<128xi32, #tpu.memory_space<vmem>>
        %dma_wait3A_298 = tpu.memref_slice %arg3[%mul3A_294] : memref<100000xi32, #tpu.memory_space<hbm>> -> memref<128xi32, #tpu.memory_space<hbm>>
        %dma_wait3A_299 = arith.constant 0 : i32
        %dma_wait3A_300 = tpu.memref_slice %arg7[%dma_wait3A, %dma_wait3A_299] : memref<2x128xi32, #tpu.memory_space<vmem>> -> memref<1x128xi32, #tpu.memory_space<vmem>>
        %dma_wait3A_301 = tpu.memref_squeeze %dma_wait3A_300 : memref<1x128xi32, #tpu.memory_space<vmem>> -> memref<128xi32, #tpu.memory_space<vmem>>
        %dma_wait3A_302 = tpu.memref_slice %arg3[%mul3A_294] : memref<100000xi32, #tpu.memory_space<hbm>> -> memref<128xi32, #tpu.memory_space<hbm>>
        tpu.wait_dma2 semaphore(%arg14 : memref<!tpu.dma_semaphore, #tpu.memory_space<semaphore_mem>>) src(%dma_wait3A_302 : memref<128xi32, #tpu.memory_space<hbm>>) dst(%dma_wait3A_301 : memref<128xi32, #tpu.memory_space<vmem>>)
        %dma_wait3A_303 = arith.constant 0 : i32
        %dma_wait3A_304 = arith.constant 0 : i32
        %dma_wait3A_305 = arith.constant 0 : i32
        %dma_wait3A_306 = tpu.memref_slice %arg9[%dma_wait3A_303, %dma_wait3A_304, %dma_wait3A_305] : memref<2x128x64xf32, #tpu.memory_space<vmem>> -> memref<1x128x64xf32, #tpu.memory_space<vmem>>
        %dma_wait3A_307 = tpu.memref_squeeze %dma_wait3A_306 : memref<1x128x64xf32, #tpu.memory_space<vmem>> -> memref<128x64xf32, #tpu.memory_space<vmem>>
        %dma_wait3A_308 = tpu.memref_slice %arg2[%mul3A_294, %mul3A_0] : memref<100000x128xf32, #tpu.memory_space<hbm>> -> memref<128x64xf32, #tpu.memory_space<hbm>>
        %dma_wait3A_309 = arith.constant 0 : i32
        %dma_wait3A_310 = arith.constant 0 : i32
        %dma_wait3A_311 = tpu.memref_slice %arg9[%dma_wait3A_303, %dma_wait3A_309, %dma_wait3A_310] : memref<2x128x64xf32, #tpu.memory_space<vmem>> -> memref<1x128x64xf32, #tpu.memory_space<vmem>>
        %dma_wait3A_312 = tpu.memref_squeeze %dma_wait3A_311 : memref<1x128x64xf32, #tpu.memory_space<vmem>> -> memref<128x64xf32, #tpu.memory_space<vmem>>
        %dma_wait3A_313 = tpu.memref_slice %arg2[%mul3A_294, %mul3A_0] : memref<100000x128xf32, #tpu.memory_space<hbm>> -> memref<128x64xf32, #tpu.memory_space<hbm>>
        tpu.wait_dma2 semaphore(%arg14 : memref<!tpu.dma_semaphore, #tpu.memory_space<semaphore_mem>>) src(%dma_wait3A_313 : memref<128x64xf32, #tpu.memory_space<hbm>>) dst(%dma_wait3A_312 : memref<128x64xf32, #tpu.memory_space<vmem>>)
        %add3A_314 = arith.constant 1 : i32
        %add3A_315 = arith.addi %while3A_264, %add3A_314 : i32
        %lt3A_316 = arith.cmpi slt, %add3A_315, %select_n3A_133 : i32
        %convert_element_type3A_317 = arith.extui %lt3A_316 : i1 to i32
        %cond3A_318 = arith.constant 0 : i32
        %cond3A_319 = arith.cmpi ne, %convert_element_type3A_317, %cond3A_318 : i32
        scf.if %cond3A_319 {
          %gt3A = arith.cmpi sgt, %while3A_264, %select_n3A : i32
          %convert_element_type3A_337 = arith.extui %gt3A : i1 to i32
          %cond3A_338 = arith.constant 0 : i32
          %cond3A_339 = arith.cmpi ne, %convert_element_type3A_337, %cond3A_338 : i32
          scf.if %cond3A_339 {
            %dma_wait3A_364 = arith.constant 1 : i32
            %dma_wait3A_365 = arith.constant 1 : i32
            %dma_wait3A_366 = arith.constant 0 : i32
            %dma_wait3A_367 = arith.constant 0 : i32
            %dma_wait3A_368 = tpu.memref_slice %arg9[%dma_wait3A_364, %dma_wait3A_366, %dma_wait3A_367] : memref<2x128x64xf32, #tpu.memory_space<vmem>> -> memref<1x128x64xf32, #tpu.memory_space<vmem>>
            %dma_wait3A_369 = tpu.memref_squeeze %dma_wait3A_368 : memref<1x128x64xf32, #tpu.memory_space<vmem>> -> memref<128x64xf32, #tpu.memory_space<vmem>>
            %dma_wait3A_370 = arith.constant 0 : i32
            %dma_wait3A_371 = tpu.memref_slice %arg7[%dma_wait3A_365, %dma_wait3A_370] : memref<2x128xi32, #tpu.memory_space<vmem>> -> memref<1x128xi32, #tpu.memory_space<vmem>>
            %dma_wait3A_372 = tpu.memref_squeeze %dma_wait3A_371 : memref<1x128xi32, #tpu.memory_space<vmem>> -> memref<128xi32, #tpu.memory_space<vmem>>
            %dma_wait3A_373 = arith.constant 0 : i32
            %dma_wait3A_374 = arith.constant 0 : i32
            %dma_wait3A_375 = tpu.memref_slice %arg5[%dma_wait3A_373, %dma_wait3A_374] : memref<25000x64xf32, #tpu.memory_space<vmem_shared>> -> memref<25000x64xf32, #tpu.memory_space<vmem_shared>>
            tpu.wait_indirect_dma semaphore(%arg17 : memref<!tpu.dma_semaphore, #tpu.memory_space<semaphore_mem>>) src(%dma_wait3A_369 : memref<128x64xf32, #tpu.memory_space<vmem>>) dst(%dma_wait3A_375 : memref<25000x64xf32, #tpu.memory_space<vmem_shared>>)
            %dma_wait3A_376 = arith.constant 1 : i32
            %dma_wait3A_377 = arith.constant 0 : i32
            %dma_wait3A_378 = tpu.memref_slice %arg7[%dma_wait3A_376, %dma_wait3A_377] : memref<2x128xi32, #tpu.memory_space<vmem>> -> memref<1x128xi32, #tpu.memory_space<vmem>>
            %dma_wait3A_379 = tpu.memref_squeeze %dma_wait3A_378 : memref<1x128xi32, #tpu.memory_space<vmem>> -> memref<128xi32, #tpu.memory_space<vmem>>
            %dma_wait3A_380 = arith.constant 0 : i32
            %dma_wait3A_381 = tpu.memref_slice %arg6[%dma_wait3A_380] : memref<25000xf32, #tpu.memory_space<vmem_shared>> -> memref<25000xf32, #tpu.memory_space<vmem_shared>>
            tpu.wait_indirect_dma semaphore(%arg17 : memref<!tpu.dma_semaphore, #tpu.memory_space<semaphore_mem>>) src(%arg11 : memref<128xf32, #tpu.memory_space<vmem>>) dst(%dma_wait3A_381 : memref<25000xf32, #tpu.memory_space<vmem_shared>>)
          } else {
          }
          %add3A_340 = arith.constant 1 : i32
          %add3A_341 = arith.addi %while3A_264, %add3A_340 : i32
          %mul3A_342 = arith.constant 128 : i32
          %mul3A_343 = arith.muli %add3A_341, %mul3A_342 : i32
          %dma_start3A_344 = arith.constant 1 : i32
          %dma_start3A_345 = arith.constant 0 : i32
          %dma_start3A_346 = tpu.memref_slice %arg7[%dma_start3A_344, %dma_start3A_345] : memref<2x128xi32, #tpu.memory_space<vmem>> -> memref<1x128xi32, #tpu.memory_space<vmem>>
          %dma_start3A_347 = tpu.memref_squeeze %dma_start3A_346 : memref<1x128xi32, #tpu.memory_space<vmem>> -> memref<128xi32, #tpu.memory_space<vmem>>
          %dma_start3A_348 = tpu.memref_slice %arg3[%mul3A_343] : memref<100000xi32, #tpu.memory_space<hbm>> -> memref<128xi32, #tpu.memory_space<hbm>>
          %dma_start3A_349 = arith.constant 0 : i32
          %dma_start3A_350 = tpu.memref_slice %arg7[%dma_start3A_344, %dma_start3A_349] : memref<2x128xi32, #tpu.memory_space<vmem>> -> memref<1x128xi32, #tpu.memory_space<vmem>>
          %dma_start3A_351 = tpu.memref_squeeze %dma_start3A_350 : memref<1x128xi32, #tpu.memory_space<vmem>> -> memref<128xi32, #tpu.memory_space<vmem>>
          %dma_start3A_352 = tpu.memref_slice %arg3[%mul3A_343] : memref<100000xi32, #tpu.memory_space<hbm>> -> memref<128xi32, #tpu.memory_space<hbm>>
          tpu.enqueue_dma source(%dma_start3A_352 : memref<128xi32, #tpu.memory_space<hbm>>) target(%dma_start3A_351 : memref<128xi32, #tpu.memory_space<vmem>>) target_semaphore(%arg15 : memref<!tpu.dma_semaphore, #tpu.memory_space<semaphore_mem>>)
          %dma_start3A_353 = arith.constant 1 : i32
          %dma_start3A_354 = arith.constant 0 : i32
          %dma_start3A_355 = arith.constant 0 : i32
          %dma_start3A_356 = tpu.memref_slice %arg9[%dma_start3A_353, %dma_start3A_354, %dma_start3A_355] : memref<2x128x64xf32, #tpu.memory_space<vmem>> -> memref<1x128x64xf32, #tpu.memory_space<vmem>>
          %dma_start3A_357 = tpu.memref_squeeze %dma_start3A_356 : memref<1x128x64xf32, #tpu.memory_space<vmem>> -> memref<128x64xf32, #tpu.memory_space<vmem>>
          %dma_start3A_358 = tpu.memref_slice %arg2[%mul3A_343, %mul3A_0] : memref<100000x128xf32, #tpu.memory_space<hbm>> -> memref<128x64xf32, #tpu.memory_space<hbm>>
          %dma_start3A_359 = arith.constant 0 : i32
          %dma_start3A_360 = arith.constant 0 : i32
          %dma_start3A_361 = tpu.memref_slice %arg9[%dma_start3A_353, %dma_start3A_359, %dma_start3A_360] : memref<2x128x64xf32, #tpu.memory_space<vmem>> -> memref<1x128x64xf32, #tpu.memory_space<vmem>>
          %dma_start3A_362 = tpu.memref_squeeze %dma_start3A_361 : memref<1x128x64xf32, #tpu.memory_space<vmem>> -> memref<128x64xf32, #tpu.memory_space<vmem>>
          %dma_start3A_363 = tpu.memref_slice %arg2[%mul3A_343, %mul3A_0] : memref<100000x128xf32, #tpu.memory_space<hbm>> -> memref<128x64xf32, #tpu.memory_space<hbm>>
          tpu.enqueue_dma source(%dma_start3A_363 : memref<128x64xf32, #tpu.memory_space<hbm>>) target(%dma_start3A_362 : memref<128x64xf32, #tpu.memory_space<vmem>>) target_semaphore(%arg15 : memref<!tpu.dma_semaphore, #tpu.memory_space<semaphore_mem>>)
        } else {
        }
        %dma_start3A = arith.constant 0 : i32
        %dma_start3A_320 = arith.constant 0 : i32
        %dma_start3A_321 = arith.constant 0 : i32
        %dma_start3A_322 = arith.constant 0 : i32
        %dma_start3A_323 = tpu.memref_slice %arg9[%dma_start3A, %dma_start3A_321, %dma_start3A_322] : memref<2x128x64xf32, #tpu.memory_space<vmem>> -> memref<1x128x64xf32, #tpu.memory_space<vmem>>
        %dma_start3A_324 = tpu.memref_squeeze %dma_start3A_323 : memref<1x128x64xf32, #tpu.memory_space<vmem>> -> memref<128x64xf32, #tpu.memory_space<vmem>>
        %dma_start3A_325 = arith.constant 0 : i32
        %dma_start3A_326 = tpu.memref_slice %arg7[%dma_start3A_320, %dma_start3A_325] : memref<2x128xi32, #tpu.memory_space<vmem>> -> memref<1x128xi32, #tpu.memory_space<vmem>>
        %dma_start3A_327 = tpu.memref_squeeze %dma_start3A_326 : memref<1x128xi32, #tpu.memory_space<vmem>> -> memref<128xi32, #tpu.memory_space<vmem>>
        %dma_start3A_328 = arith.constant 0 : i32
        %dma_start3A_329 = arith.constant 0 : i32
        %dma_start3A_330 = tpu.memref_slice %arg5[%dma_start3A_328, %dma_start3A_329] : memref<25000x64xf32, #tpu.memory_space<vmem_shared>> -> memref<25000x64xf32, #tpu.memory_space<vmem_shared>>
        tpu.enqueue_indirect_dma source(%dma_start3A_324 : memref<128x64xf32, #tpu.memory_space<vmem>>) target(%dma_start3A_330 : memref<25000x64xf32, #tpu.memory_space<vmem_shared>>) offsets(%dma_start3A_327 : memref<128xi32, #tpu.memory_space<vmem>>) semaphore(%arg16 : memref<!tpu.dma_semaphore, #tpu.memory_space<semaphore_mem>>) {add = true}
        %dma_start3A_331 = arith.constant 0 : i32
        %dma_start3A_332 = arith.constant 0 : i32
        %dma_start3A_333 = tpu.memref_slice %arg7[%dma_start3A_331, %dma_start3A_332] : memref<2x128xi32, #tpu.memory_space<vmem>> -> memref<1x128xi32, #tpu.memory_space<vmem>>
        %dma_start3A_334 = tpu.memref_squeeze %dma_start3A_333 : memref<1x128xi32, #tpu.memory_space<vmem>> -> memref<128xi32, #tpu.memory_space<vmem>>
        %dma_start3A_335 = arith.constant 0 : i32
        %dma_start3A_336 = tpu.memref_slice %arg6[%dma_start3A_335] : memref<25000xf32, #tpu.memory_space<vmem_shared>> -> memref<25000xf32, #tpu.memory_space<vmem_shared>>
        tpu.enqueue_indirect_dma source(%arg11 : memref<128xf32, #tpu.memory_space<vmem>>) target(%dma_start3A_336 : memref<25000xf32, #tpu.memory_space<vmem_shared>>) offsets(%dma_start3A_334 : memref<128xi32, #tpu.memory_space<vmem>>) semaphore(%arg16 : memref<!tpu.dma_semaphore, #tpu.memory_space<semaphore_mem>>) {add = true}
      } else {
      }
      %not3A = arith.constant true
      %not3A_288 = arith.xori %eq3A_284, %not3A : i1
      %convert_element_type3A_289 = arith.extui %not3A_288 : i1 to i32
      %cond3A_290 = arith.constant 0 : i32
      %cond3A_291 = arith.cmpi ne, %convert_element_type3A_289, %cond3A_290 : i32
      scf.if %cond3A_291 {
        %mul3A_293 = arith.constant 128 : i32
        %mul3A_294 = arith.muli %while3A_264, %mul3A_293 : i32
        %dma_wait3A = arith.constant 1 : i32
        %dma_wait3A_295 = arith.constant 0 : i32
        %dma_wait3A_296 = tpu.memref_slice %arg7[%dma_wait3A, %dma_wait3A_295] : memref<2x128xi32, #tpu.memory_space<vmem>> -> memref<1x128xi32, #tpu.memory_space<vmem>>
        %dma_wait3A_297 = tpu.memref_squeeze %dma_wait3A_296 : memref<1x128xi32, #tpu.memory_space<vmem>> -> memref<128xi32, #tpu.memory_space<vmem>>
        %dma_wait3A_298 = tpu.memref_slice %arg3[%mul3A_294] : memref<100000xi32, #tpu.memory_space<hbm>> -> memref<128xi32, #tpu.memory_space<hbm>>
        %dma_wait3A_299 = arith.constant 0 : i32
        %dma_wait3A_300 = tpu.memref_slice %arg7[%dma_wait3A, %dma_wait3A_299] : memref<2x128xi32, #tpu.memory_space<vmem>> -> memref<1x128xi32, #tpu.memory_space<vmem>>
        %dma_wait3A_301 = tpu.memref_squeeze %dma_wait3A_300 : memref<1x128xi32, #tpu.memory_space<vmem>> -> memref<128xi32, #tpu.memory_space<vmem>>
        %dma_wait3A_302 = tpu.memref_slice %arg3[%mul3A_294] : memref<100000xi32, #tpu.memory_space<hbm>> -> memref<128xi32, #tpu.memory_space<hbm>>
        tpu.wait_dma2 semaphore(%arg15 : memref<!tpu.dma_semaphore, #tpu.memory_space<semaphore_mem>>) src(%dma_wait3A_302 : memref<128xi32, #tpu.memory_space<hbm>>) dst(%dma_wait3A_301 : memref<128xi32, #tpu.memory_space<vmem>>)
        %dma_wait3A_303 = arith.constant 1 : i32
        %dma_wait3A_304 = arith.constant 0 : i32
        %dma_wait3A_305 = arith.constant 0 : i32
        %dma_wait3A_306 = tpu.memref_slice %arg9[%dma_wait3A_303, %dma_wait3A_304, %dma_wait3A_305] : memref<2x128x64xf32, #tpu.memory_space<vmem>> -> memref<1x128x64xf32, #tpu.memory_space<vmem>>
        %dma_wait3A_307 = tpu.memref_squeeze %dma_wait3A_306 : memref<1x128x64xf32, #tpu.memory_space<vmem>> -> memref<128x64xf32, #tpu.memory_space<vmem>>
        %dma_wait3A_308 = tpu.memref_slice %arg2[%mul3A_294, %mul3A_0] : memref<100000x128xf32, #tpu.memory_space<hbm>> -> memref<128x64xf32, #tpu.memory_space<hbm>>
        %dma_wait3A_309 = arith.constant 0 : i32
        %dma_wait3A_310 = arith.constant 0 : i32
        %dma_wait3A_311 = tpu.memref_slice %arg9[%dma_wait3A_303, %dma_wait3A_309, %dma_wait3A_310] : memref<2x128x64xf32, #tpu.memory_space<vmem>> -> memref<1x128x64xf32, #tpu.memory_space<vmem>>
        %dma_wait3A_312 = tpu.memref_squeeze %dma_wait3A_311 : memref<1x128x64xf32, #tpu.memory_space<vmem>> -> memref<128x64xf32, #tpu.memory_space<vmem>>
        %dma_wait3A_313 = tpu.memref_slice %arg2[%mul3A_294, %mul3A_0] : memref<100000x128xf32, #tpu.memory_space<hbm>> -> memref<128x64xf32, #tpu.memory_space<hbm>>
        tpu.wait_dma2 semaphore(%arg15 : memref<!tpu.dma_semaphore, #tpu.memory_space<semaphore_mem>>) src(%dma_wait3A_313 : memref<128x64xf32, #tpu.memory_space<hbm>>) dst(%dma_wait3A_312 : memref<128x64xf32, #tpu.memory_space<vmem>>)
        %add3A_314 = arith.constant 1 : i32
        %add3A_315 = arith.addi %while3A_264, %add3A_314 : i32
        %lt3A_316 = arith.cmpi slt, %add3A_315, %select_n3A_133 : i32
        %convert_element_type3A_317 = arith.extui %lt3A_316 : i1 to i32
        %cond3A_318 = arith.constant 0 : i32
        %cond3A_319 = arith.cmpi ne, %convert_element_type3A_317, %cond3A_318 : i32
        scf.if %cond3A_319 {
          %gt3A = arith.cmpi sgt, %while3A_264, %select_n3A : i32
          %convert_element_type3A_337 = arith.extui %gt3A : i1 to i32
          %cond3A_338 = arith.constant 0 : i32
          %cond3A_339 = arith.cmpi ne, %convert_element_type3A_337, %cond3A_338 : i32
          scf.if %cond3A_339 {
            %dma_wait3A_364 = arith.constant 0 : i32
            %dma_wait3A_365 = arith.constant 0 : i32
            %dma_wait3A_366 = arith.constant 0 : i32
            %dma_wait3A_367 = arith.constant 0 : i32
            %dma_wait3A_368 = tpu.memref_slice %arg9[%dma_wait3A_364, %dma_wait3A_366, %dma_wait3A_367] : memref<2x128x64xf32, #tpu.memory_space<vmem>> -> memref<1x128x64xf32, #tpu.memory_space<vmem>>
            %dma_wait3A_369 = tpu.memref_squeeze %dma_wait3A_368 : memref<1x128x64xf32, #tpu.memory_space<vmem>> -> memref<128x64xf32, #tpu.memory_space<vmem>>
            %dma_wait3A_370 = arith.constant 0 : i32
            %dma_wait3A_371 = tpu.memref_slice %arg7[%dma_wait3A_365, %dma_wait3A_370] : memref<2x128xi32, #tpu.memory_space<vmem>> -> memref<1x128xi32, #tpu.memory_space<vmem>>
            %dma_wait3A_372 = tpu.memref_squeeze %dma_wait3A_371 : memref<1x128xi32, #tpu.memory_space<vmem>> -> memref<128xi32, #tpu.memory_space<vmem>>
            %dma_wait3A_373 = arith.constant 0 : i32
            %dma_wait3A_374 = arith.constant 0 : i32
            %dma_wait3A_375 = tpu.memref_slice %arg5[%dma_wait3A_373, %dma_wait3A_374] : memref<25000x64xf32, #tpu.memory_space<vmem_shared>> -> memref<25000x64xf32, #tpu.memory_space<vmem_shared>>
            tpu.wait_indirect_dma semaphore(%arg16 : memref<!tpu.dma_semaphore, #tpu.memory_space<semaphore_mem>>) src(%dma_wait3A_369 : memref<128x64xf32, #tpu.memory_space<vmem>>) dst(%dma_wait3A_375 : memref<25000x64xf32, #tpu.memory_space<vmem_shared>>)
            %dma_wait3A_376 = arith.constant 0 : i32
            %dma_wait3A_377 = arith.constant 0 : i32
            %dma_wait3A_378 = tpu.memref_slice %arg7[%dma_wait3A_376, %dma_wait3A_377] : memref<2x128xi32, #tpu.memory_space<vmem>> -> memref<1x128xi32, #tpu.memory_space<vmem>>
            %dma_wait3A_379 = tpu.memref_squeeze %dma_wait3A_378 : memref<1x128xi32, #tpu.memory_space<vmem>> -> memref<128xi32, #tpu.memory_space<vmem>>
            %dma_wait3A_380 = arith.constant 0 : i32
            %dma_wait3A_381 = tpu.memref_slice %arg6[%dma_wait3A_380] : memref<25000xf32, #tpu.memory_space<vmem_shared>> -> memref<25000xf32, #tpu.memory_space<vmem_shared>>
            tpu.wait_indirect_dma semaphore(%arg16 : memref<!tpu.dma_semaphore, #tpu.memory_space<semaphore_mem>>) src(%arg11 : memref<128xf32, #tpu.memory_space<vmem>>) dst(%dma_wait3A_381 : memref<25000xf32, #tpu.memory_space<vmem_shared>>)
          } else {
          }
          %add3A_340 = arith.constant 1 : i32
          %add3A_341 = arith.addi %while3A_264, %add3A_340 : i32
          %mul3A_342 = arith.constant 128 : i32
          %mul3A_343 = arith.muli %add3A_341, %mul3A_342 : i32
          %dma_start3A_344 = arith.constant 0 : i32
          %dma_start3A_345 = arith.constant 0 : i32
          %dma_start3A_346 = tpu.memref_slice %arg7[%dma_start3A_344, %dma_start3A_345] : memref<2x128xi32, #tpu.memory_space<vmem>> -> memref<1x128xi32, #tpu.memory_space<vmem>>
          %dma_start3A_347 = tpu.memref_squeeze %dma_start3A_346 : memref<1x128xi32, #tpu.memory_space<vmem>> -> memref<128xi32, #tpu.memory_space<vmem>>
          %dma_start3A_348 = tpu.memref_slice %arg3[%mul3A_343] : memref<100000xi32, #tpu.memory_space<hbm>> -> memref<128xi32, #tpu.memory_space<hbm>>
          %dma_start3A_349 = arith.constant 0 : i32
          %dma_start3A_350 = tpu.memref_slice %arg7[%dma_start3A_344, %dma_start3A_349] : memref<2x128xi32, #tpu.memory_space<vmem>> -> memref<1x128xi32, #tpu.memory_space<vmem>>
          %dma_start3A_351 = tpu.memref_squeeze %dma_start3A_350 : memref<1x128xi32, #tpu.memory_space<vmem>> -> memref<128xi32, #tpu.memory_space<vmem>>
          %dma_start3A_352 = tpu.memref_slice %arg3[%mul3A_343] : memref<100000xi32, #tpu.memory_space<hbm>> -> memref<128xi32, #tpu.memory_space<hbm>>
          tpu.enqueue_dma source(%dma_start3A_352 : memref<128xi32, #tpu.memory_space<hbm>>) target(%dma_start3A_351 : memref<128xi32, #tpu.memory_space<vmem>>) target_semaphore(%arg14 : memref<!tpu.dma_semaphore, #tpu.memory_space<semaphore_mem>>)
          %dma_start3A_353 = arith.constant 0 : i32
          %dma_start3A_354 = arith.constant 0 : i32
          %dma_start3A_355 = arith.constant 0 : i32
          %dma_start3A_356 = tpu.memref_slice %arg9[%dma_start3A_353, %dma_start3A_354, %dma_start3A_355] : memref<2x128x64xf32, #tpu.memory_space<vmem>> -> memref<1x128x64xf32, #tpu.memory_space<vmem>>
          %dma_start3A_357 = tpu.memref_squeeze %dma_start3A_356 : memref<1x128x64xf32, #tpu.memory_space<vmem>> -> memref<128x64xf32, #tpu.memory_space<vmem>>
          %dma_start3A_358 = tpu.memref_slice %arg2[%mul3A_343, %mul3A_0] : memref<100000x128xf32, #tpu.memory_space<hbm>> -> memref<128x64xf32, #tpu.memory_space<hbm>>
          %dma_start3A_359 = arith.constant 0 : i32
          %dma_start3A_360 = arith.constant 0 : i32
          %dma_start3A_361 = tpu.memref_slice %arg9[%dma_start3A_353, %dma_start3A_359, %dma_start3A_360] : memref<2x128x64xf32, #tpu.memory_space<vmem>> -> memref<1x128x64xf32, #tpu.memory_space<vmem>>
          %dma_start3A_362 = tpu.memref_squeeze %dma_start3A_361 : memref<1x128x64xf32, #tpu.memory_space<vmem>> -> memref<128x64xf32, #tpu.memory_space<vmem>>
          %dma_start3A_363 = tpu.memref_slice %arg2[%mul3A_343, %mul3A_0] : memref<100000x128xf32, #tpu.memory_space<hbm>> -> memref<128x64xf32, #tpu.memory_space<hbm>>
          tpu.enqueue_dma source(%dma_start3A_363 : memref<128x64xf32, #tpu.memory_space<hbm>>) target(%dma_start3A_362 : memref<128x64xf32, #tpu.memory_space<vmem>>) target_semaphore(%arg14 : memref<!tpu.dma_semaphore, #tpu.memory_space<semaphore_mem>>)
        } else {
        }
        %dma_start3A = arith.constant 1 : i32
        %dma_start3A_320 = arith.constant 1 : i32
        %dma_start3A_321 = arith.constant 0 : i32
        %dma_start3A_322 = arith.constant 0 : i32
        %dma_start3A_323 = tpu.memref_slice %arg9[%dma_start3A, %dma_start3A_321, %dma_start3A_322] : memref<2x128x64xf32, #tpu.memory_space<vmem>> -> memref<1x128x64xf32, #tpu.memory_space<vmem>>
        %dma_start3A_324 = tpu.memref_squeeze %dma_start3A_323 : memref<1x128x64xf32, #tpu.memory_space<vmem>> -> memref<128x64xf32, #tpu.memory_space<vmem>>
        %dma_start3A_325 = arith.constant 0 : i32
        %dma_start3A_326 = tpu.memref_slice %arg7[%dma_start3A_320, %dma_start3A_325] : memref<2x128xi32, #tpu.memory_space<vmem>> -> memref<1x128xi32, #tpu.memory_space<vmem>>
        %dma_start3A_327 = tpu.memref_squeeze %dma_start3A_326 : memref<1x128xi32, #tpu.memory_space<vmem>> -> memref<128xi32, #tpu.memory_space<vmem>>
        %dma_start3A_328 = arith.constant 0 : i32
        %dma_start3A_329 = arith.constant 0 : i32
        %dma_start3A_330 = tpu.memref_slice %arg5[%dma_start3A_328, %dma_start3A_329] : memref<25000x64xf32, #tpu.memory_space<vmem_shared>> -> memref<25000x64xf32, #tpu.memory_space<vmem_shared>>
        tpu.enqueue_indirect_dma source(%dma_start3A_324 : memref<128x64xf32, #tpu.memory_space<vmem>>) target(%dma_start3A_330 : memref<25000x64xf32, #tpu.memory_space<vmem_shared>>) offsets(%dma_start3A_327 : memref<128xi32, #tpu.memory_space<vmem>>) semaphore(%arg17 : memref<!tpu.dma_semaphore, #tpu.memory_space<semaphore_mem>>) {add = true}
        %dma_start3A_331 = arith.constant 1 : i32
        %dma_start3A_332 = arith.constant 0 : i32
        %dma_start3A_333 = tpu.memref_slice %arg7[%dma_start3A_331, %dma_start3A_332] : memref<2x128xi32, #tpu.memory_space<vmem>> -> memref<1x128xi32, #tpu.memory_space<vmem>>
        %dma_start3A_334 = tpu.memref_squeeze %dma_start3A_333 : memref<1x128xi32, #tpu.memory_space<vmem>> -> memref<128xi32, #tpu.memory_space<vmem>>
        %dma_start3A_335 = arith.constant 0 : i32
        %dma_start3A_336 = tpu.memref_slice %arg6[%dma_start3A_335] : memref<25000xf32, #tpu.memory_space<vmem_shared>> -> memref<25000xf32, #tpu.memory_space<vmem_shared>>
        tpu.enqueue_indirect_dma source(%arg11 : memref<128xf32, #tpu.memory_space<vmem>>) target(%dma_start3A_336 : memref<25000xf32, #tpu.memory_space<vmem_shared>>) offsets(%dma_start3A_334 : memref<128xi32, #tpu.memory_space<vmem>>) semaphore(%arg17 : memref<!tpu.dma_semaphore, #tpu.memory_space<semaphore_mem>>) {add = true}
      } else {
      }
      %while3A_292 = arith.constant 0 : i32
      scf.yield %while3A_292 : i32
    }
    %while3A_221 = arith.constant 1 : i32
    %while3A_222 = scf.for %while3A_264 = %while3A_218 to %while3A_214 step %while3A_221 iter_args(%while3A_265 = %while3A_220) -> (i32)  : i32 {
      %sub3A_266 = arith.subi %while3A_264, %select_n3A : i32
      %jit3A_267 = arith.constant 2 : i32
      %eq3A_268 = arith.constant 0 : i32
      %eq3A_269 = arith.cmpi eq, %jit3A_267, %eq3A_268 : i32
      %jit3A_270 = arith.constant 1 : i32
      %select_n3A_271 = arith.select %eq3A_269, %jit3A_270, %jit3A_267 : i32
      %rem3A_272 = arith.remsi %sub3A_266, %select_n3A_271 : i32
      %ne3A_273 = arith.constant 0 : i32
      %ne3A_274 = arith.cmpi ne, %rem3A_272, %ne3A_273 : i32
      %lt3A_275 = arith.constant 0 : i32
      %lt3A_276 = arith.cmpi slt, %rem3A_272, %lt3A_275 : i32
      %lt3A_277 = arith.constant 0 : i32
      %lt3A_278 = arith.cmpi slt, %select_n3A_271, %lt3A_277 : i32
      %ne3A_279 = arith.xori %lt3A_276, %lt3A_278 : i1
      %and3A_280 = arith.andi %ne3A_279, %ne3A_274 : i1
      %add3A_281 = arith.addi %rem3A_272, %select_n3A_271 : i32
      %select_n3A_282 = arith.select %and3A_280, %add3A_281, %rem3A_272 : i32
      %eq3A_283 = arith.constant 0 : i32
      %eq3A_284 = arith.cmpi eq, %select_n3A_282, %eq3A_283 : i32
      %convert_element_type3A_285 = arith.extui %eq3A_284 : i1 to i32
      %cond3A_286 = arith.constant 0 : i32
      %cond3A_287 = arith.cmpi ne, %convert_element_type3A_285, %cond3A_286 : i32
      scf.if %cond3A_287 {
        %mul3A_293 = arith.constant 128 : i32
        %mul3A_294 = arith.muli %while3A_264, %mul3A_293 : i32
        %dma_wait3A = arith.constant 0 : i32
        %dma_wait3A_295 = arith.constant 0 : i32
        %dma_wait3A_296 = tpu.memref_slice %arg7[%dma_wait3A, %dma_wait3A_295] : memref<2x128xi32, #tpu.memory_space<vmem>> -> memref<1x128xi32, #tpu.memory_space<vmem>>
        %dma_wait3A_297 = tpu.memref_squeeze %dma_wait3A_296 : memref<1x128xi32, #tpu.memory_space<vmem>> -> memref<128xi32, #tpu.memory_space<vmem>>
        %dma_wait3A_298 = tpu.memref_slice %arg3[%mul3A_294] : memref<100000xi32, #tpu.memory_space<hbm>> -> memref<128xi32, #tpu.memory_space<hbm>>
        %dma_wait3A_299 = arith.constant 0 : i32
        %dma_wait3A_300 = tpu.memref_slice %arg7[%dma_wait3A, %dma_wait3A_299] : memref<2x128xi32, #tpu.memory_space<vmem>> -> memref<1x128xi32, #tpu.memory_space<vmem>>
        %dma_wait3A_301 = tpu.memref_squeeze %dma_wait3A_300 : memref<1x128xi32, #tpu.memory_space<vmem>> -> memref<128xi32, #tpu.memory_space<vmem>>
        %dma_wait3A_302 = tpu.memref_slice %arg3[%mul3A_294] : memref<100000xi32, #tpu.memory_space<hbm>> -> memref<128xi32, #tpu.memory_space<hbm>>
        tpu.wait_dma2 semaphore(%arg14 : memref<!tpu.dma_semaphore, #tpu.memory_space<semaphore_mem>>) src(%dma_wait3A_302 : memref<128xi32, #tpu.memory_space<hbm>>) dst(%dma_wait3A_301 : memref<128xi32, #tpu.memory_space<vmem>>)
        %dma_wait3A_303 = arith.constant 0 : i32
        %dma_wait3A_304 = arith.constant 0 : i32
        %dma_wait3A_305 = arith.constant 0 : i32
        %dma_wait3A_306 = tpu.memref_slice %arg9[%dma_wait3A_303, %dma_wait3A_304, %dma_wait3A_305] : memref<2x128x64xf32, #tpu.memory_space<vmem>> -> memref<1x128x64xf32, #tpu.memory_space<vmem>>
        %dma_wait3A_307 = tpu.memref_squeeze %dma_wait3A_306 : memref<1x128x64xf32, #tpu.memory_space<vmem>> -> memref<128x64xf32, #tpu.memory_space<vmem>>
        %dma_wait3A_308 = tpu.memref_slice %arg2[%mul3A_294, %mul3A_0] : memref<100000x128xf32, #tpu.memory_space<hbm>> -> memref<128x64xf32, #tpu.memory_space<hbm>>
        %dma_wait3A_309 = arith.constant 0 : i32
        %dma_wait3A_310 = arith.constant 0 : i32
        %dma_wait3A_311 = tpu.memref_slice %arg9[%dma_wait3A_303, %dma_wait3A_309, %dma_wait3A_310] : memref<2x128x64xf32, #tpu.memory_space<vmem>> -> memref<1x128x64xf32, #tpu.memory_space<vmem>>
        %dma_wait3A_312 = tpu.memref_squeeze %dma_wait3A_311 : memref<1x128x64xf32, #tpu.memory_space<vmem>> -> memref<128x64xf32, #tpu.memory_space<vmem>>
        %dma_wait3A_313 = tpu.memref_slice %arg2[%mul3A_294, %mul3A_0] : memref<100000x128xf32, #tpu.memory_space<hbm>> -> memref<128x64xf32, #tpu.memory_space<hbm>>
        tpu.wait_dma2 semaphore(%arg14 : memref<!tpu.dma_semaphore, #tpu.memory_space<semaphore_mem>>) src(%dma_wait3A_313 : memref<128x64xf32, #tpu.memory_space<hbm>>) dst(%dma_wait3A_312 : memref<128x64xf32, #tpu.memory_space<vmem>>)
        %add3A_314 = arith.constant 1 : i32
        %add3A_315 = arith.addi %while3A_264, %add3A_314 : i32
        %lt3A_316 = arith.cmpi slt, %add3A_315, %select_n3A_133 : i32
        %convert_element_type3A_317 = arith.extui %lt3A_316 : i1 to i32
        %cond3A_318 = arith.constant 0 : i32
        %cond3A_319 = arith.cmpi ne, %convert_element_type3A_317, %cond3A_318 : i32
        scf.if %cond3A_319 {
          %gt3A = arith.cmpi sgt, %while3A_264, %select_n3A : i32
          %convert_element_type3A_337 = arith.extui %gt3A : i1 to i32
          %cond3A_338 = arith.constant 0 : i32
          %cond3A_339 = arith.cmpi ne, %convert_element_type3A_337, %cond3A_338 : i32
          scf.if %cond3A_339 {
            %dma_wait3A_364 = arith.constant 1 : i32
            %dma_wait3A_365 = arith.constant 1 : i32
            %dma_wait3A_366 = arith.constant 0 : i32
            %dma_wait3A_367 = arith.constant 0 : i32
            %dma_wait3A_368 = tpu.memref_slice %arg9[%dma_wait3A_364, %dma_wait3A_366, %dma_wait3A_367] : memref<2x128x64xf32, #tpu.memory_space<vmem>> -> memref<1x128x64xf32, #tpu.memory_space<vmem>>
            %dma_wait3A_369 = tpu.memref_squeeze %dma_wait3A_368 : memref<1x128x64xf32, #tpu.memory_space<vmem>> -> memref<128x64xf32, #tpu.memory_space<vmem>>
            %dma_wait3A_370 = arith.constant 0 : i32
            %dma_wait3A_371 = tpu.memref_slice %arg7[%dma_wait3A_365, %dma_wait3A_370] : memref<2x128xi32, #tpu.memory_space<vmem>> -> memref<1x128xi32, #tpu.memory_space<vmem>>
            %dma_wait3A_372 = tpu.memref_squeeze %dma_wait3A_371 : memref<1x128xi32, #tpu.memory_space<vmem>> -> memref<128xi32, #tpu.memory_space<vmem>>
            %dma_wait3A_373 = arith.constant 0 : i32
            %dma_wait3A_374 = arith.constant 0 : i32
            %dma_wait3A_375 = tpu.memref_slice %arg5[%dma_wait3A_373, %dma_wait3A_374] : memref<25000x64xf32, #tpu.memory_space<vmem_shared>> -> memref<25000x64xf32, #tpu.memory_space<vmem_shared>>
            tpu.wait_indirect_dma semaphore(%arg17 : memref<!tpu.dma_semaphore, #tpu.memory_space<semaphore_mem>>) src(%dma_wait3A_369 : memref<128x64xf32, #tpu.memory_space<vmem>>) dst(%dma_wait3A_375 : memref<25000x64xf32, #tpu.memory_space<vmem_shared>>)
            %dma_wait3A_376 = arith.constant 1 : i32
            %dma_wait3A_377 = arith.constant 0 : i32
            %dma_wait3A_378 = tpu.memref_slice %arg7[%dma_wait3A_376, %dma_wait3A_377] : memref<2x128xi32, #tpu.memory_space<vmem>> -> memref<1x128xi32, #tpu.memory_space<vmem>>
            %dma_wait3A_379 = tpu.memref_squeeze %dma_wait3A_378 : memref<1x128xi32, #tpu.memory_space<vmem>> -> memref<128xi32, #tpu.memory_space<vmem>>
            %dma_wait3A_380 = arith.constant 0 : i32
            %dma_wait3A_381 = tpu.memref_slice %arg6[%dma_wait3A_380] : memref<25000xf32, #tpu.memory_space<vmem_shared>> -> memref<25000xf32, #tpu.memory_space<vmem_shared>>
            tpu.wait_indirect_dma semaphore(%arg17 : memref<!tpu.dma_semaphore, #tpu.memory_space<semaphore_mem>>) src(%arg11 : memref<128xf32, #tpu.memory_space<vmem>>) dst(%dma_wait3A_381 : memref<25000xf32, #tpu.memory_space<vmem_shared>>)
          } else {
          }
          %add3A_340 = arith.constant 1 : i32
          %add3A_341 = arith.addi %while3A_264, %add3A_340 : i32
          %mul3A_342 = arith.constant 128 : i32
          %mul3A_343 = arith.muli %add3A_341, %mul3A_342 : i32
          %dma_start3A_344 = arith.constant 1 : i32
          %dma_start3A_345 = arith.constant 0 : i32
          %dma_start3A_346 = tpu.memref_slice %arg7[%dma_start3A_344, %dma_start3A_345] : memref<2x128xi32, #tpu.memory_space<vmem>> -> memref<1x128xi32, #tpu.memory_space<vmem>>
          %dma_start3A_347 = tpu.memref_squeeze %dma_start3A_346 : memref<1x128xi32, #tpu.memory_space<vmem>> -> memref<128xi32, #tpu.memory_space<vmem>>
          %dma_start3A_348 = tpu.memref_slice %arg3[%mul3A_343] : memref<100000xi32, #tpu.memory_space<hbm>> -> memref<128xi32, #tpu.memory_space<hbm>>
          %dma_start3A_349 = arith.constant 0 : i32
          %dma_start3A_350 = tpu.memref_slice %arg7[%dma_start3A_344, %dma_start3A_349] : memref<2x128xi32, #tpu.memory_space<vmem>> -> memref<1x128xi32, #tpu.memory_space<vmem>>
          %dma_start3A_351 = tpu.memref_squeeze %dma_start3A_350 : memref<1x128xi32, #tpu.memory_space<vmem>> -> memref<128xi32, #tpu.memory_space<vmem>>
          %dma_start3A_352 = tpu.memref_slice %arg3[%mul3A_343] : memref<100000xi32, #tpu.memory_space<hbm>> -> memref<128xi32, #tpu.memory_space<hbm>>
          tpu.enqueue_dma source(%dma_start3A_352 : memref<128xi32, #tpu.memory_space<hbm>>) target(%dma_start3A_351 : memref<128xi32, #tpu.memory_space<vmem>>) target_semaphore(%arg15 : memref<!tpu.dma_semaphore, #tpu.memory_space<semaphore_mem>>)
          %dma_start3A_353 = arith.constant 1 : i32
          %dma_start3A_354 = arith.constant 0 : i32
          %dma_start3A_355 = arith.constant 0 : i32
          %dma_start3A_356 = tpu.memref_slice %arg9[%dma_start3A_353, %dma_start3A_354, %dma_start3A_355] : memref<2x128x64xf32, #tpu.memory_space<vmem>> -> memref<1x128x64xf32, #tpu.memory_space<vmem>>
          %dma_start3A_357 = tpu.memref_squeeze %dma_start3A_356 : memref<1x128x64xf32, #tpu.memory_space<vmem>> -> memref<128x64xf32, #tpu.memory_space<vmem>>
          %dma_start3A_358 = tpu.memref_slice %arg2[%mul3A_343, %mul3A_0] : memref<100000x128xf32, #tpu.memory_space<hbm>> -> memref<128x64xf32, #tpu.memory_space<hbm>>
          %dma_start3A_359 = arith.constant 0 : i32
          %dma_start3A_360 = arith.constant 0 : i32
          %dma_start3A_361 = tpu.memref_slice %arg9[%dma_start3A_353, %dma_start3A_359, %dma_start3A_360] : memref<2x128x64xf32, #tpu.memory_space<vmem>> -> memref<1x128x64xf32, #tpu.memory_space<vmem>>
          %dma_start3A_362 = tpu.memref_squeeze %dma_start3A_361 : memref<1x128x64xf32, #tpu.memory_space<vmem>> -> memref<128x64xf32, #tpu.memory_space<vmem>>
          %dma_start3A_363 = tpu.memref_slice %arg2[%mul3A_343, %mul3A_0] : memref<100000x128xf32, #tpu.memory_space<hbm>> -> memref<128x64xf32, #tpu.memory_space<hbm>>
          tpu.enqueue_dma source(%dma_start3A_363 : memref<128x64xf32, #tpu.memory_space<hbm>>) target(%dma_start3A_362 : memref<128x64xf32, #tpu.memory_space<vmem>>) target_semaphore(%arg15 : memref<!tpu.dma_semaphore, #tpu.memory_space<semaphore_mem>>)
        } else {
        }
        %dma_start3A = arith.constant 0 : i32
        %dma_start3A_320 = arith.constant 0 : i32
        %dma_start3A_321 = arith.constant 0 : i32
        %dma_start3A_322 = arith.constant 0 : i32
        %dma_start3A_323 = tpu.memref_slice %arg9[%dma_start3A, %dma_start3A_321, %dma_start3A_322] : memref<2x128x64xf32, #tpu.memory_space<vmem>> -> memref<1x128x64xf32, #tpu.memory_space<vmem>>
        %dma_start3A_324 = tpu.memref_squeeze %dma_start3A_323 : memref<1x128x64xf32, #tpu.memory_space<vmem>> -> memref<128x64xf32, #tpu.memory_space<vmem>>
        %dma_start3A_325 = arith.constant 0 : i32
        %dma_start3A_326 = tpu.memref_slice %arg7[%dma_start3A_320, %dma_start3A_325] : memref<2x128xi32, #tpu.memory_space<vmem>> -> memref<1x128xi32, #tpu.memory_space<vmem>>
        %dma_start3A_327 = tpu.memref_squeeze %dma_start3A_326 : memref<1x128xi32, #tpu.memory_space<vmem>> -> memref<128xi32, #tpu.memory_space<vmem>>
        %dma_start3A_328 = arith.constant 0 : i32
        %dma_start3A_329 = arith.constant 0 : i32
        %dma_start3A_330 = tpu.memref_slice %arg5[%dma_start3A_328, %dma_start3A_329] : memref<25000x64xf32, #tpu.memory_space<vmem_shared>> -> memref<25000x64xf32, #tpu.memory_space<vmem_shared>>
        tpu.enqueue_indirect_dma source(%dma_start3A_324 : memref<128x64xf32, #tpu.memory_space<vmem>>) target(%dma_start3A_330 : memref<25000x64xf32, #tpu.memory_space<vmem_shared>>) offsets(%dma_start3A_327 : memref<128xi32, #tpu.memory_space<vmem>>) semaphore(%arg16 : memref<!tpu.dma_semaphore, #tpu.memory_space<semaphore_mem>>) {add = true}
        %dma_start3A_331 = arith.constant 0 : i32
        %dma_start3A_332 = arith.constant 0 : i32
        %dma_start3A_333 = tpu.memref_slice %arg7[%dma_start3A_331, %dma_start3A_332] : memref<2x128xi32, #tpu.memory_space<vmem>> -> memref<1x128xi32, #tpu.memory_space<vmem>>
        %dma_start3A_334 = tpu.memref_squeeze %dma_start3A_333 : memref<1x128xi32, #tpu.memory_space<vmem>> -> memref<128xi32, #tpu.memory_space<vmem>>
        %dma_start3A_335 = arith.constant 0 : i32
        %dma_start3A_336 = tpu.memref_slice %arg6[%dma_start3A_335] : memref<25000xf32, #tpu.memory_space<vmem_shared>> -> memref<25000xf32, #tpu.memory_space<vmem_shared>>
        tpu.enqueue_indirect_dma source(%arg11 : memref<128xf32, #tpu.memory_space<vmem>>) target(%dma_start3A_336 : memref<25000xf32, #tpu.memory_space<vmem_shared>>) offsets(%dma_start3A_334 : memref<128xi32, #tpu.memory_space<vmem>>) semaphore(%arg16 : memref<!tpu.dma_semaphore, #tpu.memory_space<semaphore_mem>>) {add = true}
      } else {
      }
      %not3A = arith.constant true
      %not3A_288 = arith.xori %eq3A_284, %not3A : i1
      %convert_element_type3A_289 = arith.extui %not3A_288 : i1 to i32
      %cond3A_290 = arith.constant 0 : i32
      %cond3A_291 = arith.cmpi ne, %convert_element_type3A_289, %cond3A_290 : i32
      scf.if %cond3A_291 {
        %mul3A_293 = arith.constant 128 : i32
        %mul3A_294 = arith.muli %while3A_264, %mul3A_293 : i32
        %dma_wait3A = arith.constant 1 : i32
        %dma_wait3A_295 = arith.constant 0 : i32
        %dma_wait3A_296 = tpu.memref_slice %arg7[%dma_wait3A, %dma_wait3A_295] : memref<2x128xi32, #tpu.memory_space<vmem>> -> memref<1x128xi32, #tpu.memory_space<vmem>>
        %dma_wait3A_297 = tpu.memref_squeeze %dma_wait3A_296 : memref<1x128xi32, #tpu.memory_space<vmem>> -> memref<128xi32, #tpu.memory_space<vmem>>
        %dma_wait3A_298 = tpu.memref_slice %arg3[%mul3A_294] : memref<100000xi32, #tpu.memory_space<hbm>> -> memref<128xi32, #tpu.memory_space<hbm>>
        %dma_wait3A_299 = arith.constant 0 : i32
        %dma_wait3A_300 = tpu.memref_slice %arg7[%dma_wait3A, %dma_wait3A_299] : memref<2x128xi32, #tpu.memory_space<vmem>> -> memref<1x128xi32, #tpu.memory_space<vmem>>
        %dma_wait3A_301 = tpu.memref_squeeze %dma_wait3A_300 : memref<1x128xi32, #tpu.memory_space<vmem>> -> memref<128xi32, #tpu.memory_space<vmem>>
        %dma_wait3A_302 = tpu.memref_slice %arg3[%mul3A_294] : memref<100000xi32, #tpu.memory_space<hbm>> -> memref<128xi32, #tpu.memory_space<hbm>>
        tpu.wait_dma2 semaphore(%arg15 : memref<!tpu.dma_semaphore, #tpu.memory_space<semaphore_mem>>) src(%dma_wait3A_302 : memref<128xi32, #tpu.memory_space<hbm>>) dst(%dma_wait3A_301 : memref<128xi32, #tpu.memory_space<vmem>>)
        %dma_wait3A_303 = arith.constant 1 : i32
        %dma_wait3A_304 = arith.constant 0 : i32
        %dma_wait3A_305 = arith.constant 0 : i32
        %dma_wait3A_306 = tpu.memref_slice %arg9[%dma_wait3A_303, %dma_wait3A_304, %dma_wait3A_305] : memref<2x128x64xf32, #tpu.memory_space<vmem>> -> memref<1x128x64xf32, #tpu.memory_space<vmem>>
        %dma_wait3A_307 = tpu.memref_squeeze %dma_wait3A_306 : memref<1x128x64xf32, #tpu.memory_space<vmem>> -> memref<128x64xf32, #tpu.memory_space<vmem>>
        %dma_wait3A_308 = tpu.memref_slice %arg2[%mul3A_294, %mul3A_0] : memref<100000x128xf32, #tpu.memory_space<hbm>> -> memref<128x64xf32, #tpu.memory_space<hbm>>
        %dma_wait3A_309 = arith.constant 0 : i32
        %dma_wait3A_310 = arith.constant 0 : i32
        %dma_wait3A_311 = tpu.memref_slice %arg9[%dma_wait3A_303, %dma_wait3A_309, %dma_wait3A_310] : memref<2x128x64xf32, #tpu.memory_space<vmem>> -> memref<1x128x64xf32, #tpu.memory_space<vmem>>
        %dma_wait3A_312 = tpu.memref_squeeze %dma_wait3A_311 : memref<1x128x64xf32, #tpu.memory_space<vmem>> -> memref<128x64xf32, #tpu.memory_space<vmem>>
        %dma_wait3A_313 = tpu.memref_slice %arg2[%mul3A_294, %mul3A_0] : memref<100000x128xf32, #tpu.memory_space<hbm>> -> memref<128x64xf32, #tpu.memory_space<hbm>>
        tpu.wait_dma2 semaphore(%arg15 : memref<!tpu.dma_semaphore, #tpu.memory_space<semaphore_mem>>) src(%dma_wait3A_313 : memref<128x64xf32, #tpu.memory_space<hbm>>) dst(%dma_wait3A_312 : memref<128x64xf32, #tpu.memory_space<vmem>>)
        %add3A_314 = arith.constant 1 : i32
        %add3A_315 = arith.addi %while3A_264, %add3A_314 : i32
        %lt3A_316 = arith.cmpi slt, %add3A_315, %select_n3A_133 : i32
        %convert_element_type3A_317 = arith.extui %lt3A_316 : i1 to i32
        %cond3A_318 = arith.constant 0 : i32
        %cond3A_319 = arith.cmpi ne, %convert_element_type3A_317, %cond3A_318 : i32
        scf.if %cond3A_319 {
          %gt3A = arith.cmpi sgt, %while3A_264, %select_n3A : i32
          %convert_element_type3A_337 = arith.extui %gt3A : i1 to i32
          %cond3A_338 = arith.constant 0 : i32
          %cond3A_339 = arith.cmpi ne, %convert_element_type3A_337, %cond3A_338 : i32
          scf.if %cond3A_339 {
            %dma_wait3A_364 = arith.constant 0 : i32
            %dma_wait3A_365 = arith.constant 0 : i32
            %dma_wait3A_366 = arith.constant 0 : i32
            %dma_wait3A_367 = arith.constant 0 : i32
            %dma_wait3A_368 = tpu.memref_slice %arg9[%dma_wait3A_364, %dma_wait3A_366, %dma_wait3A_367] : memref<2x128x64xf32, #tpu.memory_space<vmem>> -> memref<1x128x64xf32, #tpu.memory_space<vmem>>
            %dma_wait3A_369 = tpu.memref_squeeze %dma_wait3A_368 : memref<1x128x64xf32, #tpu.memory_space<vmem>> -> memref<128x64xf32, #tpu.memory_space<vmem>>
            %dma_wait3A_370 = arith.constant 0 : i32
            %dma_wait3A_371 = tpu.memref_slice %arg7[%dma_wait3A_365, %dma_wait3A_370] : memref<2x128xi32, #tpu.memory_space<vmem>> -> memref<1x128xi32, #tpu.memory_space<vmem>>
            %dma_wait3A_372 = tpu.memref_squeeze %dma_wait3A_371 : memref<1x128xi32, #tpu.memory_space<vmem>> -> memref<128xi32, #tpu.memory_space<vmem>>
            %dma_wait3A_373 = arith.constant 0 : i32
            %dma_wait3A_374 = arith.constant 0 : i32
            %dma_wait3A_375 = tpu.memref_slice %arg5[%dma_wait3A_373, %dma_wait3A_374] : memref<25000x64xf32, #tpu.memory_space<vmem_shared>> -> memref<25000x64xf32, #tpu.memory_space<vmem_shared>>
            tpu.wait_indirect_dma semaphore(%arg16 : memref<!tpu.dma_semaphore, #tpu.memory_space<semaphore_mem>>) src(%dma_wait3A_369 : memref<128x64xf32, #tpu.memory_space<vmem>>) dst(%dma_wait3A_375 : memref<25000x64xf32, #tpu.memory_space<vmem_shared>>)
            %dma_wait3A_376 = arith.constant 0 : i32
            %dma_wait3A_377 = arith.constant 0 : i32
            %dma_wait3A_378 = tpu.memref_slice %arg7[%dma_wait3A_376, %dma_wait3A_377] : memref<2x128xi32, #tpu.memory_space<vmem>> -> memref<1x128xi32, #tpu.memory_space<vmem>>
            %dma_wait3A_379 = tpu.memref_squeeze %dma_wait3A_378 : memref<1x128xi32, #tpu.memory_space<vmem>> -> memref<128xi32, #tpu.memory_space<vmem>>
            %dma_wait3A_380 = arith.constant 0 : i32
            %dma_wait3A_381 = tpu.memref_slice %arg6[%dma_wait3A_380] : memref<25000xf32, #tpu.memory_space<vmem_shared>> -> memref<25000xf32, #tpu.memory_space<vmem_shared>>
            tpu.wait_indirect_dma semaphore(%arg16 : memref<!tpu.dma_semaphore, #tpu.memory_space<semaphore_mem>>) src(%arg11 : memref<128xf32, #tpu.memory_space<vmem>>) dst(%dma_wait3A_381 : memref<25000xf32, #tpu.memory_space<vmem_shared>>)
          } else {
          }
          %add3A_340 = arith.constant 1 : i32
          %add3A_341 = arith.addi %while3A_264, %add3A_340 : i32
          %mul3A_342 = arith.constant 128 : i32
          %mul3A_343 = arith.muli %add3A_341, %mul3A_342 : i32
          %dma_start3A_344 = arith.constant 0 : i32
          %dma_start3A_345 = arith.constant 0 : i32
          %dma_start3A_346 = tpu.memref_slice %arg7[%dma_start3A_344, %dma_start3A_345] : memref<2x128xi32, #tpu.memory_space<vmem>> -> memref<1x128xi32, #tpu.memory_space<vmem>>
          %dma_start3A_347 = tpu.memref_squeeze %dma_start3A_346 : memref<1x128xi32, #tpu.memory_space<vmem>> -> memref<128xi32, #tpu.memory_space<vmem>>
          %dma_start3A_348 = tpu.memref_slice %arg3[%mul3A_343] : memref<100000xi32, #tpu.memory_space<hbm>> -> memref<128xi32, #tpu.memory_space<hbm>>
          %dma_start3A_349 = arith.constant 0 : i32
          %dma_start3A_350 = tpu.memref_slice %arg7[%dma_start3A_344, %dma_start3A_349] : memref<2x128xi32, #tpu.memory_space<vmem>> -> memref<1x128xi32, #tpu.memory_space<vmem>>
          %dma_start3A_351 = tpu.memref_squeeze %dma_start3A_350 : memref<1x128xi32, #tpu.memory_space<vmem>> -> memref<128xi32, #tpu.memory_space<vmem>>
          %dma_start3A_352 = tpu.memref_slice %arg3[%mul3A_343] : memref<100000xi32, #tpu.memory_space<hbm>> -> memref<128xi32, #tpu.memory_space<hbm>>
          tpu.enqueue_dma source(%dma_start3A_352 : memref<128xi32, #tpu.memory_space<hbm>>) target(%dma_start3A_351 : memref<128xi32, #tpu.memory_space<vmem>>) target_semaphore(%arg14 : memref<!tpu.dma_semaphore, #tpu.memory_space<semaphore_mem>>)
          %dma_start3A_353 = arith.constant 0 : i32
          %dma_start3A_354 = arith.constant 0 : i32
          %dma_start3A_355 = arith.constant 0 : i32
          %dma_start3A_356 = tpu.memref_slice %arg9[%dma_start3A_353, %dma_start3A_354, %dma_start3A_355] : memref<2x128x64xf32, #tpu.memory_space<vmem>> -> memref<1x128x64xf32, #tpu.memory_space<vmem>>
          %dma_start3A_357 = tpu.memref_squeeze %dma_start3A_356 : memref<1x128x64xf32, #tpu.memory_space<vmem>> -> memref<128x64xf32, #tpu.memory_space<vmem>>
          %dma_start3A_358 = tpu.memref_slice %arg2[%mul3A_343, %mul3A_0] : memref<100000x128xf32, #tpu.memory_space<hbm>> -> memref<128x64xf32, #tpu.memory_space<hbm>>
          %dma_start3A_359 = arith.constant 0 : i32
          %dma_start3A_360 = arith.constant 0 : i32
          %dma_start3A_361 = tpu.memref_slice %arg9[%dma_start3A_353, %dma_start3A_359, %dma_start3A_360] : memref<2x128x64xf32, #tpu.memory_space<vmem>> -> memref<1x128x64xf32, #tpu.memory_space<vmem>>
          %dma_start3A_362 = tpu.memref_squeeze %dma_start3A_361 : memref<1x128x64xf32, #tpu.memory_space<vmem>> -> memref<128x64xf32, #tpu.memory_space<vmem>>
          %dma_start3A_363 = tpu.memref_slice %arg2[%mul3A_343, %mul3A_0] : memref<100000x128xf32, #tpu.memory_space<hbm>> -> memref<128x64xf32, #tpu.memory_space<hbm>>
          tpu.enqueue_dma source(%dma_start3A_363 : memref<128x64xf32, #tpu.memory_space<hbm>>) target(%dma_start3A_362 : memref<128x64xf32, #tpu.memory_space<vmem>>) target_semaphore(%arg14 : memref<!tpu.dma_semaphore, #tpu.memory_space<semaphore_mem>>)
        } else {
        }
        %dma_start3A = arith.constant 1 : i32
        %dma_start3A_320 = arith.constant 1 : i32
        %dma_start3A_321 = arith.constant 0 : i32
        %dma_start3A_322 = arith.constant 0 : i32
        %dma_start3A_323 = tpu.memref_slice %arg9[%dma_start3A, %dma_start3A_321, %dma_start3A_322] : memref<2x128x64xf32, #tpu.memory_space<vmem>> -> memref<1x128x64xf32, #tpu.memory_space<vmem>>
        %dma_start3A_324 = tpu.memref_squeeze %dma_start3A_323 : memref<1x128x64xf32, #tpu.memory_space<vmem>> -> memref<128x64xf32, #tpu.memory_space<vmem>>
        %dma_start3A_325 = arith.constant 0 : i32
        %dma_start3A_326 = tpu.memref_slice %arg7[%dma_start3A_320, %dma_start3A_325] : memref<2x128xi32, #tpu.memory_space<vmem>> -> memref<1x128xi32, #tpu.memory_space<vmem>>
        %dma_start3A_327 = tpu.memref_squeeze %dma_start3A_326 : memref<1x128xi32, #tpu.memory_space<vmem>> -> memref<128xi32, #tpu.memory_space<vmem>>
        %dma_start3A_328 = arith.constant 0 : i32
        %dma_start3A_329 = arith.constant 0 : i32
        %dma_start3A_330 = tpu.memref_slice %arg5[%dma_start3A_328, %dma_start3A_329] : memref<25000x64xf32, #tpu.memory_space<vmem_shared>> -> memref<25000x64xf32, #tpu.memory_space<vmem_shared>>
        tpu.enqueue_indirect_dma source(%dma_start3A_324 : memref<128x64xf32, #tpu.memory_space<vmem>>) target(%dma_start3A_330 : memref<25000x64xf32, #tpu.memory_space<vmem_shared>>) offsets(%dma_start3A_327 : memref<128xi32, #tpu.memory_space<vmem>>) semaphore(%arg17 : memref<!tpu.dma_semaphore, #tpu.memory_space<semaphore_mem>>) {add = true}
        %dma_start3A_331 = arith.constant 1 : i32
        %dma_start3A_332 = arith.constant 0 : i32
        %dma_start3A_333 = tpu.memref_slice %arg7[%dma_start3A_331, %dma_start3A_332] : memref<2x128xi32, #tpu.memory_space<vmem>> -> memref<1x128xi32, #tpu.memory_space<vmem>>
        %dma_start3A_334 = tpu.memref_squeeze %dma_start3A_333 : memref<1x128xi32, #tpu.memory_space<vmem>> -> memref<128xi32, #tpu.memory_space<vmem>>
        %dma_start3A_335 = arith.constant 0 : i32
        %dma_start3A_336 = tpu.memref_slice %arg6[%dma_start3A_335] : memref<25000xf32, #tpu.memory_space<vmem_shared>> -> memref<25000xf32, #tpu.memory_space<vmem_shared>>
        tpu.enqueue_indirect_dma source(%arg11 : memref<128xf32, #tpu.memory_space<vmem>>) target(%dma_start3A_336 : memref<25000xf32, #tpu.memory_space<vmem_shared>>) offsets(%dma_start3A_334 : memref<128xi32, #tpu.memory_space<vmem>>) semaphore(%arg17 : memref<!tpu.dma_semaphore, #tpu.memory_space<semaphore_mem>>) {add = true}
      } else {
      }
      %while3A_292 = arith.constant 0 : i32
      scf.yield %while3A_292 : i32
    }
    "tpu.trace_stop"() : () -> ()
    %sub3A_223 = arith.subi %select_n3A_133, %select_n3A : i32
    %ge3A = arith.constant 2 : i32
    "tpu.trace_start"() <{level = 10 : i32, message = "accum_drain"}> : () -> ()
    %ge3A_224 = arith.cmpi sge, %sub3A_223, %ge3A : i32
    %convert_element_type3A_225 = arith.extui %ge3A_224 : i1 to i32
    %cond3A_226 = arith.constant 0 : i32
    %cond3A_227 = arith.cmpi ne, %convert_element_type3A_225, %cond3A_226 : i32
    scf.if %cond3A_227 {
      %sub3A_264 = arith.constant 2 : i32
      %sub3A_265 = arith.subi %select_n3A_133, %sub3A_264 : i32
      %sub3A_266 = arith.subi %sub3A_265, %select_n3A : i32
      %jit3A_267 = arith.constant 2 : i32
      %eq3A_268 = arith.constant 0 : i32
      %eq3A_269 = arith.cmpi eq, %jit3A_267, %eq3A_268 : i32
      %jit3A_270 = arith.constant 1 : i32
      %select_n3A_271 = arith.select %eq3A_269, %jit3A_270, %jit3A_267 : i32
      %rem3A_272 = arith.remsi %sub3A_266, %select_n3A_271 : i32
      %ne3A_273 = arith.constant 0 : i32
      %ne3A_274 = arith.cmpi ne, %rem3A_272, %ne3A_273 : i32
      %lt3A_275 = arith.constant 0 : i32
      %lt3A_276 = arith.cmpi slt, %rem3A_272, %lt3A_275 : i32
      %lt3A_277 = arith.constant 0 : i32
      %lt3A_278 = arith.cmpi slt, %select_n3A_271, %lt3A_277 : i32
      %ne3A_279 = arith.xori %lt3A_276, %lt3A_278 : i1
      %and3A_280 = arith.andi %ne3A_279, %ne3A_274 : i1
      %add3A_281 = arith.addi %rem3A_272, %select_n3A_271 : i32
      %select_n3A_282 = arith.select %and3A_280, %add3A_281, %rem3A_272 : i32
      %eq3A_283 = arith.constant 0 : i32
      %eq3A_284 = arith.cmpi eq, %select_n3A_282, %eq3A_283 : i32
      %convert_element_type3A_285 = arith.extui %eq3A_284 : i1 to i32
      %cond3A_286 = arith.constant 0 : i32
      %cond3A_287 = arith.cmpi ne, %convert_element_type3A_285, %cond3A_286 : i32
      scf.if %cond3A_287 {
        %dma_wait3A = arith.constant 0 : i32
        %dma_wait3A_293 = arith.constant 0 : i32
        %dma_wait3A_294 = arith.constant 0 : i32
        %dma_wait3A_295 = arith.constant 0 : i32
        %dma_wait3A_296 = tpu.memref_slice %arg9[%dma_wait3A, %dma_wait3A_294, %dma_wait3A_295] : memref<2x128x64xf32, #tpu.memory_space<vmem>> -> memref<1x128x64xf32, #tpu.memory_space<vmem>>
        %dma_wait3A_297 = tpu.memref_squeeze %dma_wait3A_296 : memref<1x128x64xf32, #tpu.memory_space<vmem>> -> memref<128x64xf32, #tpu.memory_space<vmem>>
        %dma_wait3A_298 = arith.constant 0 : i32
        %dma_wait3A_299 = tpu.memref_slice %arg7[%dma_wait3A_293, %dma_wait3A_298] : memref<2x128xi32, #tpu.memory_space<vmem>> -> memref<1x128xi32, #tpu.memory_space<vmem>>
        %dma_wait3A_300 = tpu.memref_squeeze %dma_wait3A_299 : memref<1x128xi32, #tpu.memory_space<vmem>> -> memref<128xi32, #tpu.memory_space<vmem>>
        %dma_wait3A_301 = arith.constant 0 : i32
        %dma_wait3A_302 = arith.constant 0 : i32
        %dma_wait3A_303 = tpu.memref_slice %arg5[%dma_wait3A_301, %dma_wait3A_302] : memref<25000x64xf32, #tpu.memory_space<vmem_shared>> -> memref<25000x64xf32, #tpu.memory_space<vmem_shared>>
        tpu.wait_indirect_dma semaphore(%arg16 : memref<!tpu.dma_semaphore, #tpu.memory_space<semaphore_mem>>) src(%dma_wait3A_297 : memref<128x64xf32, #tpu.memory_space<vmem>>) dst(%dma_wait3A_303 : memref<25000x64xf32, #tpu.memory_space<vmem_shared>>)
        %dma_wait3A_304 = arith.constant 0 : i32
        %dma_wait3A_305 = arith.constant 0 : i32
        %dma_wait3A_306 = tpu.memref_slice %arg7[%dma_wait3A_304, %dma_wait3A_305] : memref<2x128xi32, #tpu.memory_space<vmem>> -> memref<1x128xi32, #tpu.memory_space<vmem>>
        %dma_wait3A_307 = tpu.memref_squeeze %dma_wait3A_306 : memref<1x128xi32, #tpu.memory_space<vmem>> -> memref<128xi32, #tpu.memory_space<vmem>>
        %dma_wait3A_308 = arith.constant 0 : i32
        %dma_wait3A_309 = tpu.memref_slice %arg6[%dma_wait3A_308] : memref<25000xf32, #tpu.memory_space<vmem_shared>> -> memref<25000xf32, #tpu.memory_space<vmem_shared>>
        tpu.wait_indirect_dma semaphore(%arg16 : memref<!tpu.dma_semaphore, #tpu.memory_space<semaphore_mem>>) src(%arg11 : memref<128xf32, #tpu.memory_space<vmem>>) dst(%dma_wait3A_309 : memref<25000xf32, #tpu.memory_space<vmem_shared>>)
      } else {
      }
      %eq3A_288 = arith.constant 1 : i32
      %eq3A_289 = arith.cmpi eq, %select_n3A_282, %eq3A_288 : i32
      %convert_element_type3A_290 = arith.extui %eq3A_289 : i1 to i32
      %cond3A_291 = arith.constant 0 : i32
      %cond3A_292 = arith.cmpi ne, %convert_element_type3A_290, %cond3A_291 : i32
      scf.if %cond3A_292 {
        %dma_wait3A = arith.constant 1 : i32
        %dma_wait3A_293 = arith.constant 1 : i32
        %dma_wait3A_294 = arith.constant 0 : i32
        %dma_wait3A_295 = arith.constant 0 : i32
        %dma_wait3A_296 = tpu.memref_slice %arg9[%dma_wait3A, %dma_wait3A_294, %dma_wait3A_295] : memref<2x128x64xf32, #tpu.memory_space<vmem>> -> memref<1x128x64xf32, #tpu.memory_space<vmem>>
        %dma_wait3A_297 = tpu.memref_squeeze %dma_wait3A_296 : memref<1x128x64xf32, #tpu.memory_space<vmem>> -> memref<128x64xf32, #tpu.memory_space<vmem>>
        %dma_wait3A_298 = arith.constant 0 : i32
        %dma_wait3A_299 = tpu.memref_slice %arg7[%dma_wait3A_293, %dma_wait3A_298] : memref<2x128xi32, #tpu.memory_space<vmem>> -> memref<1x128xi32, #tpu.memory_space<vmem>>
        %dma_wait3A_300 = tpu.memref_squeeze %dma_wait3A_299 : memref<1x128xi32, #tpu.memory_space<vmem>> -> memref<128xi32, #tpu.memory_space<vmem>>
        %dma_wait3A_301 = arith.constant 0 : i32
        %dma_wait3A_302 = arith.constant 0 : i32
        %dma_wait3A_303 = tpu.memref_slice %arg5[%dma_wait3A_301, %dma_wait3A_302] : memref<25000x64xf32, #tpu.memory_space<vmem_shared>> -> memref<25000x64xf32, #tpu.memory_space<vmem_shared>>
        tpu.wait_indirect_dma semaphore(%arg17 : memref<!tpu.dma_semaphore, #tpu.memory_space<semaphore_mem>>) src(%dma_wait3A_297 : memref<128x64xf32, #tpu.memory_space<vmem>>) dst(%dma_wait3A_303 : memref<25000x64xf32, #tpu.memory_space<vmem_shared>>)
        %dma_wait3A_304 = arith.constant 1 : i32
        %dma_wait3A_305 = arith.constant 0 : i32
        %dma_wait3A_306 = tpu.memref_slice %arg7[%dma_wait3A_304, %dma_wait3A_305] : memref<2x128xi32, #tpu.memory_space<vmem>> -> memref<1x128xi32, #tpu.memory_space<vmem>>
        %dma_wait3A_307 = tpu.memref_squeeze %dma_wait3A_306 : memref<1x128xi32, #tpu.memory_space<vmem>> -> memref<128xi32, #tpu.memory_space<vmem>>
        %dma_wait3A_308 = arith.constant 0 : i32
        %dma_wait3A_309 = tpu.memref_slice %arg6[%dma_wait3A_308] : memref<25000xf32, #tpu.memory_space<vmem_shared>> -> memref<25000xf32, #tpu.memory_space<vmem_shared>>
        tpu.wait_indirect_dma semaphore(%arg17 : memref<!tpu.dma_semaphore, #tpu.memory_space<semaphore_mem>>) src(%arg11 : memref<128xf32, #tpu.memory_space<vmem>>) dst(%dma_wait3A_309 : memref<25000xf32, #tpu.memory_space<vmem_shared>>)
      } else {
      }
    } else {
    }
    %ge3A_228 = arith.constant 1 : i32
    %ge3A_229 = arith.cmpi sge, %sub3A_223, %ge3A_228 : i32
    %convert_element_type3A_230 = arith.extui %ge3A_229 : i1 to i32
    %cond3A_231 = arith.constant 0 : i32
    %cond3A_232 = arith.cmpi ne, %convert_element_type3A_230, %cond3A_231 : i32
    scf.if %cond3A_232 {
      %sub3A_264 = arith.constant 1 : i32
      %sub3A_265 = arith.subi %select_n3A_133, %sub3A_264 : i32
      %sub3A_266 = arith.subi %sub3A_265, %select_n3A : i32
      %jit3A_267 = arith.constant 2 : i32
      %eq3A_268 = arith.constant 0 : i32
      %eq3A_269 = arith.cmpi eq, %jit3A_267, %eq3A_268 : i32
      %jit3A_270 = arith.constant 1 : i32
      %select_n3A_271 = arith.select %eq3A_269, %jit3A_270, %jit3A_267 : i32
      %rem3A_272 = arith.remsi %sub3A_266, %select_n3A_271 : i32
      %ne3A_273 = arith.constant 0 : i32
      %ne3A_274 = arith.cmpi ne, %rem3A_272, %ne3A_273 : i32
      %lt3A_275 = arith.constant 0 : i32
      %lt3A_276 = arith.cmpi slt, %rem3A_272, %lt3A_275 : i32
      %lt3A_277 = arith.constant 0 : i32
      %lt3A_278 = arith.cmpi slt, %select_n3A_271, %lt3A_277 : i32
      %ne3A_279 = arith.xori %lt3A_276, %lt3A_278 : i1
      %and3A_280 = arith.andi %ne3A_279, %ne3A_274 : i1
      %add3A_281 = arith.addi %rem3A_272, %select_n3A_271 : i32
      %select_n3A_282 = arith.select %and3A_280, %add3A_281, %rem3A_272 : i32
      %eq3A_283 = arith.constant 0 : i32
      %eq3A_284 = arith.cmpi eq, %select_n3A_282, %eq3A_283 : i32
      %convert_element_type3A_285 = arith.extui %eq3A_284 : i1 to i32
      %cond3A_286 = arith.constant 0 : i32
      %cond3A_287 = arith.cmpi ne, %convert_element_type3A_285, %cond3A_286 : i32
      scf.if %cond3A_287 {
        %dma_wait3A = arith.constant 0 : i32
        %dma_wait3A_293 = arith.constant 0 : i32
        %dma_wait3A_294 = arith.constant 0 : i32
        %dma_wait3A_295 = arith.constant 0 : i32
        %dma_wait3A_296 = tpu.memref_slice %arg9[%dma_wait3A, %dma_wait3A_294, %dma_wait3A_295] : memref<2x128x64xf32, #tpu.memory_space<vmem>> -> memref<1x128x64xf32, #tpu.memory_space<vmem>>
        %dma_wait3A_297 = tpu.memref_squeeze %dma_wait3A_296 : memref<1x128x64xf32, #tpu.memory_space<vmem>> -> memref<128x64xf32, #tpu.memory_space<vmem>>
        %dma_wait3A_298 = arith.constant 0 : i32
        %dma_wait3A_299 = tpu.memref_slice %arg7[%dma_wait3A_293, %dma_wait3A_298] : memref<2x128xi32, #tpu.memory_space<vmem>> -> memref<1x128xi32, #tpu.memory_space<vmem>>
        %dma_wait3A_300 = tpu.memref_squeeze %dma_wait3A_299 : memref<1x128xi32, #tpu.memory_space<vmem>> -> memref<128xi32, #tpu.memory_space<vmem>>
        %dma_wait3A_301 = arith.constant 0 : i32
        %dma_wait3A_302 = arith.constant 0 : i32
        %dma_wait3A_303 = tpu.memref_slice %arg5[%dma_wait3A_301, %dma_wait3A_302] : memref<25000x64xf32, #tpu.memory_space<vmem_shared>> -> memref<25000x64xf32, #tpu.memory_space<vmem_shared>>
        tpu.wait_indirect_dma semaphore(%arg16 : memref<!tpu.dma_semaphore, #tpu.memory_space<semaphore_mem>>) src(%dma_wait3A_297 : memref<128x64xf32, #tpu.memory_space<vmem>>) dst(%dma_wait3A_303 : memref<25000x64xf32, #tpu.memory_space<vmem_shared>>)
        %dma_wait3A_304 = arith.constant 0 : i32
        %dma_wait3A_305 = arith.constant 0 : i32
        %dma_wait3A_306 = tpu.memref_slice %arg7[%dma_wait3A_304, %dma_wait3A_305] : memref<2x128xi32, #tpu.memory_space<vmem>> -> memref<1x128xi32, #tpu.memory_space<vmem>>
        %dma_wait3A_307 = tpu.memref_squeeze %dma_wait3A_306 : memref<1x128xi32, #tpu.memory_space<vmem>> -> memref<128xi32, #tpu.memory_space<vmem>>
        %dma_wait3A_308 = arith.constant 0 : i32
        %dma_wait3A_309 = tpu.memref_slice %arg6[%dma_wait3A_308] : memref<25000xf32, #tpu.memory_space<vmem_shared>> -> memref<25000xf32, #tpu.memory_space<vmem_shared>>
        tpu.wait_indirect_dma semaphore(%arg16 : memref<!tpu.dma_semaphore, #tpu.memory_space<semaphore_mem>>) src(%arg11 : memref<128xf32, #tpu.memory_space<vmem>>) dst(%dma_wait3A_309 : memref<25000xf32, #tpu.memory_space<vmem_shared>>)
      } else {
      }
      %eq3A_288 = arith.constant 1 : i32
      %eq3A_289 = arith.cmpi eq, %select_n3A_282, %eq3A_288 : i32
      %convert_element_type3A_290 = arith.extui %eq3A_289 : i1 to i32
      %cond3A_291 = arith.constant 0 : i32
      %cond3A_292 = arith.cmpi ne, %convert_element_type3A_290, %cond3A_291 : i32
      scf.if %cond3A_292 {
        %dma_wait3A = arith.constant 1 : i32
        %dma_wait3A_293 = arith.constant 1 : i32
        %dma_wait3A_294 = arith.constant 0 : i32
        %dma_wait3A_295 = arith.constant 0 : i32
        %dma_wait3A_296 = tpu.memref_slice %arg9[%dma_wait3A, %dma_wait3A_294, %dma_wait3A_295] : memref<2x128x64xf32, #tpu.memory_space<vmem>> -> memref<1x128x64xf32, #tpu.memory_space<vmem>>
        %dma_wait3A_297 = tpu.memref_squeeze %dma_wait3A_296 : memref<1x128x64xf32, #tpu.memory_space<vmem>> -> memref<128x64xf32, #tpu.memory_space<vmem>>
        %dma_wait3A_298 = arith.constant 0 : i32
        %dma_wait3A_299 = tpu.memref_slice %arg7[%dma_wait3A_293, %dma_wait3A_298] : memref<2x128xi32, #tpu.memory_space<vmem>> -> memref<1x128xi32, #tpu.memory_space<vmem>>
        %dma_wait3A_300 = tpu.memref_squeeze %dma_wait3A_299 : memref<1x128xi32, #tpu.memory_space<vmem>> -> memref<128xi32, #tpu.memory_space<vmem>>
        %dma_wait3A_301 = arith.constant 0 : i32
        %dma_wait3A_302 = arith.constant 0 : i32
        %dma_wait3A_303 = tpu.memref_slice %arg5[%dma_wait3A_301, %dma_wait3A_302] : memref<25000x64xf32, #tpu.memory_space<vmem_shared>> -> memref<25000x64xf32, #tpu.memory_space<vmem_shared>>
        tpu.wait_indirect_dma semaphore(%arg17 : memref<!tpu.dma_semaphore, #tpu.memory_space<semaphore_mem>>) src(%dma_wait3A_297 : memref<128x64xf32, #tpu.memory_space<vmem>>) dst(%dma_wait3A_303 : memref<25000x64xf32, #tpu.memory_space<vmem_shared>>)
        %dma_wait3A_304 = arith.constant 1 : i32
        %dma_wait3A_305 = arith.constant 0 : i32
        %dma_wait3A_306 = tpu.memref_slice %arg7[%dma_wait3A_304, %dma_wait3A_305] : memref<2x128xi32, #tpu.memory_space<vmem>> -> memref<1x128xi32, #tpu.memory_space<vmem>>
        %dma_wait3A_307 = tpu.memref_squeeze %dma_wait3A_306 : memref<1x128xi32, #tpu.memory_space<vmem>> -> memref<128xi32, #tpu.memory_space<vmem>>
        %dma_wait3A_308 = arith.constant 0 : i32
        %dma_wait3A_309 = tpu.memref_slice %arg6[%dma_wait3A_308] : memref<25000xf32, #tpu.memory_space<vmem_shared>> -> memref<25000xf32, #tpu.memory_space<vmem_shared>>
        tpu.wait_indirect_dma semaphore(%arg17 : memref<!tpu.dma_semaphore, #tpu.memory_space<semaphore_mem>>) src(%arg11 : memref<128xf32, #tpu.memory_space<vmem>>) dst(%dma_wait3A_309 : memref<25000xf32, #tpu.memory_space<vmem_shared>>)
      } else {
      }
    } else {
    }
    %eq3A = arith.constant 15 : i32
    "tpu.trace_stop"() : () -> ()
    %eq3A_233 = arith.cmpi eq, %arg1, %eq3A : i32
    %convert_element_type3A_234 = arith.extui %eq3A_233 : i1 to i32
    %cond3A_235 = arith.constant 0 : i32
    %cond3A_236 = arith.cmpi ne, %convert_element_type3A_234, %cond3A_235 : i32
    scf.if %cond3A_236 {
      "tpu.region"() ({
        %run_scoped3A = tpu.sem_alloc : memref<!tpu.dma_semaphore, #tpu.memory_space<semaphore_mem>>
        %dma_start3A = arith.constant 0 : i32
        %dma_start3A_264 = tpu.memref_slice %arg8[%dma_start3A] : memref<32xi32, #tpu.memory_space<vmem>> -> memref<32xi32, #tpu.memory_space<vmem>>
        %dma_start3A_265 = arith.constant 99968 : i32
        %dma_start3A_266 = tpu.memref_slice %arg3[%dma_start3A_265] : memref<100000xi32, #tpu.memory_space<hbm>> -> memref<32xi32, #tpu.memory_space<hbm>>
        %dma_start3A_267 = arith.constant 0 : i32
        %dma_start3A_268 = tpu.memref_slice %arg8[%dma_start3A_267] : memref<32xi32, #tpu.memory_space<vmem>> -> memref<32xi32, #tpu.memory_space<vmem>>
        %dma_start3A_269 = arith.constant 99968 : i32
        %dma_start3A_270 = tpu.memref_slice %arg3[%dma_start3A_269] : memref<100000xi32, #tpu.memory_space<hbm>> -> memref<32xi32, #tpu.memory_space<hbm>>
        tpu.enqueue_dma source(%dma_start3A_270 : memref<32xi32, #tpu.memory_space<hbm>>) target(%dma_start3A_268 : memref<32xi32, #tpu.memory_space<vmem>>) target_semaphore(%run_scoped3A : memref<!tpu.dma_semaphore, #tpu.memory_space<semaphore_mem>>)
        %dma_wait3A = arith.constant 0 : i32
        %dma_wait3A_271 = tpu.memref_slice %arg8[%dma_wait3A] : memref<32xi32, #tpu.memory_space<vmem>> -> memref<32xi32, #tpu.memory_space<vmem>>
        %dma_wait3A_272 = arith.constant 99968 : i32
        %dma_wait3A_273 = tpu.memref_slice %arg3[%dma_wait3A_272] : memref<100000xi32, #tpu.memory_space<hbm>> -> memref<32xi32, #tpu.memory_space<hbm>>
        %dma_wait3A_274 = arith.constant 0 : i32
        %dma_wait3A_275 = tpu.memref_slice %arg8[%dma_wait3A_274] : memref<32xi32, #tpu.memory_space<vmem>> -> memref<32xi32, #tpu.memory_space<vmem>>
        %dma_wait3A_276 = arith.constant 99968 : i32
        %dma_wait3A_277 = tpu.memref_slice %arg3[%dma_wait3A_276] : memref<100000xi32, #tpu.memory_space<hbm>> -> memref<32xi32, #tpu.memory_space<hbm>>
        tpu.wait_dma2 semaphore(%run_scoped3A : memref<!tpu.dma_semaphore, #tpu.memory_space<semaphore_mem>>) src(%dma_wait3A_277 : memref<32xi32, #tpu.memory_space<hbm>>) dst(%dma_wait3A_275 : memref<32xi32, #tpu.memory_space<vmem>>)
        tpu.yield
      }) : () -> ()
      "tpu.region"() ({
        %run_scoped3A = tpu.sem_alloc : memref<!tpu.dma_semaphore, #tpu.memory_space<semaphore_mem>>
        %dma_start3A = arith.constant 0 : i32
        %dma_start3A_264 = arith.constant 0 : i32
        %dma_start3A_265 = tpu.memref_slice %arg10[%dma_start3A, %dma_start3A_264] : memref<32x64xf32, #tpu.memory_space<vmem>> -> memref<32x64xf32, #tpu.memory_space<vmem>>
        %dma_start3A_266 = arith.constant 99968 : i32
        %dma_start3A_267 = tpu.memref_slice %arg2[%dma_start3A_266, %mul3A_0] : memref<100000x128xf32, #tpu.memory_space<hbm>> -> memref<32x64xf32, #tpu.memory_space<hbm>>
        %dma_start3A_268 = arith.constant 0 : i32
        %dma_start3A_269 = arith.constant 0 : i32
        %dma_start3A_270 = tpu.memref_slice %arg10[%dma_start3A_268, %dma_start3A_269] : memref<32x64xf32, #tpu.memory_space<vmem>> -> memref<32x64xf32, #tpu.memory_space<vmem>>
        %dma_start3A_271 = arith.constant 99968 : i32
        %dma_start3A_272 = tpu.memref_slice %arg2[%dma_start3A_271, %mul3A_0] : memref<100000x128xf32, #tpu.memory_space<hbm>> -> memref<32x64xf32, #tpu.memory_space<hbm>>
        tpu.enqueue_dma source(%dma_start3A_272 : memref<32x64xf32, #tpu.memory_space<hbm>>) target(%dma_start3A_270 : memref<32x64xf32, #tpu.memory_space<vmem>>) target_semaphore(%run_scoped3A : memref<!tpu.dma_semaphore, #tpu.memory_space<semaphore_mem>>)
        %dma_wait3A = arith.constant 0 : i32
        %dma_wait3A_273 = arith.constant 0 : i32
        %dma_wait3A_274 = tpu.memref_slice %arg10[%dma_wait3A, %dma_wait3A_273] : memref<32x64xf32, #tpu.memory_space<vmem>> -> memref<32x64xf32, #tpu.memory_space<vmem>>
        %dma_wait3A_275 = arith.constant 99968 : i32
        %dma_wait3A_276 = tpu.memref_slice %arg2[%dma_wait3A_275, %mul3A_0] : memref<100000x128xf32, #tpu.memory_space<hbm>> -> memref<32x64xf32, #tpu.memory_space<hbm>>
        %dma_wait3A_277 = arith.constant 0 : i32
        %dma_wait3A_278 = arith.constant 0 : i32
        %dma_wait3A_279 = tpu.memref_slice %arg10[%dma_wait3A_277, %dma_wait3A_278] : memref<32x64xf32, #tpu.memory_space<vmem>> -> memref<32x64xf32, #tpu.memory_space<vmem>>
        %dma_wait3A_280 = arith.constant 99968 : i32
        %dma_wait3A_281 = tpu.memref_slice %arg2[%dma_wait3A_280, %mul3A_0] : memref<100000x128xf32, #tpu.memory_space<hbm>> -> memref<32x64xf32, #tpu.memory_space<hbm>>
        tpu.wait_dma2 semaphore(%run_scoped3A : memref<!tpu.dma_semaphore, #tpu.memory_space<semaphore_mem>>) src(%dma_wait3A_281 : memref<32x64xf32, #tpu.memory_space<hbm>>) dst(%dma_wait3A_279 : memref<32x64xf32, #tpu.memory_space<vmem>>)
        tpu.yield
      }) : () -> ()
      "tpu.region"() ({
        %run_scoped3A = tpu.sem_alloc : memref<!tpu.dma_semaphore, #tpu.memory_space<semaphore_mem>>
        %dma_start3A = arith.constant 0 : i32
        %dma_start3A_264 = arith.constant 0 : i32
        %dma_start3A_265 = tpu.memref_slice %arg10[%dma_start3A, %dma_start3A_264] : memref<32x64xf32, #tpu.memory_space<vmem>> -> memref<32x64xf32, #tpu.memory_space<vmem>>
        %dma_start3A_266 = arith.constant 0 : i32
        %dma_start3A_267 = arith.constant 0 : i32
        %dma_start3A_268 = tpu.memref_slice %arg5[%dma_start3A_266, %dma_start3A_267] : memref<25000x64xf32, #tpu.memory_space<vmem_shared>> -> memref<25000x64xf32, #tpu.memory_space<vmem_shared>>
        tpu.enqueue_indirect_dma source(%dma_start3A_265 : memref<32x64xf32, #tpu.memory_space<vmem>>) target(%dma_start3A_268 : memref<25000x64xf32, #tpu.memory_space<vmem_shared>>) offsets(%arg8 : memref<32xi32, #tpu.memory_space<vmem>>) semaphore(%run_scoped3A : memref<!tpu.dma_semaphore, #tpu.memory_space<semaphore_mem>>) {add = true}
        %dma_wait3A = arith.constant 0 : i32
        %dma_wait3A_269 = arith.constant 0 : i32
        %dma_wait3A_270 = tpu.memref_slice %arg10[%dma_wait3A, %dma_wait3A_269] : memref<32x64xf32, #tpu.memory_space<vmem>> -> memref<32x64xf32, #tpu.memory_space<vmem>>
        %dma_wait3A_271 = arith.constant 0 : i32
        %dma_wait3A_272 = arith.constant 0 : i32
        %dma_wait3A_273 = tpu.memref_slice %arg5[%dma_wait3A_271, %dma_wait3A_272] : memref<25000x64xf32, #tpu.memory_space<vmem_shared>> -> memref<25000x64xf32, #tpu.memory_space<vmem_shared>>
        tpu.wait_indirect_dma semaphore(%run_scoped3A : memref<!tpu.dma_semaphore, #tpu.memory_space<semaphore_mem>>) src(%dma_wait3A_270 : memref<32x64xf32, #tpu.memory_space<vmem>>) dst(%dma_wait3A_273 : memref<25000x64xf32, #tpu.memory_space<vmem_shared>>)
        tpu.yield
      }) : () -> ()
      "tpu.region"() ({
        %run_scoped3A = tpu.sem_alloc : memref<!tpu.dma_semaphore, #tpu.memory_space<semaphore_mem>>
        %dma_start3A = arith.constant 0 : i32
        %dma_start3A_264 = tpu.memref_slice %arg11[%dma_start3A] : memref<128xf32, #tpu.memory_space<vmem>> -> memref<32xf32, #tpu.memory_space<vmem>>
        %dma_start3A_265 = arith.constant 0 : i32
        %dma_start3A_266 = tpu.memref_slice %arg6[%dma_start3A_265] : memref<25000xf32, #tpu.memory_space<vmem_shared>> -> memref<25000xf32, #tpu.memory_space<vmem_shared>>
        tpu.enqueue_indirect_dma source(%dma_start3A_264 : memref<32xf32, #tpu.memory_space<vmem>>) target(%dma_start3A_266 : memref<25000xf32, #tpu.memory_space<vmem_shared>>) offsets(%arg8 : memref<32xi32, #tpu.memory_space<vmem>>) semaphore(%run_scoped3A : memref<!tpu.dma_semaphore, #tpu.memory_space<semaphore_mem>>) {add = true}
        %dma_wait3A = arith.constant 0 : i32
        %dma_wait3A_267 = tpu.memref_slice %arg11[%dma_wait3A] : memref<128xf32, #tpu.memory_space<vmem>> -> memref<32xf32, #tpu.memory_space<vmem>>
        %dma_wait3A_268 = arith.constant 0 : i32
        %dma_wait3A_269 = tpu.memref_slice %arg6[%dma_wait3A_268] : memref<25000xf32, #tpu.memory_space<vmem_shared>> -> memref<25000xf32, #tpu.memory_space<vmem_shared>>
        tpu.wait_indirect_dma semaphore(%run_scoped3A : memref<!tpu.dma_semaphore, #tpu.memory_space<semaphore_mem>>) src(%dma_wait3A_267 : memref<32xf32, #tpu.memory_space<vmem>>) dst(%dma_wait3A_269 : memref<25000xf32, #tpu.memory_space<vmem_shared>>)
        tpu.yield
      }) : () -> ()
    } else {
    }
    %barrier3A_237 = arith.constant 0 : index
    tpu.barrier barrier_id(%barrier3A_237)
    %lt3A_238 = arith.cmpi slt, %select_n3A_160, %select_n3A_188 : i32
    %convert_element_type3A_239 = arith.extui %lt3A_238 : i1 to i32
    %cond3A_240 = arith.constant 0 : i32
    %cond3A_241 = arith.cmpi ne, %convert_element_type3A_239, %cond3A_240 : i32
    scf.if %cond3A_241 {
      %mul3A_264 = arith.constant 40 : i32
      %mul3A_265 = arith.muli %select_n3A_160, %mul3A_264 : i32
      %dma_start3A = arith.constant 0 : i32
      %dma_start3A_266 = arith.constant 0 : i32
      %dma_start3A_267 = arith.constant 0 : i32
      %dma_start3A_268 = tpu.memref_slice %arg12[%dma_start3A, %dma_start3A_266, %dma_start3A_267] : memref<2x40x64xf32, #tpu.memory_space<vmem>> -> memref<1x40x64xf32, #tpu.memory_space<vmem>>
      %dma_start3A_269 = tpu.memref_squeeze %dma_start3A_268 : memref<1x40x64xf32, #tpu.memory_space<vmem>> -> memref<40x64xf32, #tpu.memory_space<vmem>>
      %dma_start3A_270 = arith.constant 0 : i32
      %dma_start3A_271 = tpu.memref_slice %arg5[%mul3A_265, %dma_start3A_270] : memref<25000x64xf32, #tpu.memory_space<vmem_shared>> -> memref<40x64xf32, #tpu.memory_space<vmem_shared>>
      %dma_start3A_272 = arith.constant 0 : i32
      %dma_start3A_273 = arith.constant 0 : i32
      %dma_start3A_274 = tpu.memref_slice %arg12[%dma_start3A, %dma_start3A_272, %dma_start3A_273] : memref<2x40x64xf32, #tpu.memory_space<vmem>> -> memref<1x40x64xf32, #tpu.memory_space<vmem>>
      %dma_start3A_275 = tpu.memref_squeeze %dma_start3A_274 : memref<1x40x64xf32, #tpu.memory_space<vmem>> -> memref<40x64xf32, #tpu.memory_space<vmem>>
      %dma_start3A_276 = arith.constant 0 : i32
      %dma_start3A_277 = tpu.memref_slice %arg5[%mul3A_265, %dma_start3A_276] : memref<25000x64xf32, #tpu.memory_space<vmem_shared>> -> memref<40x64xf32, #tpu.memory_space<vmem_shared>>
      tpu.enqueue_dma source(%dma_start3A_277 : memref<40x64xf32, #tpu.memory_space<vmem_shared>>) target(%dma_start3A_275 : memref<40x64xf32, #tpu.memory_space<vmem>>) target_semaphore(%arg14 : memref<!tpu.dma_semaphore, #tpu.memory_space<semaphore_mem>>)
      %dma_start3A_278 = arith.constant 0 : i32
      %dma_start3A_279 = arith.constant 0 : i32
      %dma_start3A_280 = tpu.memref_slice %arg13[%dma_start3A_278, %dma_start3A_279] : memref<2x64xf32, #tpu.memory_space<vmem>> -> memref<1x40xf32, #tpu.memory_space<vmem>>
      %dma_start3A_281 = tpu.memref_squeeze %dma_start3A_280 : memref<1x40xf32, #tpu.memory_space<vmem>> -> memref<40xf32, #tpu.memory_space<vmem>>
      %dma_start3A_282 = tpu.memref_slice %arg6[%mul3A_265] : memref<25000xf32, #tpu.memory_space<vmem_shared>> -> memref<40xf32, #tpu.memory_space<vmem_shared>>
      %dma_start3A_283 = arith.constant 0 : i32
      %dma_start3A_284 = tpu.memref_slice %arg13[%dma_start3A_278, %dma_start3A_283] : memref<2x64xf32, #tpu.memory_space<vmem>> -> memref<1x40xf32, #tpu.memory_space<vmem>>
      %dma_start3A_285 = tpu.memref_squeeze %dma_start3A_284 : memref<1x40xf32, #tpu.memory_space<vmem>> -> memref<40xf32, #tpu.memory_space<vmem>>
      %dma_start3A_286 = tpu.memref_slice %arg6[%mul3A_265] : memref<25000xf32, #tpu.memory_space<vmem_shared>> -> memref<40xf32, #tpu.memory_space<vmem_shared>>
      tpu.enqueue_dma source(%dma_start3A_286 : memref<40xf32, #tpu.memory_space<vmem_shared>>) target(%dma_start3A_285 : memref<40xf32, #tpu.memory_space<vmem>>) target_semaphore(%arg14 : memref<!tpu.dma_semaphore, #tpu.memory_space<semaphore_mem>>)
    } else {
    }
    %while3A_242 = arith.constant 0 : i32
    "tpu.trace_start"() <{level = 10 : i32, message = "divide_phase"}> : () -> ()
    %while3A_243 = arith.subi %select_n3A_188, %select_n3A_160 : i32
    %while3A_244 = arith.addi %select_n3A_160, %while3A_243 : i32
    %while3A_245 = arith.constant 1 : i32
    %while3A_246 = arith.divsi %while3A_243, %while3A_245 : i32
    %while3A_247 = arith.muli %while3A_246, %while3A_245 : i32
    %while3A_248 = arith.addi %select_n3A_160, %while3A_247 : i32
    %while3A_249 = arith.constant 1 : i32
    %while3A_250 = scf.for %while3A_264 = %select_n3A_160 to %while3A_248 step %while3A_249 iter_args(%while3A_265 = %while3A_242) -> (i32)  : i32 {
      %sub3A_266 = arith.subi %while3A_264, %select_n3A_160 : i32
      %jit3A_267 = arith.constant 2 : i32
      %eq3A_268 = arith.constant 0 : i32
      %eq3A_269 = arith.cmpi eq, %jit3A_267, %eq3A_268 : i32
      %jit3A_270 = arith.constant 1 : i32
      %select_n3A_271 = arith.select %eq3A_269, %jit3A_270, %jit3A_267 : i32
      %rem3A_272 = arith.remsi %sub3A_266, %select_n3A_271 : i32
      %ne3A_273 = arith.constant 0 : i32
      %ne3A_274 = arith.cmpi ne, %rem3A_272, %ne3A_273 : i32
      %lt3A_275 = arith.constant 0 : i32
      %lt3A_276 = arith.cmpi slt, %rem3A_272, %lt3A_275 : i32
      %lt3A_277 = arith.constant 0 : i32
      %lt3A_278 = arith.cmpi slt, %select_n3A_271, %lt3A_277 : i32
      %ne3A_279 = arith.xori %lt3A_276, %lt3A_278 : i1
      %and3A_280 = arith.andi %ne3A_279, %ne3A_274 : i1
      %add3A_281 = arith.addi %rem3A_272, %select_n3A_271 : i32
      %select_n3A_282 = arith.select %and3A_280, %add3A_281, %rem3A_272 : i32
      %eq3A_283 = arith.constant 0 : i32
      %eq3A_284 = arith.cmpi eq, %select_n3A_282, %eq3A_283 : i32
      %convert_element_type3A_285 = arith.extui %eq3A_284 : i1 to i32
      %cond3A_286 = arith.constant 0 : i32
      %cond3A_287 = arith.cmpi ne, %convert_element_type3A_285, %cond3A_286 : i32
      scf.if %cond3A_287 {
        %mul3A_293 = arith.constant 40 : i32
        %mul3A_294 = arith.muli %while3A_264, %mul3A_293 : i32
        %dma_wait3A = arith.constant 0 : i32
        %dma_wait3A_295 = arith.constant 0 : i32
        %dma_wait3A_296 = arith.constant 0 : i32
        %dma_wait3A_297 = tpu.memref_slice %arg12[%dma_wait3A, %dma_wait3A_295, %dma_wait3A_296] : memref<2x40x64xf32, #tpu.memory_space<vmem>> -> memref<1x40x64xf32, #tpu.memory_space<vmem>>
        %dma_wait3A_298 = tpu.memref_squeeze %dma_wait3A_297 : memref<1x40x64xf32, #tpu.memory_space<vmem>> -> memref<40x64xf32, #tpu.memory_space<vmem>>
        %dma_wait3A_299 = arith.constant 0 : i32
        %dma_wait3A_300 = tpu.memref_slice %arg5[%mul3A_294, %dma_wait3A_299] : memref<25000x64xf32, #tpu.memory_space<vmem_shared>> -> memref<40x64xf32, #tpu.memory_space<vmem_shared>>
        %dma_wait3A_301 = arith.constant 0 : i32
        %dma_wait3A_302 = arith.constant 0 : i32
        %dma_wait3A_303 = tpu.memref_slice %arg12[%dma_wait3A, %dma_wait3A_301, %dma_wait3A_302] : memref<2x40x64xf32, #tpu.memory_space<vmem>> -> memref<1x40x64xf32, #tpu.memory_space<vmem>>
        %dma_wait3A_304 = tpu.memref_squeeze %dma_wait3A_303 : memref<1x40x64xf32, #tpu.memory_space<vmem>> -> memref<40x64xf32, #tpu.memory_space<vmem>>
        %dma_wait3A_305 = arith.constant 0 : i32
        %dma_wait3A_306 = tpu.memref_slice %arg5[%mul3A_294, %dma_wait3A_305] : memref<25000x64xf32, #tpu.memory_space<vmem_shared>> -> memref<40x64xf32, #tpu.memory_space<vmem_shared>>
        tpu.wait_dma2 semaphore(%arg14 : memref<!tpu.dma_semaphore, #tpu.memory_space<semaphore_mem>>) src(%dma_wait3A_306 : memref<40x64xf32, #tpu.memory_space<vmem_shared>>) dst(%dma_wait3A_304 : memref<40x64xf32, #tpu.memory_space<vmem>>)
        %dma_wait3A_307 = arith.constant 0 : i32
        %dma_wait3A_308 = arith.constant 0 : i32
        %dma_wait3A_309 = tpu.memref_slice %arg13[%dma_wait3A_307, %dma_wait3A_308] : memref<2x64xf32, #tpu.memory_space<vmem>> -> memref<1x40xf32, #tpu.memory_space<vmem>>
        %dma_wait3A_310 = tpu.memref_squeeze %dma_wait3A_309 : memref<1x40xf32, #tpu.memory_space<vmem>> -> memref<40xf32, #tpu.memory_space<vmem>>
        %dma_wait3A_311 = tpu.memref_slice %arg6[%mul3A_294] : memref<25000xf32, #tpu.memory_space<vmem_shared>> -> memref<40xf32, #tpu.memory_space<vmem_shared>>
        %dma_wait3A_312 = arith.constant 0 : i32
        %dma_wait3A_313 = tpu.memref_slice %arg13[%dma_wait3A_307, %dma_wait3A_312] : memref<2x64xf32, #tpu.memory_space<vmem>> -> memref<1x40xf32, #tpu.memory_space<vmem>>
        %dma_wait3A_314 = tpu.memref_squeeze %dma_wait3A_313 : memref<1x40xf32, #tpu.memory_space<vmem>> -> memref<40xf32, #tpu.memory_space<vmem>>
        %dma_wait3A_315 = tpu.memref_slice %arg6[%mul3A_294] : memref<25000xf32, #tpu.memory_space<vmem_shared>> -> memref<40xf32, #tpu.memory_space<vmem_shared>>
        tpu.wait_dma2 semaphore(%arg14 : memref<!tpu.dma_semaphore, #tpu.memory_space<semaphore_mem>>) src(%dma_wait3A_315 : memref<40xf32, #tpu.memory_space<vmem_shared>>) dst(%dma_wait3A_314 : memref<40xf32, #tpu.memory_space<vmem>>)
        %add3A_316 = arith.constant 1 : i32
        %add3A_317 = arith.addi %while3A_264, %add3A_316 : i32
        %lt3A_318 = arith.cmpi slt, %add3A_317, %select_n3A_188 : i32
        %convert_element_type3A_319 = arith.extui %lt3A_318 : i1 to i32
        %cond3A_320 = arith.constant 0 : i32
        %cond3A_321 = arith.cmpi ne, %convert_element_type3A_319, %cond3A_320 : i32
        scf.if %cond3A_321 {
          %gt3A = arith.cmpi sgt, %while3A_264, %select_n3A_160 : i32
          %convert_element_type3A_408 = arith.extui %gt3A : i1 to i32
          %cond3A_409 = arith.constant 0 : i32
          %cond3A_410 = arith.cmpi ne, %convert_element_type3A_408, %cond3A_409 : i32
          scf.if %cond3A_410 {
            %sub3A_437 = arith.constant 1 : i32
            %sub3A_438 = arith.subi %while3A_264, %sub3A_437 : i32
            %mul3A_439 = arith.constant 40 : i32
            %mul3A_440 = arith.muli %sub3A_438, %mul3A_439 : i32
            %dma_wait3A_441 = arith.constant 1 : i32
            %dma_wait3A_442 = arith.constant 0 : i32
            %dma_wait3A_443 = arith.constant 0 : i32
            %dma_wait3A_444 = tpu.memref_slice %arg12[%dma_wait3A_441, %dma_wait3A_442, %dma_wait3A_443] : memref<2x40x64xf32, #tpu.memory_space<vmem>> -> memref<1x40x64xf32, #tpu.memory_space<vmem>>
            %dma_wait3A_445 = tpu.memref_squeeze %dma_wait3A_444 : memref<1x40x64xf32, #tpu.memory_space<vmem>> -> memref<40x64xf32, #tpu.memory_space<vmem>>
            %dma_wait3A_446 = tpu.memref_slice %arg4[%mul3A_440, %mul3A_0] : memref<25000x128xf32, #tpu.memory_space<hbm>> -> memref<40x64xf32, #tpu.memory_space<hbm>>
            %dma_wait3A_447 = tpu.memref_slice %arg4[%mul3A_440, %mul3A_0] : memref<25000x128xf32, #tpu.memory_space<hbm>> -> memref<40x64xf32, #tpu.memory_space<hbm>>
            %dma_wait3A_448 = arith.constant 0 : i32
            %dma_wait3A_449 = arith.constant 0 : i32
            %dma_wait3A_450 = tpu.memref_slice %arg12[%dma_wait3A_441, %dma_wait3A_448, %dma_wait3A_449] : memref<2x40x64xf32, #tpu.memory_space<vmem>> -> memref<1x40x64xf32, #tpu.memory_space<vmem>>
            %dma_wait3A_451 = tpu.memref_squeeze %dma_wait3A_450 : memref<1x40x64xf32, #tpu.memory_space<vmem>> -> memref<40x64xf32, #tpu.memory_space<vmem>>
            tpu.wait_dma2 semaphore(%arg17 : memref<!tpu.dma_semaphore, #tpu.memory_space<semaphore_mem>>) src(%dma_wait3A_451 : memref<40x64xf32, #tpu.memory_space<vmem>>) dst(%dma_wait3A_447 : memref<40x64xf32, #tpu.memory_space<hbm>>)
          } else {
          }
          %add3A_411 = arith.constant 1 : i32
          %add3A_412 = arith.addi %while3A_264, %add3A_411 : i32
          %mul3A_413 = arith.constant 40 : i32
          %mul3A_414 = arith.muli %add3A_412, %mul3A_413 : i32
          %dma_start3A_415 = arith.constant 1 : i32
          %dma_start3A_416 = arith.constant 0 : i32
          %dma_start3A_417 = arith.constant 0 : i32
          %dma_start3A_418 = tpu.memref_slice %arg12[%dma_start3A_415, %dma_start3A_416, %dma_start3A_417] : memref<2x40x64xf32, #tpu.memory_space<vmem>> -> memref<1x40x64xf32, #tpu.memory_space<vmem>>
          %dma_start3A_419 = tpu.memref_squeeze %dma_start3A_418 : memref<1x40x64xf32, #tpu.memory_space<vmem>> -> memref<40x64xf32, #tpu.memory_space<vmem>>
          %dma_start3A_420 = arith.constant 0 : i32
          %dma_start3A_421 = tpu.memref_slice %arg5[%mul3A_414, %dma_start3A_420] : memref<25000x64xf32, #tpu.memory_space<vmem_shared>> -> memref<40x64xf32, #tpu.memory_space<vmem_shared>>
          %dma_start3A_422 = arith.constant 0 : i32
          %dma_start3A_423 = arith.constant 0 : i32
          %dma_start3A_424 = tpu.memref_slice %arg12[%dma_start3A_415, %dma_start3A_422, %dma_start3A_423] : memref<2x40x64xf32, #tpu.memory_space<vmem>> -> memref<1x40x64xf32, #tpu.memory_space<vmem>>
          %dma_start3A_425 = tpu.memref_squeeze %dma_start3A_424 : memref<1x40x64xf32, #tpu.memory_space<vmem>> -> memref<40x64xf32, #tpu.memory_space<vmem>>
          %dma_start3A_426 = arith.constant 0 : i32
          %dma_start3A_427 = tpu.memref_slice %arg5[%mul3A_414, %dma_start3A_426] : memref<25000x64xf32, #tpu.memory_space<vmem_shared>> -> memref<40x64xf32, #tpu.memory_space<vmem_shared>>
          tpu.enqueue_dma source(%dma_start3A_427 : memref<40x64xf32, #tpu.memory_space<vmem_shared>>) target(%dma_start3A_425 : memref<40x64xf32, #tpu.memory_space<vmem>>) target_semaphore(%arg15 : memref<!tpu.dma_semaphore, #tpu.memory_space<semaphore_mem>>)
          %dma_start3A_428 = arith.constant 1 : i32
          %dma_start3A_429 = arith.constant 0 : i32
          %dma_start3A_430 = tpu.memref_slice %arg13[%dma_start3A_428, %dma_start3A_429] : memref<2x64xf32, #tpu.memory_space<vmem>> -> memref<1x40xf32, #tpu.memory_space<vmem>>
          %dma_start3A_431 = tpu.memref_squeeze %dma_start3A_430 : memref<1x40xf32, #tpu.memory_space<vmem>> -> memref<40xf32, #tpu.memory_space<vmem>>
          %dma_start3A_432 = tpu.memref_slice %arg6[%mul3A_414] : memref<25000xf32, #tpu.memory_space<vmem_shared>> -> memref<40xf32, #tpu.memory_space<vmem_shared>>
          %dma_start3A_433 = arith.constant 0 : i32
          %dma_start3A_434 = tpu.memref_slice %arg13[%dma_start3A_428, %dma_start3A_433] : memref<2x64xf32, #tpu.memory_space<vmem>> -> memref<1x40xf32, #tpu.memory_space<vmem>>
          %dma_start3A_435 = tpu.memref_squeeze %dma_start3A_434 : memref<1x40xf32, #tpu.memory_space<vmem>> -> memref<40xf32, #tpu.memory_space<vmem>>
          %dma_start3A_436 = tpu.memref_slice %arg6[%mul3A_414] : memref<25000xf32, #tpu.memory_space<vmem_shared>> -> memref<40xf32, #tpu.memory_space<vmem_shared>>
          tpu.enqueue_dma source(%dma_start3A_436 : memref<40xf32, #tpu.memory_space<vmem_shared>>) target(%dma_start3A_435 : memref<40xf32, #tpu.memory_space<vmem>>) target_semaphore(%arg15 : memref<!tpu.dma_semaphore, #tpu.memory_space<semaphore_mem>>)
        } else {
        }
        %get3A = arith.constant 0 : i32
        %get3A_322 = arith.index_cast %get3A : i32 to index
        %get3A_323 = arith.constant 0 : index
        %get3A_324 = tpu.vector_load %arg13[%get3A_322, %get3A_323] {strides = array<i32>} : memref<2x64xf32, #tpu.memory_space<vmem>>, vector<1x16xf32>,
        %get3A_325 = vector.shape_cast %get3A_324 : vector<1x16xf32> to vector<16xf32>
        %max3A_326 = arith.constant 1.000000e+00 : f32
        %max3A_327 = vector.broadcast %max3A_326 : f32 to vector<16xf32>
        %max3A_328 = arith.maximumf %get3A_325, %max3A_327 : vector<16xf32>
        %div3A_329 = arith.constant 1.000000e+00 : f32
        %div3A_330 = vector.broadcast %div3A_329 : f32 to vector<16xf32>
        %div3A_331 = arith.divf %div3A_330, %max3A_328 : vector<16xf32>
        %swap3A_332 = arith.constant 0 : i32
        %swap3A_333 = arith.index_cast %swap3A_332 : i32 to index
        %swap3A_334 = arith.constant 0 : index
        %swap3A_335 = tpu.vector_load %arg13[%swap3A_333, %swap3A_334] {strides = array<i32>} : memref<2x64xf32, #tpu.memory_space<vmem>>, vector<1x16xf32>,
        %swap3A_336 = vector.shape_cast %swap3A_335 : vector<1x16xf32> to vector<16xf32>
        %swap3A_337 = vector.shape_cast %div3A_331 : vector<16xf32> to vector<1x16xf32>
        tpu.vector_store %arg13[%swap3A_333, %swap3A_334], %swap3A_337 {strides = array<i32>} : memref<2x64xf32, #tpu.memory_space<vmem>>, vector<1x16xf32>,
        %get3A_338 = arith.constant 0 : i32
        %get3A_339 = arith.index_cast %get3A_338 : i32 to index
        %get3A_340 = arith.constant 16 : index
        %get3A_341 = tpu.vector_load %arg13[%get3A_339, %get3A_340] {strides = array<i32>} : memref<2x64xf32, #tpu.memory_space<vmem>>, vector<1x16xf32>,
        %get3A_342 = vector.shape_cast %get3A_341 : vector<1x16xf32> to vector<16xf32>
        %max3A_343 = arith.constant 1.000000e+00 : f32
        %max3A_344 = vector.broadcast %max3A_343 : f32 to vector<16xf32>
        %max3A_345 = arith.maximumf %get3A_342, %max3A_344 : vector<16xf32>
        %div3A_346 = arith.constant 1.000000e+00 : f32
        %div3A_347 = vector.broadcast %div3A_346 : f32 to vector<16xf32>
        %div3A_348 = arith.divf %div3A_347, %max3A_345 : vector<16xf32>
        %swap3A_349 = arith.constant 0 : i32
        %swap3A_350 = arith.index_cast %swap3A_349 : i32 to index
        %swap3A_351 = arith.constant 16 : index
        %swap3A_352 = tpu.vector_load %arg13[%swap3A_350, %swap3A_351] {strides = array<i32>} : memref<2x64xf32, #tpu.memory_space<vmem>>, vector<1x16xf32>,
        %swap3A_353 = vector.shape_cast %swap3A_352 : vector<1x16xf32> to vector<16xf32>
        %swap3A_354 = vector.shape_cast %div3A_348 : vector<16xf32> to vector<1x16xf32>
        tpu.vector_store %arg13[%swap3A_350, %swap3A_351], %swap3A_354 {strides = array<i32>} : memref<2x64xf32, #tpu.memory_space<vmem>>, vector<1x16xf32>,
        %get3A_355 = arith.constant 0 : i32
        %get3A_356 = arith.index_cast %get3A_355 : i32 to index
        %get3A_357 = arith.constant 32 : index
        %get3A_358 = tpu.vector_load %arg13[%get3A_356, %get3A_357] {strides = array<i32>} : memref<2x64xf32, #tpu.memory_space<vmem>>, vector<1x16xf32>,
        %get3A_359 = vector.shape_cast %get3A_358 : vector<1x16xf32> to vector<16xf32>
        %max3A_360 = arith.constant 1.000000e+00 : f32
        %max3A_361 = vector.broadcast %max3A_360 : f32 to vector<16xf32>
        %max3A_362 = arith.maximumf %get3A_359, %max3A_361 : vector<16xf32>
        %div3A_363 = arith.constant 1.000000e+00 : f32
        %div3A_364 = vector.broadcast %div3A_363 : f32 to vector<16xf32>
        %div3A_365 = arith.divf %div3A_364, %max3A_362 : vector<16xf32>
        %swap3A_366 = arith.constant 0 : i32
        %swap3A_367 = arith.index_cast %swap3A_366 : i32 to index
        %swap3A_368 = arith.constant 32 : index
        %swap3A_369 = tpu.vector_load %arg13[%swap3A_367, %swap3A_368] {strides = array<i32>} : memref<2x64xf32, #tpu.memory_space<vmem>>, vector<1x16xf32>,
        %swap3A_370 = vector.shape_cast %swap3A_369 : vector<1x16xf32> to vector<16xf32>
        %swap3A_371 = vector.shape_cast %div3A_365 : vector<16xf32> to vector<1x16xf32>
        tpu.vector_store %arg13[%swap3A_367, %swap3A_368], %swap3A_371 {strides = array<i32>} : memref<2x64xf32, #tpu.memory_space<vmem>>, vector<1x16xf32>,
        %get3A_372 = arith.constant 0 : i32
        %get3A_373 = arith.index_cast %get3A_372 : i32 to index
        %get3A_374 = arith.constant 48 : index
        %get3A_375 = tpu.vector_load %arg13[%get3A_373, %get3A_374] {strides = array<i32>} : memref<2x64xf32, #tpu.memory_space<vmem>>, vector<1x16xf32>,
        %get3A_376 = vector.shape_cast %get3A_375 : vector<1x16xf32> to vector<16xf32>
        %max3A_377 = arith.constant 1.000000e+00 : f32
        %max3A_378 = vector.broadcast %max3A_377 : f32 to vector<16xf32>
        %max3A_379 = arith.maximumf %get3A_376, %max3A_378 : vector<16xf32>
        %div3A_380 = arith.constant 1.000000e+00 : f32
        %div3A_381 = vector.broadcast %div3A_380 : f32 to vector<16xf32>
        %div3A_382 = arith.divf %div3A_381, %max3A_379 : vector<16xf32>
        %swap3A_383 = arith.constant 0 : i32
        %swap3A_384 = arith.index_cast %swap3A_383 : i32 to index
        %swap3A_385 = arith.constant 48 : index
        %swap3A_386 = tpu.vector_load %arg13[%swap3A_384, %swap3A_385] {strides = array<i32>} : memref<2x64xf32, #tpu.memory_space<vmem>>, vector<1x16xf32>,
        %swap3A_387 = vector.shape_cast %swap3A_386 : vector<1x16xf32> to vector<16xf32>
        %swap3A_388 = vector.shape_cast %div3A_382 : vector<16xf32> to vector<1x16xf32>
        tpu.vector_store %arg13[%swap3A_384, %swap3A_385], %swap3A_388 {strides = array<i32>} : memref<2x64xf32, #tpu.memory_space<vmem>>, vector<1x16xf32>,
        %scan3A_389 = arith.constant 0 : i32
        %scan3A_390 = arith.constant 0 : i32
        %scan3A_391 = arith.constant 40 : i32
        %scan3A_392 = arith.addi %scan3A_390, %scan3A_391 : i32
        %scan3A_393 = arith.constant 1 : i32
        %scan3A_394 = scf.for %scan3A_408 = %scan3A_390 to %scan3A_392 step %scan3A_393 iter_args(%scan3A_409 = %scan3A_389) -> (i32)  : i32 {
          %get3A_410 = arith.constant 0 : i32
          %get3A_411 = arith.index_cast %get3A_410 : i32 to index
          %get3A_412 = arith.index_cast %scan3A_408 : i32 to index
          %get3A_413 = tpu.vector_load %arg13[%get3A_411, %get3A_412] {strides = array<i32>} : memref<2x64xf32, #tpu.memory_space<vmem>>, vector<1x16xf32>,
          %get3A_414 = vector.shape_cast %get3A_413 : vector<1x16xf32> to vector<16xf32>
          %slice3A = vector.extract_strided_slice %get3A_414 {offsets = [0], sizes = [1], strides = [1]} : vector<16xf32> to vector<1xf32>
          %squeeze3A = vector.extract %slice3A[0] : f32 from vector<1xf32>
          %get3A_415 = arith.constant 0 : i32
          %get3A_416 = arith.index_cast %get3A_415 : i32 to index
          %get3A_417 = arith.index_cast %scan3A_408 : i32 to index
          %get3A_418 = arith.constant 0 : index
          %get3A_419 = tpu.vector_load %arg12[%get3A_416, %get3A_417, %get3A_418] {strides = array<i32>} : memref<2x40x64xf32, #tpu.memory_space<vmem>>, vector<1x1x16xf32>,
          %get3A_420 = vector.shape_cast %get3A_419 : vector<1x1x16xf32> to vector<16xf32>
          %mul3A_421 = vector.broadcast %squeeze3A : f32 to vector<16xf32>
          %mul3A_422 = arith.mulf %get3A_420, %mul3A_421 : vector<16xf32>
          %swap3A_423 = arith.constant 0 : i32
          %swap3A_424 = arith.index_cast %swap3A_423 : i32 to index
          %swap3A_425 = arith.index_cast %scan3A_408 : i32 to index
          %swap3A_426 = arith.constant 0 : index
          %swap3A_427 = tpu.vector_load %arg12[%swap3A_424, %swap3A_425, %swap3A_426] {strides = array<i32>} : memref<2x40x64xf32, #tpu.memory_space<vmem>>, vector<1x1x16xf32>,
          %swap3A_428 = vector.shape_cast %swap3A_427 : vector<1x1x16xf32> to vector<16xf32>
          %swap3A_429 = vector.shape_cast %mul3A_422 : vector<16xf32> to vector<1x1x16xf32>
          tpu.vector_store %arg12[%swap3A_424, %swap3A_425, %swap3A_426], %swap3A_429 {strides = array<i32>} : memref<2x40x64xf32, #tpu.memory_space<vmem>>, vector<1x1x16xf32>,
          %get3A_430 = arith.constant 0 : i32
          %get3A_431 = arith.index_cast %get3A_430 : i32 to index
          %get3A_432 = arith.index_cast %scan3A_408 : i32 to index
          %get3A_433 = arith.constant 16 : index
          %get3A_434 = tpu.vector_load %arg12[%get3A_431, %get3A_432, %get3A_433] {strides = array<i32>} : memref<2x40x64xf32, #tpu.memory_space<vmem>>, vector<1x1x16xf32>,
          %get3A_435 = vector.shape_cast %get3A_434 : vector<1x1x16xf32> to vector<16xf32>
          %mul3A_436 = vector.broadcast %squeeze3A : f32 to vector<16xf32>
          %mul3A_437 = arith.mulf %get3A_435, %mul3A_436 : vector<16xf32>
          %swap3A_438 = arith.constant 0 : i32
          %swap3A_439 = arith.index_cast %swap3A_438 : i32 to index
          %swap3A_440 = arith.index_cast %scan3A_408 : i32 to index
          %swap3A_441 = arith.constant 16 : index
          %swap3A_442 = tpu.vector_load %arg12[%swap3A_439, %swap3A_440, %swap3A_441] {strides = array<i32>} : memref<2x40x64xf32, #tpu.memory_space<vmem>>, vector<1x1x16xf32>,
          %swap3A_443 = vector.shape_cast %swap3A_442 : vector<1x1x16xf32> to vector<16xf32>
          %swap3A_444 = vector.shape_cast %mul3A_437 : vector<16xf32> to vector<1x1x16xf32>
          tpu.vector_store %arg12[%swap3A_439, %swap3A_440, %swap3A_441], %swap3A_444 {strides = array<i32>} : memref<2x40x64xf32, #tpu.memory_space<vmem>>, vector<1x1x16xf32>,
          %get3A_445 = arith.constant 0 : i32
          %get3A_446 = arith.index_cast %get3A_445 : i32 to index
          %get3A_447 = arith.index_cast %scan3A_408 : i32 to index
          %get3A_448 = arith.constant 32 : index
          %get3A_449 = tpu.vector_load %arg12[%get3A_446, %get3A_447, %get3A_448] {strides = array<i32>} : memref<2x40x64xf32, #tpu.memory_space<vmem>>, vector<1x1x16xf32>,
          %get3A_450 = vector.shape_cast %get3A_449 : vector<1x1x16xf32> to vector<16xf32>
          %mul3A_451 = vector.broadcast %squeeze3A : f32 to vector<16xf32>
          %mul3A_452 = arith.mulf %get3A_450, %mul3A_451 : vector<16xf32>
          %swap3A_453 = arith.constant 0 : i32
          %swap3A_454 = arith.index_cast %swap3A_453 : i32 to index
          %swap3A_455 = arith.index_cast %scan3A_408 : i32 to index
          %swap3A_456 = arith.constant 32 : index
          %swap3A_457 = tpu.vector_load %arg12[%swap3A_454, %swap3A_455, %swap3A_456] {strides = array<i32>} : memref<2x40x64xf32, #tpu.memory_space<vmem>>, vector<1x1x16xf32>,
          %swap3A_458 = vector.shape_cast %swap3A_457 : vector<1x1x16xf32> to vector<16xf32>
          %swap3A_459 = vector.shape_cast %mul3A_452 : vector<16xf32> to vector<1x1x16xf32>
          tpu.vector_store %arg12[%swap3A_454, %swap3A_455, %swap3A_456], %swap3A_459 {strides = array<i32>} : memref<2x40x64xf32, #tpu.memory_space<vmem>>, vector<1x1x16xf32>,
          %get3A_460 = arith.constant 0 : i32
          %get3A_461 = arith.index_cast %get3A_460 : i32 to index
          %get3A_462 = arith.index_cast %scan3A_408 : i32 to index
          %get3A_463 = arith.constant 48 : index
          %get3A_464 = tpu.vector_load %arg12[%get3A_461, %get3A_462, %get3A_463] {strides = array<i32>} : memref<2x40x64xf32, #tpu.memory_space<vmem>>, vector<1x1x16xf32>,
          %get3A_465 = vector.shape_cast %get3A_464 : vector<1x1x16xf32> to vector<16xf32>
          %mul3A_466 = vector.broadcast %squeeze3A : f32 to vector<16xf32>
          %mul3A_467 = arith.mulf %get3A_465, %mul3A_466 : vector<16xf32>
          %swap3A_468 = arith.constant 0 : i32
          %swap3A_469 = arith.index_cast %swap3A_468 : i32 to index
          %swap3A_470 = arith.index_cast %scan3A_408 : i32 to index
          %swap3A_471 = arith.constant 48 : index
          %swap3A_472 = tpu.vector_load %arg12[%swap3A_469, %swap3A_470, %swap3A_471] {strides = array<i32>} : memref<2x40x64xf32, #tpu.memory_space<vmem>>, vector<1x1x16xf32>,
          %swap3A_473 = vector.shape_cast %swap3A_472 : vector<1x1x16xf32> to vector<16xf32>
          %swap3A_474 = vector.shape_cast %mul3A_467 : vector<16xf32> to vector<1x1x16xf32>
          tpu.vector_store %arg12[%swap3A_469, %swap3A_470, %swap3A_471], %swap3A_474 {strides = array<i32>} : memref<2x40x64xf32, #tpu.memory_space<vmem>>, vector<1x1x16xf32>,
          %scan3A_475 = arith.constant 0 : i32
          scf.yield %scan3A_475 : i32
        }
        %scan3A_395 = arith.constant 40 : i32
        %mul3A_396 = arith.constant 40 : i32
        %mul3A_397 = arith.muli %while3A_264, %mul3A_396 : i32
        %dma_start3A = arith.constant 0 : i32
        %dma_start3A_398 = arith.constant 0 : i32
        %dma_start3A_399 = arith.constant 0 : i32
        %dma_start3A_400 = tpu.memref_slice %arg12[%dma_start3A, %dma_start3A_398, %dma_start3A_399] : memref<2x40x64xf32, #tpu.memory_space<vmem>> -> memref<1x40x64xf32, #tpu.memory_space<vmem>>
        %dma_start3A_401 = tpu.memref_squeeze %dma_start3A_400 : memref<1x40x64xf32, #tpu.memory_space<vmem>> -> memref<40x64xf32, #tpu.memory_space<vmem>>
        %dma_start3A_402 = tpu.memref_slice %arg4[%mul3A_397, %mul3A_0] : memref<25000x128xf32, #tpu.memory_space<hbm>> -> memref<40x64xf32, #tpu.memory_space<hbm>>
        %dma_start3A_403 = tpu.memref_slice %arg4[%mul3A_397, %mul3A_0] : memref<25000x128xf32, #tpu.memory_space<hbm>> -> memref<40x64xf32, #tpu.memory_space<hbm>>
        %dma_start3A_404 = arith.constant 0 : i32
        %dma_start3A_405 = arith.constant 0 : i32
        %dma_start3A_406 = tpu.memref_slice %arg12[%dma_start3A, %dma_start3A_404, %dma_start3A_405] : memref<2x40x64xf32, #tpu.memory_space<vmem>> -> memref<1x40x64xf32, #tpu.memory_space<vmem>>
        %dma_start3A_407 = tpu.memref_squeeze %dma_start3A_406 : memref<1x40x64xf32, #tpu.memory_space<vmem>> -> memref<40x64xf32, #tpu.memory_space<vmem>>
        tpu.enqueue_dma source(%dma_start3A_407 : memref<40x64xf32, #tpu.memory_space<vmem>>) target(%dma_start3A_403 : memref<40x64xf32, #tpu.memory_space<hbm>>) target_semaphore(%arg16 : memref<!tpu.dma_semaphore, #tpu.memory_space<semaphore_mem>>)
      } else {
      }
      %not3A = arith.constant true
      %not3A_288 = arith.xori %eq3A_284, %not3A : i1
      %convert_element_type3A_289 = arith.extui %not3A_288 : i1 to i32
      %cond3A_290 = arith.constant 0 : i32
      %cond3A_291 = arith.cmpi ne, %convert_element_type3A_289, %cond3A_290 : i32
      scf.if %cond3A_291 {
        %mul3A_293 = arith.constant 40 : i32
        %mul3A_294 = arith.muli %while3A_264, %mul3A_293 : i32
        %dma_wait3A = arith.constant 1 : i32
        %dma_wait3A_295 = arith.constant 0 : i32
        %dma_wait3A_296 = arith.constant 0 : i32
        %dma_wait3A_297 = tpu.memref_slice %arg12[%dma_wait3A, %dma_wait3A_295, %dma_wait3A_296] : memref<2x40x64xf32, #tpu.memory_space<vmem>> -> memref<1x40x64xf32, #tpu.memory_space<vmem>>
        %dma_wait3A_298 = tpu.memref_squeeze %dma_wait3A_297 : memref<1x40x64xf32, #tpu.memory_space<vmem>> -> memref<40x64xf32, #tpu.memory_space<vmem>>
        %dma_wait3A_299 = arith.constant 0 : i32
        %dma_wait3A_300 = tpu.memref_slice %arg5[%mul3A_294, %dma_wait3A_299] : memref<25000x64xf32, #tpu.memory_space<vmem_shared>> -> memref<40x64xf32, #tpu.memory_space<vmem_shared>>
        %dma_wait3A_301 = arith.constant 0 : i32
        %dma_wait3A_302 = arith.constant 0 : i32
        %dma_wait3A_303 = tpu.memref_slice %arg12[%dma_wait3A, %dma_wait3A_301, %dma_wait3A_302] : memref<2x40x64xf32, #tpu.memory_space<vmem>> -> memref<1x40x64xf32, #tpu.memory_space<vmem>>
        %dma_wait3A_304 = tpu.memref_squeeze %dma_wait3A_303 : memref<1x40x64xf32, #tpu.memory_space<vmem>> -> memref<40x64xf32, #tpu.memory_space<vmem>>
        %dma_wait3A_305 = arith.constant 0 : i32
        %dma_wait3A_306 = tpu.memref_slice %arg5[%mul3A_294, %dma_wait3A_305] : memref<25000x64xf32, #tpu.memory_space<vmem_shared>> -> memref<40x64xf32, #tpu.memory_space<vmem_shared>>
        tpu.wait_dma2 semaphore(%arg15 : memref<!tpu.dma_semaphore, #tpu.memory_space<semaphore_mem>>) src(%dma_wait3A_306 : memref<40x64xf32, #tpu.memory_space<vmem_shared>>) dst(%dma_wait3A_304 : memref<40x64xf32, #tpu.memory_space<vmem>>)
        %dma_wait3A_307 = arith.constant 1 : i32
        %dma_wait3A_308 = arith.constant 0 : i32
        %dma_wait3A_309 = tpu.memref_slice %arg13[%dma_wait3A_307, %dma_wait3A_308] : memref<2x64xf32, #tpu.memory_space<vmem>> -> memref<1x40xf32, #tpu.memory_space<vmem>>
        %dma_wait3A_310 = tpu.memref_squeeze %dma_wait3A_309 : memref<1x40xf32, #tpu.memory_space<vmem>> -> memref<40xf32, #tpu.memory_space<vmem>>
        %dma_wait3A_311 = tpu.memref_slice %arg6[%mul3A_294] : memref<25000xf32, #tpu.memory_space<vmem_shared>> -> memref<40xf32, #tpu.memory_space<vmem_shared>>
        %dma_wait3A_312 = arith.constant 0 : i32
        %dma_wait3A_313 = tpu.memref_slice %arg13[%dma_wait3A_307, %dma_wait3A_312] : memref<2x64xf32, #tpu.memory_space<vmem>> -> memref<1x40xf32, #tpu.memory_space<vmem>>
        %dma_wait3A_314 = tpu.memref_squeeze %dma_wait3A_313 : memref<1x40xf32, #tpu.memory_space<vmem>> -> memref<40xf32, #tpu.memory_space<vmem>>
        %dma_wait3A_315 = tpu.memref_slice %arg6[%mul3A_294] : memref<25000xf32, #tpu.memory_space<vmem_shared>> -> memref<40xf32, #tpu.memory_space<vmem_shared>>
        tpu.wait_dma2 semaphore(%arg15 : memref<!tpu.dma_semaphore, #tpu.memory_space<semaphore_mem>>) src(%dma_wait3A_315 : memref<40xf32, #tpu.memory_space<vmem_shared>>) dst(%dma_wait3A_314 : memref<40xf32, #tpu.memory_space<vmem>>)
        %add3A_316 = arith.constant 1 : i32
        %add3A_317 = arith.addi %while3A_264, %add3A_316 : i32
        %lt3A_318 = arith.cmpi slt, %add3A_317, %select_n3A_188 : i32
        %convert_element_type3A_319 = arith.extui %lt3A_318 : i1 to i32
        %cond3A_320 = arith.constant 0 : i32
        %cond3A_321 = arith.cmpi ne, %convert_element_type3A_319, %cond3A_320 : i32
        scf.if %cond3A_321 {
          %gt3A = arith.cmpi sgt, %while3A_264, %select_n3A_160 : i32
          %convert_element_type3A_408 = arith.extui %gt3A : i1 to i32
          %cond3A_409 = arith.constant 0 : i32
          %cond3A_410 = arith.cmpi ne, %convert_element_type3A_408, %cond3A_409 : i32
          scf.if %cond3A_410 {
            %sub3A_437 = arith.constant 1 : i32
            %sub3A_438 = arith.subi %while3A_264, %sub3A_437 : i32
            %mul3A_439 = arith.constant 40 : i32
            %mul3A_440 = arith.muli %sub3A_438, %mul3A_439 : i32
            %dma_wait3A_441 = arith.constant 0 : i32
            %dma_wait3A_442 = arith.constant 0 : i32
            %dma_wait3A_443 = arith.constant 0 : i32
            %dma_wait3A_444 = tpu.memref_slice %arg12[%dma_wait3A_441, %dma_wait3A_442, %dma_wait3A_443] : memref<2x40x64xf32, #tpu.memory_space<vmem>> -> memref<1x40x64xf32, #tpu.memory_space<vmem>>
            %dma_wait3A_445 = tpu.memref_squeeze %dma_wait3A_444 : memref<1x40x64xf32, #tpu.memory_space<vmem>> -> memref<40x64xf32, #tpu.memory_space<vmem>>
            %dma_wait3A_446 = tpu.memref_slice %arg4[%mul3A_440, %mul3A_0] : memref<25000x128xf32, #tpu.memory_space<hbm>> -> memref<40x64xf32, #tpu.memory_space<hbm>>
            %dma_wait3A_447 = tpu.memref_slice %arg4[%mul3A_440, %mul3A_0] : memref<25000x128xf32, #tpu.memory_space<hbm>> -> memref<40x64xf32, #tpu.memory_space<hbm>>
            %dma_wait3A_448 = arith.constant 0 : i32
            %dma_wait3A_449 = arith.constant 0 : i32
            %dma_wait3A_450 = tpu.memref_slice %arg12[%dma_wait3A_441, %dma_wait3A_448, %dma_wait3A_449] : memref<2x40x64xf32, #tpu.memory_space<vmem>> -> memref<1x40x64xf32, #tpu.memory_space<vmem>>
            %dma_wait3A_451 = tpu.memref_squeeze %dma_wait3A_450 : memref<1x40x64xf32, #tpu.memory_space<vmem>> -> memref<40x64xf32, #tpu.memory_space<vmem>>
            tpu.wait_dma2 semaphore(%arg16 : memref<!tpu.dma_semaphore, #tpu.memory_space<semaphore_mem>>) src(%dma_wait3A_451 : memref<40x64xf32, #tpu.memory_space<vmem>>) dst(%dma_wait3A_447 : memref<40x64xf32, #tpu.memory_space<hbm>>)
          } else {
          }
          %add3A_411 = arith.constant 1 : i32
          %add3A_412 = arith.addi %while3A_264, %add3A_411 : i32
          %mul3A_413 = arith.constant 40 : i32
          %mul3A_414 = arith.muli %add3A_412, %mul3A_413 : i32
          %dma_start3A_415 = arith.constant 0 : i32
          %dma_start3A_416 = arith.constant 0 : i32
          %dma_start3A_417 = arith.constant 0 : i32
          %dma_start3A_418 = tpu.memref_slice %arg12[%dma_start3A_415, %dma_start3A_416, %dma_start3A_417] : memref<2x40x64xf32, #tpu.memory_space<vmem>> -> memref<1x40x64xf32, #tpu.memory_space<vmem>>
          %dma_start3A_419 = tpu.memref_squeeze %dma_start3A_418 : memref<1x40x64xf32, #tpu.memory_space<vmem>> -> memref<40x64xf32, #tpu.memory_space<vmem>>
          %dma_start3A_420 = arith.constant 0 : i32
          %dma_start3A_421 = tpu.memref_slice %arg5[%mul3A_414, %dma_start3A_420] : memref<25000x64xf32, #tpu.memory_space<vmem_shared>> -> memref<40x64xf32, #tpu.memory_space<vmem_shared>>
          %dma_start3A_422 = arith.constant 0 : i32
          %dma_start3A_423 = arith.constant 0 : i32
          %dma_start3A_424 = tpu.memref_slice %arg12[%dma_start3A_415, %dma_start3A_422, %dma_start3A_423] : memref<2x40x64xf32, #tpu.memory_space<vmem>> -> memref<1x40x64xf32, #tpu.memory_space<vmem>>
          %dma_start3A_425 = tpu.memref_squeeze %dma_start3A_424 : memref<1x40x64xf32, #tpu.memory_space<vmem>> -> memref<40x64xf32, #tpu.memory_space<vmem>>
          %dma_start3A_426 = arith.constant 0 : i32
          %dma_start3A_427 = tpu.memref_slice %arg5[%mul3A_414, %dma_start3A_426] : memref<25000x64xf32, #tpu.memory_space<vmem_shared>> -> memref<40x64xf32, #tpu.memory_space<vmem_shared>>
          tpu.enqueue_dma source(%dma_start3A_427 : memref<40x64xf32, #tpu.memory_space<vmem_shared>>) target(%dma_start3A_425 : memref<40x64xf32, #tpu.memory_space<vmem>>) target_semaphore(%arg14 : memref<!tpu.dma_semaphore, #tpu.memory_space<semaphore_mem>>)
          %dma_start3A_428 = arith.constant 0 : i32
          %dma_start3A_429 = arith.constant 0 : i32
          %dma_start3A_430 = tpu.memref_slice %arg13[%dma_start3A_428, %dma_start3A_429] : memref<2x64xf32, #tpu.memory_space<vmem>> -> memref<1x40xf32, #tpu.memory_space<vmem>>
          %dma_start3A_431 = tpu.memref_squeeze %dma_start3A_430 : memref<1x40xf32, #tpu.memory_space<vmem>> -> memref<40xf32, #tpu.memory_space<vmem>>
          %dma_start3A_432 = tpu.memref_slice %arg6[%mul3A_414] : memref<25000xf32, #tpu.memory_space<vmem_shared>> -> memref<40xf32, #tpu.memory_space<vmem_shared>>
          %dma_start3A_433 = arith.constant 0 : i32
          %dma_start3A_434 = tpu.memref_slice %arg13[%dma_start3A_428, %dma_start3A_433] : memref<2x64xf32, #tpu.memory_space<vmem>> -> memref<1x40xf32, #tpu.memory_space<vmem>>
          %dma_start3A_435 = tpu.memref_squeeze %dma_start3A_434 : memref<1x40xf32, #tpu.memory_space<vmem>> -> memref<40xf32, #tpu.memory_space<vmem>>
          %dma_start3A_436 = tpu.memref_slice %arg6[%mul3A_414] : memref<25000xf32, #tpu.memory_space<vmem_shared>> -> memref<40xf32, #tpu.memory_space<vmem_shared>>
          tpu.enqueue_dma source(%dma_start3A_436 : memref<40xf32, #tpu.memory_space<vmem_shared>>) target(%dma_start3A_435 : memref<40xf32, #tpu.memory_space<vmem>>) target_semaphore(%arg14 : memref<!tpu.dma_semaphore, #tpu.memory_space<semaphore_mem>>)
        } else {
        }
        %get3A = arith.constant 1 : i32
        %get3A_322 = arith.index_cast %get3A : i32 to index
        %get3A_323 = arith.constant 0 : index
        %get3A_324 = tpu.vector_load %arg13[%get3A_322, %get3A_323] {strides = array<i32>} : memref<2x64xf32, #tpu.memory_space<vmem>>, vector<1x16xf32>,
        %get3A_325 = vector.shape_cast %get3A_324 : vector<1x16xf32> to vector<16xf32>
        %max3A_326 = arith.constant 1.000000e+00 : f32
        %max3A_327 = vector.broadcast %max3A_326 : f32 to vector<16xf32>
        %max3A_328 = arith.maximumf %get3A_325, %max3A_327 : vector<16xf32>
        %div3A_329 = arith.constant 1.000000e+00 : f32
        %div3A_330 = vector.broadcast %div3A_329 : f32 to vector<16xf32>
        %div3A_331 = arith.divf %div3A_330, %max3A_328 : vector<16xf32>
        %swap3A_332 = arith.constant 1 : i32
        %swap3A_333 = arith.index_cast %swap3A_332 : i32 to index
        %swap3A_334 = arith.constant 0 : index
        %swap3A_335 = tpu.vector_load %arg13[%swap3A_333, %swap3A_334] {strides = array<i32>} : memref<2x64xf32, #tpu.memory_space<vmem>>, vector<1x16xf32>,
        %swap3A_336 = vector.shape_cast %swap3A_335 : vector<1x16xf32> to vector<16xf32>
        %swap3A_337 = vector.shape_cast %div3A_331 : vector<16xf32> to vector<1x16xf32>
        tpu.vector_store %arg13[%swap3A_333, %swap3A_334], %swap3A_337 {strides = array<i32>} : memref<2x64xf32, #tpu.memory_space<vmem>>, vector<1x16xf32>,
        %get3A_338 = arith.constant 1 : i32
        %get3A_339 = arith.index_cast %get3A_338 : i32 to index
        %get3A_340 = arith.constant 16 : index
        %get3A_341 = tpu.vector_load %arg13[%get3A_339, %get3A_340] {strides = array<i32>} : memref<2x64xf32, #tpu.memory_space<vmem>>, vector<1x16xf32>,
        %get3A_342 = vector.shape_cast %get3A_341 : vector<1x16xf32> to vector<16xf32>
        %max3A_343 = arith.constant 1.000000e+00 : f32
        %max3A_344 = vector.broadcast %max3A_343 : f32 to vector<16xf32>
        %max3A_345 = arith.maximumf %get3A_342, %max3A_344 : vector<16xf32>
        %div3A_346 = arith.constant 1.000000e+00 : f32
        %div3A_347 = vector.broadcast %div3A_346 : f32 to vector<16xf32>
        %div3A_348 = arith.divf %div3A_347, %max3A_345 : vector<16xf32>
        %swap3A_349 = arith.constant 1 : i32
        %swap3A_350 = arith.index_cast %swap3A_349 : i32 to index
        %swap3A_351 = arith.constant 16 : index
        %swap3A_352 = tpu.vector_load %arg13[%swap3A_350, %swap3A_351] {strides = array<i32>} : memref<2x64xf32, #tpu.memory_space<vmem>>, vector<1x16xf32>,
        %swap3A_353 = vector.shape_cast %swap3A_352 : vector<1x16xf32> to vector<16xf32>
        %swap3A_354 = vector.shape_cast %div3A_348 : vector<16xf32> to vector<1x16xf32>
        tpu.vector_store %arg13[%swap3A_350, %swap3A_351], %swap3A_354 {strides = array<i32>} : memref<2x64xf32, #tpu.memory_space<vmem>>, vector<1x16xf32>,
        %get3A_355 = arith.constant 1 : i32
        %get3A_356 = arith.index_cast %get3A_355 : i32 to index
        %get3A_357 = arith.constant 32 : index
        %get3A_358 = tpu.vector_load %arg13[%get3A_356, %get3A_357] {strides = array<i32>} : memref<2x64xf32, #tpu.memory_space<vmem>>, vector<1x16xf32>,
        %get3A_359 = vector.shape_cast %get3A_358 : vector<1x16xf32> to vector<16xf32>
        %max3A_360 = arith.constant 1.000000e+00 : f32
        %max3A_361 = vector.broadcast %max3A_360 : f32 to vector<16xf32>
        %max3A_362 = arith.maximumf %get3A_359, %max3A_361 : vector<16xf32>
        %div3A_363 = arith.constant 1.000000e+00 : f32
        %div3A_364 = vector.broadcast %div3A_363 : f32 to vector<16xf32>
        %div3A_365 = arith.divf %div3A_364, %max3A_362 : vector<16xf32>
        %swap3A_366 = arith.constant 1 : i32
        %swap3A_367 = arith.index_cast %swap3A_366 : i32 to index
        %swap3A_368 = arith.constant 32 : index
        %swap3A_369 = tpu.vector_load %arg13[%swap3A_367, %swap3A_368] {strides = array<i32>} : memref<2x64xf32, #tpu.memory_space<vmem>>, vector<1x16xf32>,
        %swap3A_370 = vector.shape_cast %swap3A_369 : vector<1x16xf32> to vector<16xf32>
        %swap3A_371 = vector.shape_cast %div3A_365 : vector<16xf32> to vector<1x16xf32>
        tpu.vector_store %arg13[%swap3A_367, %swap3A_368], %swap3A_371 {strides = array<i32>} : memref<2x64xf32, #tpu.memory_space<vmem>>, vector<1x16xf32>,
        %get3A_372 = arith.constant 1 : i32
        %get3A_373 = arith.index_cast %get3A_372 : i32 to index
        %get3A_374 = arith.constant 48 : index
        %get3A_375 = tpu.vector_load %arg13[%get3A_373, %get3A_374] {strides = array<i32>} : memref<2x64xf32, #tpu.memory_space<vmem>>, vector<1x16xf32>,
        %get3A_376 = vector.shape_cast %get3A_375 : vector<1x16xf32> to vector<16xf32>
        %max3A_377 = arith.constant 1.000000e+00 : f32
        %max3A_378 = vector.broadcast %max3A_377 : f32 to vector<16xf32>
        %max3A_379 = arith.maximumf %get3A_376, %max3A_378 : vector<16xf32>
        %div3A_380 = arith.constant 1.000000e+00 : f32
        %div3A_381 = vector.broadcast %div3A_380 : f32 to vector<16xf32>
        %div3A_382 = arith.divf %div3A_381, %max3A_379 : vector<16xf32>
        %swap3A_383 = arith.constant 1 : i32
        %swap3A_384 = arith.index_cast %swap3A_383 : i32 to index
        %swap3A_385 = arith.constant 48 : index
        %swap3A_386 = tpu.vector_load %arg13[%swap3A_384, %swap3A_385] {strides = array<i32>} : memref<2x64xf32, #tpu.memory_space<vmem>>, vector<1x16xf32>,
        %swap3A_387 = vector.shape_cast %swap3A_386 : vector<1x16xf32> to vector<16xf32>
        %swap3A_388 = vector.shape_cast %div3A_382 : vector<16xf32> to vector<1x16xf32>
        tpu.vector_store %arg13[%swap3A_384, %swap3A_385], %swap3A_388 {strides = array<i32>} : memref<2x64xf32, #tpu.memory_space<vmem>>, vector<1x16xf32>,
        %scan3A_389 = arith.constant 0 : i32
        %scan3A_390 = arith.constant 0 : i32
        %scan3A_391 = arith.constant 40 : i32
        %scan3A_392 = arith.addi %scan3A_390, %scan3A_391 : i32
        %scan3A_393 = arith.constant 1 : i32
        %scan3A_394 = scf.for %scan3A_408 = %scan3A_390 to %scan3A_392 step %scan3A_393 iter_args(%scan3A_409 = %scan3A_389) -> (i32)  : i32 {
          %get3A_410 = arith.constant 1 : i32
          %get3A_411 = arith.index_cast %get3A_410 : i32 to index
          %get3A_412 = arith.index_cast %scan3A_408 : i32 to index
          %get3A_413 = tpu.vector_load %arg13[%get3A_411, %get3A_412] {strides = array<i32>} : memref<2x64xf32, #tpu.memory_space<vmem>>, vector<1x16xf32>,
          %get3A_414 = vector.shape_cast %get3A_413 : vector<1x16xf32> to vector<16xf32>
          %slice3A = vector.extract_strided_slice %get3A_414 {offsets = [0], sizes = [1], strides = [1]} : vector<16xf32> to vector<1xf32>
          %squeeze3A = vector.extract %slice3A[0] : f32 from vector<1xf32>
          %get3A_415 = arith.constant 1 : i32
          %get3A_416 = arith.index_cast %get3A_415 : i32 to index
          %get3A_417 = arith.index_cast %scan3A_408 : i32 to index
          %get3A_418 = arith.constant 0 : index
          %get3A_419 = tpu.vector_load %arg12[%get3A_416, %get3A_417, %get3A_418] {strides = array<i32>} : memref<2x40x64xf32, #tpu.memory_space<vmem>>, vector<1x1x16xf32>,
          %get3A_420 = vector.shape_cast %get3A_419 : vector<1x1x16xf32> to vector<16xf32>
          %mul3A_421 = vector.broadcast %squeeze3A : f32 to vector<16xf32>
          %mul3A_422 = arith.mulf %get3A_420, %mul3A_421 : vector<16xf32>
          %swap3A_423 = arith.constant 1 : i32
          %swap3A_424 = arith.index_cast %swap3A_423 : i32 to index
          %swap3A_425 = arith.index_cast %scan3A_408 : i32 to index
          %swap3A_426 = arith.constant 0 : index
          %swap3A_427 = tpu.vector_load %arg12[%swap3A_424, %swap3A_425, %swap3A_426] {strides = array<i32>} : memref<2x40x64xf32, #tpu.memory_space<vmem>>, vector<1x1x16xf32>,
          %swap3A_428 = vector.shape_cast %swap3A_427 : vector<1x1x16xf32> to vector<16xf32>
          %swap3A_429 = vector.shape_cast %mul3A_422 : vector<16xf32> to vector<1x1x16xf32>
          tpu.vector_store %arg12[%swap3A_424, %swap3A_425, %swap3A_426], %swap3A_429 {strides = array<i32>} : memref<2x40x64xf32, #tpu.memory_space<vmem>>, vector<1x1x16xf32>,
          %get3A_430 = arith.constant 1 : i32
          %get3A_431 = arith.index_cast %get3A_430 : i32 to index
          %get3A_432 = arith.index_cast %scan3A_408 : i32 to index
          %get3A_433 = arith.constant 16 : index
          %get3A_434 = tpu.vector_load %arg12[%get3A_431, %get3A_432, %get3A_433] {strides = array<i32>} : memref<2x40x64xf32, #tpu.memory_space<vmem>>, vector<1x1x16xf32>,
          %get3A_435 = vector.shape_cast %get3A_434 : vector<1x1x16xf32> to vector<16xf32>
          %mul3A_436 = vector.broadcast %squeeze3A : f32 to vector<16xf32>
          %mul3A_437 = arith.mulf %get3A_435, %mul3A_436 : vector<16xf32>
          %swap3A_438 = arith.constant 1 : i32
          %swap3A_439 = arith.index_cast %swap3A_438 : i32 to index
          %swap3A_440 = arith.index_cast %scan3A_408 : i32 to index
          %swap3A_441 = arith.constant 16 : index
          %swap3A_442 = tpu.vector_load %arg12[%swap3A_439, %swap3A_440, %swap3A_441] {strides = array<i32>} : memref<2x40x64xf32, #tpu.memory_space<vmem>>, vector<1x1x16xf32>,
          %swap3A_443 = vector.shape_cast %swap3A_442 : vector<1x1x16xf32> to vector<16xf32>
          %swap3A_444 = vector.shape_cast %mul3A_437 : vector<16xf32> to vector<1x1x16xf32>
          tpu.vector_store %arg12[%swap3A_439, %swap3A_440, %swap3A_441], %swap3A_444 {strides = array<i32>} : memref<2x40x64xf32, #tpu.memory_space<vmem>>, vector<1x1x16xf32>,
          %get3A_445 = arith.constant 1 : i32
          %get3A_446 = arith.index_cast %get3A_445 : i32 to index
          %get3A_447 = arith.index_cast %scan3A_408 : i32 to index
          %get3A_448 = arith.constant 32 : index
          %get3A_449 = tpu.vector_load %arg12[%get3A_446, %get3A_447, %get3A_448] {strides = array<i32>} : memref<2x40x64xf32, #tpu.memory_space<vmem>>, vector<1x1x16xf32>,
          %get3A_450 = vector.shape_cast %get3A_449 : vector<1x1x16xf32> to vector<16xf32>
          %mul3A_451 = vector.broadcast %squeeze3A : f32 to vector<16xf32>
          %mul3A_452 = arith.mulf %get3A_450, %mul3A_451 : vector<16xf32>
          %swap3A_453 = arith.constant 1 : i32
          %swap3A_454 = arith.index_cast %swap3A_453 : i32 to index
          %swap3A_455 = arith.index_cast %scan3A_408 : i32 to index
          %swap3A_456 = arith.constant 32 : index
          %swap3A_457 = tpu.vector_load %arg12[%swap3A_454, %swap3A_455, %swap3A_456] {strides = array<i32>} : memref<2x40x64xf32, #tpu.memory_space<vmem>>, vector<1x1x16xf32>,
          %swap3A_458 = vector.shape_cast %swap3A_457 : vector<1x1x16xf32> to vector<16xf32>
          %swap3A_459 = vector.shape_cast %mul3A_452 : vector<16xf32> to vector<1x1x16xf32>
          tpu.vector_store %arg12[%swap3A_454, %swap3A_455, %swap3A_456], %swap3A_459 {strides = array<i32>} : memref<2x40x64xf32, #tpu.memory_space<vmem>>, vector<1x1x16xf32>,
          %get3A_460 = arith.constant 1 : i32
          %get3A_461 = arith.index_cast %get3A_460 : i32 to index
          %get3A_462 = arith.index_cast %scan3A_408 : i32 to index
          %get3A_463 = arith.constant 48 : index
          %get3A_464 = tpu.vector_load %arg12[%get3A_461, %get3A_462, %get3A_463] {strides = array<i32>} : memref<2x40x64xf32, #tpu.memory_space<vmem>>, vector<1x1x16xf32>,
          %get3A_465 = vector.shape_cast %get3A_464 : vector<1x1x16xf32> to vector<16xf32>
          %mul3A_466 = vector.broadcast %squeeze3A : f32 to vector<16xf32>
          %mul3A_467 = arith.mulf %get3A_465, %mul3A_466 : vector<16xf32>
          %swap3A_468 = arith.constant 1 : i32
          %swap3A_469 = arith.index_cast %swap3A_468 : i32 to index
          %swap3A_470 = arith.index_cast %scan3A_408 : i32 to index
          %swap3A_471 = arith.constant 48 : index
          %swap3A_472 = tpu.vector_load %arg12[%swap3A_469, %swap3A_470, %swap3A_471] {strides = array<i32>} : memref<2x40x64xf32, #tpu.memory_space<vmem>>, vector<1x1x16xf32>,
          %swap3A_473 = vector.shape_cast %swap3A_472 : vector<1x1x16xf32> to vector<16xf32>
          %swap3A_474 = vector.shape_cast %mul3A_467 : vector<16xf32> to vector<1x1x16xf32>
          tpu.vector_store %arg12[%swap3A_469, %swap3A_470, %swap3A_471], %swap3A_474 {strides = array<i32>} : memref<2x40x64xf32, #tpu.memory_space<vmem>>, vector<1x1x16xf32>,
          %scan3A_475 = arith.constant 0 : i32
          scf.yield %scan3A_475 : i32
        }
        %scan3A_395 = arith.constant 40 : i32
        %mul3A_396 = arith.constant 40 : i32
        %mul3A_397 = arith.muli %while3A_264, %mul3A_396 : i32
        %dma_start3A = arith.constant 1 : i32
        %dma_start3A_398 = arith.constant 0 : i32
        %dma_start3A_399 = arith.constant 0 : i32
        %dma_start3A_400 = tpu.memref_slice %arg12[%dma_start3A, %dma_start3A_398, %dma_start3A_399] : memref<2x40x64xf32, #tpu.memory_space<vmem>> -> memref<1x40x64xf32, #tpu.memory_space<vmem>>
        %dma_start3A_401 = tpu.memref_squeeze %dma_start3A_400 : memref<1x40x64xf32, #tpu.memory_space<vmem>> -> memref<40x64xf32, #tpu.memory_space<vmem>>
        %dma_start3A_402 = tpu.memref_slice %arg4[%mul3A_397, %mul3A_0] : memref<25000x128xf32, #tpu.memory_space<hbm>> -> memref<40x64xf32, #tpu.memory_space<hbm>>
        %dma_start3A_403 = tpu.memref_slice %arg4[%mul3A_397, %mul3A_0] : memref<25000x128xf32, #tpu.memory_space<hbm>> -> memref<40x64xf32, #tpu.memory_space<hbm>>
        %dma_start3A_404 = arith.constant 0 : i32
        %dma_start3A_405 = arith.constant 0 : i32
        %dma_start3A_406 = tpu.memref_slice %arg12[%dma_start3A, %dma_start3A_404, %dma_start3A_405] : memref<2x40x64xf32, #tpu.memory_space<vmem>> -> memref<1x40x64xf32, #tpu.memory_space<vmem>>
        %dma_start3A_407 = tpu.memref_squeeze %dma_start3A_406 : memref<1x40x64xf32, #tpu.memory_space<vmem>> -> memref<40x64xf32, #tpu.memory_space<vmem>>
        tpu.enqueue_dma source(%dma_start3A_407 : memref<40x64xf32, #tpu.memory_space<vmem>>) target(%dma_start3A_403 : memref<40x64xf32, #tpu.memory_space<hbm>>) target_semaphore(%arg17 : memref<!tpu.dma_semaphore, #tpu.memory_space<semaphore_mem>>)
      } else {
      }
      %while3A_292 = arith.constant 0 : i32
      scf.yield %while3A_292 : i32
    }
    %while3A_251 = arith.constant 1 : i32
    %while3A_252 = scf.for %while3A_264 = %while3A_248 to %while3A_244 step %while3A_251 iter_args(%while3A_265 = %while3A_250) -> (i32)  : i32 {
      %sub3A_266 = arith.subi %while3A_264, %select_n3A_160 : i32
      %jit3A_267 = arith.constant 2 : i32
      %eq3A_268 = arith.constant 0 : i32
      %eq3A_269 = arith.cmpi eq, %jit3A_267, %eq3A_268 : i32
      %jit3A_270 = arith.constant 1 : i32
      %select_n3A_271 = arith.select %eq3A_269, %jit3A_270, %jit3A_267 : i32
      %rem3A_272 = arith.remsi %sub3A_266, %select_n3A_271 : i32
      %ne3A_273 = arith.constant 0 : i32
      %ne3A_274 = arith.cmpi ne, %rem3A_272, %ne3A_273 : i32
      %lt3A_275 = arith.constant 0 : i32
      %lt3A_276 = arith.cmpi slt, %rem3A_272, %lt3A_275 : i32
      %lt3A_277 = arith.constant 0 : i32
      %lt3A_278 = arith.cmpi slt, %select_n3A_271, %lt3A_277 : i32
      %ne3A_279 = arith.xori %lt3A_276, %lt3A_278 : i1
      %and3A_280 = arith.andi %ne3A_279, %ne3A_274 : i1
      %add3A_281 = arith.addi %rem3A_272, %select_n3A_271 : i32
      %select_n3A_282 = arith.select %and3A_280, %add3A_281, %rem3A_272 : i32
      %eq3A_283 = arith.constant 0 : i32
      %eq3A_284 = arith.cmpi eq, %select_n3A_282, %eq3A_283 : i32
      %convert_element_type3A_285 = arith.extui %eq3A_284 : i1 to i32
      %cond3A_286 = arith.constant 0 : i32
      %cond3A_287 = arith.cmpi ne, %convert_element_type3A_285, %cond3A_286 : i32
      scf.if %cond3A_287 {
        %mul3A_293 = arith.constant 40 : i32
        %mul3A_294 = arith.muli %while3A_264, %mul3A_293 : i32
        %dma_wait3A = arith.constant 0 : i32
        %dma_wait3A_295 = arith.constant 0 : i32
        %dma_wait3A_296 = arith.constant 0 : i32
        %dma_wait3A_297 = tpu.memref_slice %arg12[%dma_wait3A, %dma_wait3A_295, %dma_wait3A_296] : memref<2x40x64xf32, #tpu.memory_space<vmem>> -> memref<1x40x64xf32, #tpu.memory_space<vmem>>
        %dma_wait3A_298 = tpu.memref_squeeze %dma_wait3A_297 : memref<1x40x64xf32, #tpu.memory_space<vmem>> -> memref<40x64xf32, #tpu.memory_space<vmem>>
        %dma_wait3A_299 = arith.constant 0 : i32
        %dma_wait3A_300 = tpu.memref_slice %arg5[%mul3A_294, %dma_wait3A_299] : memref<25000x64xf32, #tpu.memory_space<vmem_shared>> -> memref<40x64xf32, #tpu.memory_space<vmem_shared>>
        %dma_wait3A_301 = arith.constant 0 : i32
        %dma_wait3A_302 = arith.constant 0 : i32
        %dma_wait3A_303 = tpu.memref_slice %arg12[%dma_wait3A, %dma_wait3A_301, %dma_wait3A_302] : memref<2x40x64xf32, #tpu.memory_space<vmem>> -> memref<1x40x64xf32, #tpu.memory_space<vmem>>
        %dma_wait3A_304 = tpu.memref_squeeze %dma_wait3A_303 : memref<1x40x64xf32, #tpu.memory_space<vmem>> -> memref<40x64xf32, #tpu.memory_space<vmem>>
        %dma_wait3A_305 = arith.constant 0 : i32
        %dma_wait3A_306 = tpu.memref_slice %arg5[%mul3A_294, %dma_wait3A_305] : memref<25000x64xf32, #tpu.memory_space<vmem_shared>> -> memref<40x64xf32, #tpu.memory_space<vmem_shared>>
        tpu.wait_dma2 semaphore(%arg14 : memref<!tpu.dma_semaphore, #tpu.memory_space<semaphore_mem>>) src(%dma_wait3A_306 : memref<40x64xf32, #tpu.memory_space<vmem_shared>>) dst(%dma_wait3A_304 : memref<40x64xf32, #tpu.memory_space<vmem>>)
        %dma_wait3A_307 = arith.constant 0 : i32
        %dma_wait3A_308 = arith.constant 0 : i32
        %dma_wait3A_309 = tpu.memref_slice %arg13[%dma_wait3A_307, %dma_wait3A_308] : memref<2x64xf32, #tpu.memory_space<vmem>> -> memref<1x40xf32, #tpu.memory_space<vmem>>
        %dma_wait3A_310 = tpu.memref_squeeze %dma_wait3A_309 : memref<1x40xf32, #tpu.memory_space<vmem>> -> memref<40xf32, #tpu.memory_space<vmem>>
        %dma_wait3A_311 = tpu.memref_slice %arg6[%mul3A_294] : memref<25000xf32, #tpu.memory_space<vmem_shared>> -> memref<40xf32, #tpu.memory_space<vmem_shared>>
        %dma_wait3A_312 = arith.constant 0 : i32
        %dma_wait3A_313 = tpu.memref_slice %arg13[%dma_wait3A_307, %dma_wait3A_312] : memref<2x64xf32, #tpu.memory_space<vmem>> -> memref<1x40xf32, #tpu.memory_space<vmem>>
        %dma_wait3A_314 = tpu.memref_squeeze %dma_wait3A_313 : memref<1x40xf32, #tpu.memory_space<vmem>> -> memref<40xf32, #tpu.memory_space<vmem>>
        %dma_wait3A_315 = tpu.memref_slice %arg6[%mul3A_294] : memref<25000xf32, #tpu.memory_space<vmem_shared>> -> memref<40xf32, #tpu.memory_space<vmem_shared>>
        tpu.wait_dma2 semaphore(%arg14 : memref<!tpu.dma_semaphore, #tpu.memory_space<semaphore_mem>>) src(%dma_wait3A_315 : memref<40xf32, #tpu.memory_space<vmem_shared>>) dst(%dma_wait3A_314 : memref<40xf32, #tpu.memory_space<vmem>>)
        %add3A_316 = arith.constant 1 : i32
        %add3A_317 = arith.addi %while3A_264, %add3A_316 : i32
        %lt3A_318 = arith.cmpi slt, %add3A_317, %select_n3A_188 : i32
        %convert_element_type3A_319 = arith.extui %lt3A_318 : i1 to i32
        %cond3A_320 = arith.constant 0 : i32
        %cond3A_321 = arith.cmpi ne, %convert_element_type3A_319, %cond3A_320 : i32
        scf.if %cond3A_321 {
          %gt3A = arith.cmpi sgt, %while3A_264, %select_n3A_160 : i32
          %convert_element_type3A_408 = arith.extui %gt3A : i1 to i32
          %cond3A_409 = arith.constant 0 : i32
          %cond3A_410 = arith.cmpi ne, %convert_element_type3A_408, %cond3A_409 : i32
          scf.if %cond3A_410 {
            %sub3A_437 = arith.constant 1 : i32
            %sub3A_438 = arith.subi %while3A_264, %sub3A_437 : i32
            %mul3A_439 = arith.constant 40 : i32
            %mul3A_440 = arith.muli %sub3A_438, %mul3A_439 : i32
            %dma_wait3A_441 = arith.constant 1 : i32
            %dma_wait3A_442 = arith.constant 0 : i32
            %dma_wait3A_443 = arith.constant 0 : i32
            %dma_wait3A_444 = tpu.memref_slice %arg12[%dma_wait3A_441, %dma_wait3A_442, %dma_wait3A_443] : memref<2x40x64xf32, #tpu.memory_space<vmem>> -> memref<1x40x64xf32, #tpu.memory_space<vmem>>
            %dma_wait3A_445 = tpu.memref_squeeze %dma_wait3A_444 : memref<1x40x64xf32, #tpu.memory_space<vmem>> -> memref<40x64xf32, #tpu.memory_space<vmem>>
            %dma_wait3A_446 = tpu.memref_slice %arg4[%mul3A_440, %mul3A_0] : memref<25000x128xf32, #tpu.memory_space<hbm>> -> memref<40x64xf32, #tpu.memory_space<hbm>>
            %dma_wait3A_447 = tpu.memref_slice %arg4[%mul3A_440, %mul3A_0] : memref<25000x128xf32, #tpu.memory_space<hbm>> -> memref<40x64xf32, #tpu.memory_space<hbm>>
            %dma_wait3A_448 = arith.constant 0 : i32
            %dma_wait3A_449 = arith.constant 0 : i32
            %dma_wait3A_450 = tpu.memref_slice %arg12[%dma_wait3A_441, %dma_wait3A_448, %dma_wait3A_449] : memref<2x40x64xf32, #tpu.memory_space<vmem>> -> memref<1x40x64xf32, #tpu.memory_space<vmem>>
            %dma_wait3A_451 = tpu.memref_squeeze %dma_wait3A_450 : memref<1x40x64xf32, #tpu.memory_space<vmem>> -> memref<40x64xf32, #tpu.memory_space<vmem>>
            tpu.wait_dma2 semaphore(%arg17 : memref<!tpu.dma_semaphore, #tpu.memory_space<semaphore_mem>>) src(%dma_wait3A_451 : memref<40x64xf32, #tpu.memory_space<vmem>>) dst(%dma_wait3A_447 : memref<40x64xf32, #tpu.memory_space<hbm>>)
          } else {
          }
          %add3A_411 = arith.constant 1 : i32
          %add3A_412 = arith.addi %while3A_264, %add3A_411 : i32
          %mul3A_413 = arith.constant 40 : i32
          %mul3A_414 = arith.muli %add3A_412, %mul3A_413 : i32
          %dma_start3A_415 = arith.constant 1 : i32
          %dma_start3A_416 = arith.constant 0 : i32
          %dma_start3A_417 = arith.constant 0 : i32
          %dma_start3A_418 = tpu.memref_slice %arg12[%dma_start3A_415, %dma_start3A_416, %dma_start3A_417] : memref<2x40x64xf32, #tpu.memory_space<vmem>> -> memref<1x40x64xf32, #tpu.memory_space<vmem>>
          %dma_start3A_419 = tpu.memref_squeeze %dma_start3A_418 : memref<1x40x64xf32, #tpu.memory_space<vmem>> -> memref<40x64xf32, #tpu.memory_space<vmem>>
          %dma_start3A_420 = arith.constant 0 : i32
          %dma_start3A_421 = tpu.memref_slice %arg5[%mul3A_414, %dma_start3A_420] : memref<25000x64xf32, #tpu.memory_space<vmem_shared>> -> memref<40x64xf32, #tpu.memory_space<vmem_shared>>
          %dma_start3A_422 = arith.constant 0 : i32
          %dma_start3A_423 = arith.constant 0 : i32
          %dma_start3A_424 = tpu.memref_slice %arg12[%dma_start3A_415, %dma_start3A_422, %dma_start3A_423] : memref<2x40x64xf32, #tpu.memory_space<vmem>> -> memref<1x40x64xf32, #tpu.memory_space<vmem>>
          %dma_start3A_425 = tpu.memref_squeeze %dma_start3A_424 : memref<1x40x64xf32, #tpu.memory_space<vmem>> -> memref<40x64xf32, #tpu.memory_space<vmem>>
          %dma_start3A_426 = arith.constant 0 : i32
          %dma_start3A_427 = tpu.memref_slice %arg5[%mul3A_414, %dma_start3A_426] : memref<25000x64xf32, #tpu.memory_space<vmem_shared>> -> memref<40x64xf32, #tpu.memory_space<vmem_shared>>
          tpu.enqueue_dma source(%dma_start3A_427 : memref<40x64xf32, #tpu.memory_space<vmem_shared>>) target(%dma_start3A_425 : memref<40x64xf32, #tpu.memory_space<vmem>>) target_semaphore(%arg15 : memref<!tpu.dma_semaphore, #tpu.memory_space<semaphore_mem>>)
          %dma_start3A_428 = arith.constant 1 : i32
          %dma_start3A_429 = arith.constant 0 : i32
          %dma_start3A_430 = tpu.memref_slice %arg13[%dma_start3A_428, %dma_start3A_429] : memref<2x64xf32, #tpu.memory_space<vmem>> -> memref<1x40xf32, #tpu.memory_space<vmem>>
          %dma_start3A_431 = tpu.memref_squeeze %dma_start3A_430 : memref<1x40xf32, #tpu.memory_space<vmem>> -> memref<40xf32, #tpu.memory_space<vmem>>
          %dma_start3A_432 = tpu.memref_slice %arg6[%mul3A_414] : memref<25000xf32, #tpu.memory_space<vmem_shared>> -> memref<40xf32, #tpu.memory_space<vmem_shared>>
          %dma_start3A_433 = arith.constant 0 : i32
          %dma_start3A_434 = tpu.memref_slice %arg13[%dma_start3A_428, %dma_start3A_433] : memref<2x64xf32, #tpu.memory_space<vmem>> -> memref<1x40xf32, #tpu.memory_space<vmem>>
          %dma_start3A_435 = tpu.memref_squeeze %dma_start3A_434 : memref<1x40xf32, #tpu.memory_space<vmem>> -> memref<40xf32, #tpu.memory_space<vmem>>
          %dma_start3A_436 = tpu.memref_slice %arg6[%mul3A_414] : memref<25000xf32, #tpu.memory_space<vmem_shared>> -> memref<40xf32, #tpu.memory_space<vmem_shared>>
          tpu.enqueue_dma source(%dma_start3A_436 : memref<40xf32, #tpu.memory_space<vmem_shared>>) target(%dma_start3A_435 : memref<40xf32, #tpu.memory_space<vmem>>) target_semaphore(%arg15 : memref<!tpu.dma_semaphore, #tpu.memory_space<semaphore_mem>>)
        } else {
        }
        %get3A = arith.constant 0 : i32
        %get3A_322 = arith.index_cast %get3A : i32 to index
        %get3A_323 = arith.constant 0 : index
        %get3A_324 = tpu.vector_load %arg13[%get3A_322, %get3A_323] {strides = array<i32>} : memref<2x64xf32, #tpu.memory_space<vmem>>, vector<1x16xf32>,
        %get3A_325 = vector.shape_cast %get3A_324 : vector<1x16xf32> to vector<16xf32>
        %max3A_326 = arith.constant 1.000000e+00 : f32
        %max3A_327 = vector.broadcast %max3A_326 : f32 to vector<16xf32>
        %max3A_328 = arith.maximumf %get3A_325, %max3A_327 : vector<16xf32>
        %div3A_329 = arith.constant 1.000000e+00 : f32
        %div3A_330 = vector.broadcast %div3A_329 : f32 to vector<16xf32>
        %div3A_331 = arith.divf %div3A_330, %max3A_328 : vector<16xf32>
        %swap3A_332 = arith.constant 0 : i32
        %swap3A_333 = arith.index_cast %swap3A_332 : i32 to index
        %swap3A_334 = arith.constant 0 : index
        %swap3A_335 = tpu.vector_load %arg13[%swap3A_333, %swap3A_334] {strides = array<i32>} : memref<2x64xf32, #tpu.memory_space<vmem>>, vector<1x16xf32>,
        %swap3A_336 = vector.shape_cast %swap3A_335 : vector<1x16xf32> to vector<16xf32>
        %swap3A_337 = vector.shape_cast %div3A_331 : vector<16xf32> to vector<1x16xf32>
        tpu.vector_store %arg13[%swap3A_333, %swap3A_334], %swap3A_337 {strides = array<i32>} : memref<2x64xf32, #tpu.memory_space<vmem>>, vector<1x16xf32>,
        %get3A_338 = arith.constant 0 : i32
        %get3A_339 = arith.index_cast %get3A_338 : i32 to index
        %get3A_340 = arith.constant 16 : index
        %get3A_341 = tpu.vector_load %arg13[%get3A_339, %get3A_340] {strides = array<i32>} : memref<2x64xf32, #tpu.memory_space<vmem>>, vector<1x16xf32>,
        %get3A_342 = vector.shape_cast %get3A_341 : vector<1x16xf32> to vector<16xf32>
        %max3A_343 = arith.constant 1.000000e+00 : f32
        %max3A_344 = vector.broadcast %max3A_343 : f32 to vector<16xf32>
        %max3A_345 = arith.maximumf %get3A_342, %max3A_344 : vector<16xf32>
        %div3A_346 = arith.constant 1.000000e+00 : f32
        %div3A_347 = vector.broadcast %div3A_346 : f32 to vector<16xf32>
        %div3A_348 = arith.divf %div3A_347, %max3A_345 : vector<16xf32>
        %swap3A_349 = arith.constant 0 : i32
        %swap3A_350 = arith.index_cast %swap3A_349 : i32 to index
        %swap3A_351 = arith.constant 16 : index
        %swap3A_352 = tpu.vector_load %arg13[%swap3A_350, %swap3A_351] {strides = array<i32>} : memref<2x64xf32, #tpu.memory_space<vmem>>, vector<1x16xf32>,
        %swap3A_353 = vector.shape_cast %swap3A_352 : vector<1x16xf32> to vector<16xf32>
        %swap3A_354 = vector.shape_cast %div3A_348 : vector<16xf32> to vector<1x16xf32>
        tpu.vector_store %arg13[%swap3A_350, %swap3A_351], %swap3A_354 {strides = array<i32>} : memref<2x64xf32, #tpu.memory_space<vmem>>, vector<1x16xf32>,
        %get3A_355 = arith.constant 0 : i32
        %get3A_356 = arith.index_cast %get3A_355 : i32 to index
        %get3A_357 = arith.constant 32 : index
        %get3A_358 = tpu.vector_load %arg13[%get3A_356, %get3A_357] {strides = array<i32>} : memref<2x64xf32, #tpu.memory_space<vmem>>, vector<1x16xf32>,
        %get3A_359 = vector.shape_cast %get3A_358 : vector<1x16xf32> to vector<16xf32>
        %max3A_360 = arith.constant 1.000000e+00 : f32
        %max3A_361 = vector.broadcast %max3A_360 : f32 to vector<16xf32>
        %max3A_362 = arith.maximumf %get3A_359, %max3A_361 : vector<16xf32>
        %div3A_363 = arith.constant 1.000000e+00 : f32
        %div3A_364 = vector.broadcast %div3A_363 : f32 to vector<16xf32>
        %div3A_365 = arith.divf %div3A_364, %max3A_362 : vector<16xf32>
        %swap3A_366 = arith.constant 0 : i32
        %swap3A_367 = arith.index_cast %swap3A_366 : i32 to index
        %swap3A_368 = arith.constant 32 : index
        %swap3A_369 = tpu.vector_load %arg13[%swap3A_367, %swap3A_368] {strides = array<i32>} : memref<2x64xf32, #tpu.memory_space<vmem>>, vector<1x16xf32>,
        %swap3A_370 = vector.shape_cast %swap3A_369 : vector<1x16xf32> to vector<16xf32>
        %swap3A_371 = vector.shape_cast %div3A_365 : vector<16xf32> to vector<1x16xf32>
        tpu.vector_store %arg13[%swap3A_367, %swap3A_368], %swap3A_371 {strides = array<i32>} : memref<2x64xf32, #tpu.memory_space<vmem>>, vector<1x16xf32>,
        %get3A_372 = arith.constant 0 : i32
        %get3A_373 = arith.index_cast %get3A_372 : i32 to index
        %get3A_374 = arith.constant 48 : index
        %get3A_375 = tpu.vector_load %arg13[%get3A_373, %get3A_374] {strides = array<i32>} : memref<2x64xf32, #tpu.memory_space<vmem>>, vector<1x16xf32>,
        %get3A_376 = vector.shape_cast %get3A_375 : vector<1x16xf32> to vector<16xf32>
        %max3A_377 = arith.constant 1.000000e+00 : f32
        %max3A_378 = vector.broadcast %max3A_377 : f32 to vector<16xf32>
        %max3A_379 = arith.maximumf %get3A_376, %max3A_378 : vector<16xf32>
        %div3A_380 = arith.constant 1.000000e+00 : f32
        %div3A_381 = vector.broadcast %div3A_380 : f32 to vector<16xf32>
        %div3A_382 = arith.divf %div3A_381, %max3A_379 : vector<16xf32>
        %swap3A_383 = arith.constant 0 : i32
        %swap3A_384 = arith.index_cast %swap3A_383 : i32 to index
        %swap3A_385 = arith.constant 48 : index
        %swap3A_386 = tpu.vector_load %arg13[%swap3A_384, %swap3A_385] {strides = array<i32>} : memref<2x64xf32, #tpu.memory_space<vmem>>, vector<1x16xf32>,
        %swap3A_387 = vector.shape_cast %swap3A_386 : vector<1x16xf32> to vector<16xf32>
        %swap3A_388 = vector.shape_cast %div3A_382 : vector<16xf32> to vector<1x16xf32>
        tpu.vector_store %arg13[%swap3A_384, %swap3A_385], %swap3A_388 {strides = array<i32>} : memref<2x64xf32, #tpu.memory_space<vmem>>, vector<1x16xf32>,
        %scan3A_389 = arith.constant 0 : i32
        %scan3A_390 = arith.constant 0 : i32
        %scan3A_391 = arith.constant 40 : i32
        %scan3A_392 = arith.addi %scan3A_390, %scan3A_391 : i32
        %scan3A_393 = arith.constant 1 : i32
        %scan3A_394 = scf.for %scan3A_408 = %scan3A_390 to %scan3A_392 step %scan3A_393 iter_args(%scan3A_409 = %scan3A_389) -> (i32)  : i32 {
          %get3A_410 = arith.constant 0 : i32
          %get3A_411 = arith.index_cast %get3A_410 : i32 to index
          %get3A_412 = arith.index_cast %scan3A_408 : i32 to index
          %get3A_413 = tpu.vector_load %arg13[%get3A_411, %get3A_412] {strides = array<i32>} : memref<2x64xf32, #tpu.memory_space<vmem>>, vector<1x16xf32>,
          %get3A_414 = vector.shape_cast %get3A_413 : vector<1x16xf32> to vector<16xf32>
          %slice3A = vector.extract_strided_slice %get3A_414 {offsets = [0], sizes = [1], strides = [1]} : vector<16xf32> to vector<1xf32>
          %squeeze3A = vector.extract %slice3A[0] : f32 from vector<1xf32>
          %get3A_415 = arith.constant 0 : i32
          %get3A_416 = arith.index_cast %get3A_415 : i32 to index
          %get3A_417 = arith.index_cast %scan3A_408 : i32 to index
          %get3A_418 = arith.constant 0 : index
          %get3A_419 = tpu.vector_load %arg12[%get3A_416, %get3A_417, %get3A_418] {strides = array<i32>} : memref<2x40x64xf32, #tpu.memory_space<vmem>>, vector<1x1x16xf32>,
          %get3A_420 = vector.shape_cast %get3A_419 : vector<1x1x16xf32> to vector<16xf32>
          %mul3A_421 = vector.broadcast %squeeze3A : f32 to vector<16xf32>
          %mul3A_422 = arith.mulf %get3A_420, %mul3A_421 : vector<16xf32>
          %swap3A_423 = arith.constant 0 : i32
          %swap3A_424 = arith.index_cast %swap3A_423 : i32 to index
          %swap3A_425 = arith.index_cast %scan3A_408 : i32 to index
          %swap3A_426 = arith.constant 0 : index
          %swap3A_427 = tpu.vector_load %arg12[%swap3A_424, %swap3A_425, %swap3A_426] {strides = array<i32>} : memref<2x40x64xf32, #tpu.memory_space<vmem>>, vector<1x1x16xf32>,
          %swap3A_428 = vector.shape_cast %swap3A_427 : vector<1x1x16xf32> to vector<16xf32>
          %swap3A_429 = vector.shape_cast %mul3A_422 : vector<16xf32> to vector<1x1x16xf32>
          tpu.vector_store %arg12[%swap3A_424, %swap3A_425, %swap3A_426], %swap3A_429 {strides = array<i32>} : memref<2x40x64xf32, #tpu.memory_space<vmem>>, vector<1x1x16xf32>,
          %get3A_430 = arith.constant 0 : i32
          %get3A_431 = arith.index_cast %get3A_430 : i32 to index
          %get3A_432 = arith.index_cast %scan3A_408 : i32 to index
          %get3A_433 = arith.constant 16 : index
          %get3A_434 = tpu.vector_load %arg12[%get3A_431, %get3A_432, %get3A_433] {strides = array<i32>} : memref<2x40x64xf32, #tpu.memory_space<vmem>>, vector<1x1x16xf32>,
          %get3A_435 = vector.shape_cast %get3A_434 : vector<1x1x16xf32> to vector<16xf32>
          %mul3A_436 = vector.broadcast %squeeze3A : f32 to vector<16xf32>
          %mul3A_437 = arith.mulf %get3A_435, %mul3A_436 : vector<16xf32>
          %swap3A_438 = arith.constant 0 : i32
          %swap3A_439 = arith.index_cast %swap3A_438 : i32 to index
          %swap3A_440 = arith.index_cast %scan3A_408 : i32 to index
          %swap3A_441 = arith.constant 16 : index
          %swap3A_442 = tpu.vector_load %arg12[%swap3A_439, %swap3A_440, %swap3A_441] {strides = array<i32>} : memref<2x40x64xf32, #tpu.memory_space<vmem>>, vector<1x1x16xf32>,
          %swap3A_443 = vector.shape_cast %swap3A_442 : vector<1x1x16xf32> to vector<16xf32>
          %swap3A_444 = vector.shape_cast %mul3A_437 : vector<16xf32> to vector<1x1x16xf32>
          tpu.vector_store %arg12[%swap3A_439, %swap3A_440, %swap3A_441], %swap3A_444 {strides = array<i32>} : memref<2x40x64xf32, #tpu.memory_space<vmem>>, vector<1x1x16xf32>,
          %get3A_445 = arith.constant 0 : i32
          %get3A_446 = arith.index_cast %get3A_445 : i32 to index
          %get3A_447 = arith.index_cast %scan3A_408 : i32 to index
          %get3A_448 = arith.constant 32 : index
          %get3A_449 = tpu.vector_load %arg12[%get3A_446, %get3A_447, %get3A_448] {strides = array<i32>} : memref<2x40x64xf32, #tpu.memory_space<vmem>>, vector<1x1x16xf32>,
          %get3A_450 = vector.shape_cast %get3A_449 : vector<1x1x16xf32> to vector<16xf32>
          %mul3A_451 = vector.broadcast %squeeze3A : f32 to vector<16xf32>
          %mul3A_452 = arith.mulf %get3A_450, %mul3A_451 : vector<16xf32>
          %swap3A_453 = arith.constant 0 : i32
          %swap3A_454 = arith.index_cast %swap3A_453 : i32 to index
          %swap3A_455 = arith.index_cast %scan3A_408 : i32 to index
          %swap3A_456 = arith.constant 32 : index
          %swap3A_457 = tpu.vector_load %arg12[%swap3A_454, %swap3A_455, %swap3A_456] {strides = array<i32>} : memref<2x40x64xf32, #tpu.memory_space<vmem>>, vector<1x1x16xf32>,
          %swap3A_458 = vector.shape_cast %swap3A_457 : vector<1x1x16xf32> to vector<16xf32>
          %swap3A_459 = vector.shape_cast %mul3A_452 : vector<16xf32> to vector<1x1x16xf32>
          tpu.vector_store %arg12[%swap3A_454, %swap3A_455, %swap3A_456], %swap3A_459 {strides = array<i32>} : memref<2x40x64xf32, #tpu.memory_space<vmem>>, vector<1x1x16xf32>,
          %get3A_460 = arith.constant 0 : i32
          %get3A_461 = arith.index_cast %get3A_460 : i32 to index
          %get3A_462 = arith.index_cast %scan3A_408 : i32 to index
          %get3A_463 = arith.constant 48 : index
          %get3A_464 = tpu.vector_load %arg12[%get3A_461, %get3A_462, %get3A_463] {strides = array<i32>} : memref<2x40x64xf32, #tpu.memory_space<vmem>>, vector<1x1x16xf32>,
          %get3A_465 = vector.shape_cast %get3A_464 : vector<1x1x16xf32> to vector<16xf32>
          %mul3A_466 = vector.broadcast %squeeze3A : f32 to vector<16xf32>
          %mul3A_467 = arith.mulf %get3A_465, %mul3A_466 : vector<16xf32>
          %swap3A_468 = arith.constant 0 : i32
          %swap3A_469 = arith.index_cast %swap3A_468 : i32 to index
          %swap3A_470 = arith.index_cast %scan3A_408 : i32 to index
          %swap3A_471 = arith.constant 48 : index
          %swap3A_472 = tpu.vector_load %arg12[%swap3A_469, %swap3A_470, %swap3A_471] {strides = array<i32>} : memref<2x40x64xf32, #tpu.memory_space<vmem>>, vector<1x1x16xf32>,
          %swap3A_473 = vector.shape_cast %swap3A_472 : vector<1x1x16xf32> to vector<16xf32>
          %swap3A_474 = vector.shape_cast %mul3A_467 : vector<16xf32> to vector<1x1x16xf32>
          tpu.vector_store %arg12[%swap3A_469, %swap3A_470, %swap3A_471], %swap3A_474 {strides = array<i32>} : memref<2x40x64xf32, #tpu.memory_space<vmem>>, vector<1x1x16xf32>,
          %scan3A_475 = arith.constant 0 : i32
          scf.yield %scan3A_475 : i32
        }
        %scan3A_395 = arith.constant 40 : i32
        %mul3A_396 = arith.constant 40 : i32
        %mul3A_397 = arith.muli %while3A_264, %mul3A_396 : i32
        %dma_start3A = arith.constant 0 : i32
        %dma_start3A_398 = arith.constant 0 : i32
        %dma_start3A_399 = arith.constant 0 : i32
        %dma_start3A_400 = tpu.memref_slice %arg12[%dma_start3A, %dma_start3A_398, %dma_start3A_399] : memref<2x40x64xf32, #tpu.memory_space<vmem>> -> memref<1x40x64xf32, #tpu.memory_space<vmem>>
        %dma_start3A_401 = tpu.memref_squeeze %dma_start3A_400 : memref<1x40x64xf32, #tpu.memory_space<vmem>> -> memref<40x64xf32, #tpu.memory_space<vmem>>
        %dma_start3A_402 = tpu.memref_slice %arg4[%mul3A_397, %mul3A_0] : memref<25000x128xf32, #tpu.memory_space<hbm>> -> memref<40x64xf32, #tpu.memory_space<hbm>>
        %dma_start3A_403 = tpu.memref_slice %arg4[%mul3A_397, %mul3A_0] : memref<25000x128xf32, #tpu.memory_space<hbm>> -> memref<40x64xf32, #tpu.memory_space<hbm>>
        %dma_start3A_404 = arith.constant 0 : i32
        %dma_start3A_405 = arith.constant 0 : i32
        %dma_start3A_406 = tpu.memref_slice %arg12[%dma_start3A, %dma_start3A_404, %dma_start3A_405] : memref<2x40x64xf32, #tpu.memory_space<vmem>> -> memref<1x40x64xf32, #tpu.memory_space<vmem>>
        %dma_start3A_407 = tpu.memref_squeeze %dma_start3A_406 : memref<1x40x64xf32, #tpu.memory_space<vmem>> -> memref<40x64xf32, #tpu.memory_space<vmem>>
        tpu.enqueue_dma source(%dma_start3A_407 : memref<40x64xf32, #tpu.memory_space<vmem>>) target(%dma_start3A_403 : memref<40x64xf32, #tpu.memory_space<hbm>>) target_semaphore(%arg16 : memref<!tpu.dma_semaphore, #tpu.memory_space<semaphore_mem>>)
      } else {
      }
      %not3A = arith.constant true
      %not3A_288 = arith.xori %eq3A_284, %not3A : i1
      %convert_element_type3A_289 = arith.extui %not3A_288 : i1 to i32
      %cond3A_290 = arith.constant 0 : i32
      %cond3A_291 = arith.cmpi ne, %convert_element_type3A_289, %cond3A_290 : i32
      scf.if %cond3A_291 {
        %mul3A_293 = arith.constant 40 : i32
        %mul3A_294 = arith.muli %while3A_264, %mul3A_293 : i32
        %dma_wait3A = arith.constant 1 : i32
        %dma_wait3A_295 = arith.constant 0 : i32
        %dma_wait3A_296 = arith.constant 0 : i32
        %dma_wait3A_297 = tpu.memref_slice %arg12[%dma_wait3A, %dma_wait3A_295, %dma_wait3A_296] : memref<2x40x64xf32, #tpu.memory_space<vmem>> -> memref<1x40x64xf32, #tpu.memory_space<vmem>>
        %dma_wait3A_298 = tpu.memref_squeeze %dma_wait3A_297 : memref<1x40x64xf32, #tpu.memory_space<vmem>> -> memref<40x64xf32, #tpu.memory_space<vmem>>
        %dma_wait3A_299 = arith.constant 0 : i32
        %dma_wait3A_300 = tpu.memref_slice %arg5[%mul3A_294, %dma_wait3A_299] : memref<25000x64xf32, #tpu.memory_space<vmem_shared>> -> memref<40x64xf32, #tpu.memory_space<vmem_shared>>
        %dma_wait3A_301 = arith.constant 0 : i32
        %dma_wait3A_302 = arith.constant 0 : i32
        %dma_wait3A_303 = tpu.memref_slice %arg12[%dma_wait3A, %dma_wait3A_301, %dma_wait3A_302] : memref<2x40x64xf32, #tpu.memory_space<vmem>> -> memref<1x40x64xf32, #tpu.memory_space<vmem>>
        %dma_wait3A_304 = tpu.memref_squeeze %dma_wait3A_303 : memref<1x40x64xf32, #tpu.memory_space<vmem>> -> memref<40x64xf32, #tpu.memory_space<vmem>>
        %dma_wait3A_305 = arith.constant 0 : i32
        %dma_wait3A_306 = tpu.memref_slice %arg5[%mul3A_294, %dma_wait3A_305] : memref<25000x64xf32, #tpu.memory_space<vmem_shared>> -> memref<40x64xf32, #tpu.memory_space<vmem_shared>>
        tpu.wait_dma2 semaphore(%arg15 : memref<!tpu.dma_semaphore, #tpu.memory_space<semaphore_mem>>) src(%dma_wait3A_306 : memref<40x64xf32, #tpu.memory_space<vmem_shared>>) dst(%dma_wait3A_304 : memref<40x64xf32, #tpu.memory_space<vmem>>)
        %dma_wait3A_307 = arith.constant 1 : i32
        %dma_wait3A_308 = arith.constant 0 : i32
        %dma_wait3A_309 = tpu.memref_slice %arg13[%dma_wait3A_307, %dma_wait3A_308] : memref<2x64xf32, #tpu.memory_space<vmem>> -> memref<1x40xf32, #tpu.memory_space<vmem>>
        %dma_wait3A_310 = tpu.memref_squeeze %dma_wait3A_309 : memref<1x40xf32, #tpu.memory_space<vmem>> -> memref<40xf32, #tpu.memory_space<vmem>>
        %dma_wait3A_311 = tpu.memref_slice %arg6[%mul3A_294] : memref<25000xf32, #tpu.memory_space<vmem_shared>> -> memref<40xf32, #tpu.memory_space<vmem_shared>>
        %dma_wait3A_312 = arith.constant 0 : i32
        %dma_wait3A_313 = tpu.memref_slice %arg13[%dma_wait3A_307, %dma_wait3A_312] : memref<2x64xf32, #tpu.memory_space<vmem>> -> memref<1x40xf32, #tpu.memory_space<vmem>>
        %dma_wait3A_314 = tpu.memref_squeeze %dma_wait3A_313 : memref<1x40xf32, #tpu.memory_space<vmem>> -> memref<40xf32, #tpu.memory_space<vmem>>
        %dma_wait3A_315 = tpu.memref_slice %arg6[%mul3A_294] : memref<25000xf32, #tpu.memory_space<vmem_shared>> -> memref<40xf32, #tpu.memory_space<vmem_shared>>
        tpu.wait_dma2 semaphore(%arg15 : memref<!tpu.dma_semaphore, #tpu.memory_space<semaphore_mem>>) src(%dma_wait3A_315 : memref<40xf32, #tpu.memory_space<vmem_shared>>) dst(%dma_wait3A_314 : memref<40xf32, #tpu.memory_space<vmem>>)
        %add3A_316 = arith.constant 1 : i32
        %add3A_317 = arith.addi %while3A_264, %add3A_316 : i32
        %lt3A_318 = arith.cmpi slt, %add3A_317, %select_n3A_188 : i32
        %convert_element_type3A_319 = arith.extui %lt3A_318 : i1 to i32
        %cond3A_320 = arith.constant 0 : i32
        %cond3A_321 = arith.cmpi ne, %convert_element_type3A_319, %cond3A_320 : i32
        scf.if %cond3A_321 {
          %gt3A = arith.cmpi sgt, %while3A_264, %select_n3A_160 : i32
          %convert_element_type3A_408 = arith.extui %gt3A : i1 to i32
          %cond3A_409 = arith.constant 0 : i32
          %cond3A_410 = arith.cmpi ne, %convert_element_type3A_408, %cond3A_409 : i32
          scf.if %cond3A_410 {
            %sub3A_437 = arith.constant 1 : i32
            %sub3A_438 = arith.subi %while3A_264, %sub3A_437 : i32
            %mul3A_439 = arith.constant 40 : i32
            %mul3A_440 = arith.muli %sub3A_438, %mul3A_439 : i32
            %dma_wait3A_441 = arith.constant 0 : i32
            %dma_wait3A_442 = arith.constant 0 : i32
            %dma_wait3A_443 = arith.constant 0 : i32
            %dma_wait3A_444 = tpu.memref_slice %arg12[%dma_wait3A_441, %dma_wait3A_442, %dma_wait3A_443] : memref<2x40x64xf32, #tpu.memory_space<vmem>> -> memref<1x40x64xf32, #tpu.memory_space<vmem>>
            %dma_wait3A_445 = tpu.memref_squeeze %dma_wait3A_444 : memref<1x40x64xf32, #tpu.memory_space<vmem>> -> memref<40x64xf32, #tpu.memory_space<vmem>>
            %dma_wait3A_446 = tpu.memref_slice %arg4[%mul3A_440, %mul3A_0] : memref<25000x128xf32, #tpu.memory_space<hbm>> -> memref<40x64xf32, #tpu.memory_space<hbm>>
            %dma_wait3A_447 = tpu.memref_slice %arg4[%mul3A_440, %mul3A_0] : memref<25000x128xf32, #tpu.memory_space<hbm>> -> memref<40x64xf32, #tpu.memory_space<hbm>>
            %dma_wait3A_448 = arith.constant 0 : i32
            %dma_wait3A_449 = arith.constant 0 : i32
            %dma_wait3A_450 = tpu.memref_slice %arg12[%dma_wait3A_441, %dma_wait3A_448, %dma_wait3A_449] : memref<2x40x64xf32, #tpu.memory_space<vmem>> -> memref<1x40x64xf32, #tpu.memory_space<vmem>>
            %dma_wait3A_451 = tpu.memref_squeeze %dma_wait3A_450 : memref<1x40x64xf32, #tpu.memory_space<vmem>> -> memref<40x64xf32, #tpu.memory_space<vmem>>
            tpu.wait_dma2 semaphore(%arg16 : memref<!tpu.dma_semaphore, #tpu.memory_space<semaphore_mem>>) src(%dma_wait3A_451 : memref<40x64xf32, #tpu.memory_space<vmem>>) dst(%dma_wait3A_447 : memref<40x64xf32, #tpu.memory_space<hbm>>)
          } else {
          }
          %add3A_411 = arith.constant 1 : i32
          %add3A_412 = arith.addi %while3A_264, %add3A_411 : i32
          %mul3A_413 = arith.constant 40 : i32
          %mul3A_414 = arith.muli %add3A_412, %mul3A_413 : i32
          %dma_start3A_415 = arith.constant 0 : i32
          %dma_start3A_416 = arith.constant 0 : i32
          %dma_start3A_417 = arith.constant 0 : i32
          %dma_start3A_418 = tpu.memref_slice %arg12[%dma_start3A_415, %dma_start3A_416, %dma_start3A_417] : memref<2x40x64xf32, #tpu.memory_space<vmem>> -> memref<1x40x64xf32, #tpu.memory_space<vmem>>
          %dma_start3A_419 = tpu.memref_squeeze %dma_start3A_418 : memref<1x40x64xf32, #tpu.memory_space<vmem>> -> memref<40x64xf32, #tpu.memory_space<vmem>>
          %dma_start3A_420 = arith.constant 0 : i32
          %dma_start3A_421 = tpu.memref_slice %arg5[%mul3A_414, %dma_start3A_420] : memref<25000x64xf32, #tpu.memory_space<vmem_shared>> -> memref<40x64xf32, #tpu.memory_space<vmem_shared>>
          %dma_start3A_422 = arith.constant 0 : i32
          %dma_start3A_423 = arith.constant 0 : i32
          %dma_start3A_424 = tpu.memref_slice %arg12[%dma_start3A_415, %dma_start3A_422, %dma_start3A_423] : memref<2x40x64xf32, #tpu.memory_space<vmem>> -> memref<1x40x64xf32, #tpu.memory_space<vmem>>
          %dma_start3A_425 = tpu.memref_squeeze %dma_start3A_424 : memref<1x40x64xf32, #tpu.memory_space<vmem>> -> memref<40x64xf32, #tpu.memory_space<vmem>>
          %dma_start3A_426 = arith.constant 0 : i32
          %dma_start3A_427 = tpu.memref_slice %arg5[%mul3A_414, %dma_start3A_426] : memref<25000x64xf32, #tpu.memory_space<vmem_shared>> -> memref<40x64xf32, #tpu.memory_space<vmem_shared>>
          tpu.enqueue_dma source(%dma_start3A_427 : memref<40x64xf32, #tpu.memory_space<vmem_shared>>) target(%dma_start3A_425 : memref<40x64xf32, #tpu.memory_space<vmem>>) target_semaphore(%arg14 : memref<!tpu.dma_semaphore, #tpu.memory_space<semaphore_mem>>)
          %dma_start3A_428 = arith.constant 0 : i32
          %dma_start3A_429 = arith.constant 0 : i32
          %dma_start3A_430 = tpu.memref_slice %arg13[%dma_start3A_428, %dma_start3A_429] : memref<2x64xf32, #tpu.memory_space<vmem>> -> memref<1x40xf32, #tpu.memory_space<vmem>>
          %dma_start3A_431 = tpu.memref_squeeze %dma_start3A_430 : memref<1x40xf32, #tpu.memory_space<vmem>> -> memref<40xf32, #tpu.memory_space<vmem>>
          %dma_start3A_432 = tpu.memref_slice %arg6[%mul3A_414] : memref<25000xf32, #tpu.memory_space<vmem_shared>> -> memref<40xf32, #tpu.memory_space<vmem_shared>>
          %dma_start3A_433 = arith.constant 0 : i32
          %dma_start3A_434 = tpu.memref_slice %arg13[%dma_start3A_428, %dma_start3A_433] : memref<2x64xf32, #tpu.memory_space<vmem>> -> memref<1x40xf32, #tpu.memory_space<vmem>>
          %dma_start3A_435 = tpu.memref_squeeze %dma_start3A_434 : memref<1x40xf32, #tpu.memory_space<vmem>> -> memref<40xf32, #tpu.memory_space<vmem>>
          %dma_start3A_436 = tpu.memref_slice %arg6[%mul3A_414] : memref<25000xf32, #tpu.memory_space<vmem_shared>> -> memref<40xf32, #tpu.memory_space<vmem_shared>>
          tpu.enqueue_dma source(%dma_start3A_436 : memref<40xf32, #tpu.memory_space<vmem_shared>>) target(%dma_start3A_435 : memref<40xf32, #tpu.memory_space<vmem>>) target_semaphore(%arg14 : memref<!tpu.dma_semaphore, #tpu.memory_space<semaphore_mem>>)
        } else {
        }
        %get3A = arith.constant 1 : i32
        %get3A_322 = arith.index_cast %get3A : i32 to index
        %get3A_323 = arith.constant 0 : index
        %get3A_324 = tpu.vector_load %arg13[%get3A_322, %get3A_323] {strides = array<i32>} : memref<2x64xf32, #tpu.memory_space<vmem>>, vector<1x16xf32>,
        %get3A_325 = vector.shape_cast %get3A_324 : vector<1x16xf32> to vector<16xf32>
        %max3A_326 = arith.constant 1.000000e+00 : f32
        %max3A_327 = vector.broadcast %max3A_326 : f32 to vector<16xf32>
        %max3A_328 = arith.maximumf %get3A_325, %max3A_327 : vector<16xf32>
        %div3A_329 = arith.constant 1.000000e+00 : f32
        %div3A_330 = vector.broadcast %div3A_329 : f32 to vector<16xf32>
        %div3A_331 = arith.divf %div3A_330, %max3A_328 : vector<16xf32>
        %swap3A_332 = arith.constant 1 : i32
        %swap3A_333 = arith.index_cast %swap3A_332 : i32 to index
        %swap3A_334 = arith.constant 0 : index
        %swap3A_335 = tpu.vector_load %arg13[%swap3A_333, %swap3A_334] {strides = array<i32>} : memref<2x64xf32, #tpu.memory_space<vmem>>, vector<1x16xf32>,
        %swap3A_336 = vector.shape_cast %swap3A_335 : vector<1x16xf32> to vector<16xf32>
        %swap3A_337 = vector.shape_cast %div3A_331 : vector<16xf32> to vector<1x16xf32>
        tpu.vector_store %arg13[%swap3A_333, %swap3A_334], %swap3A_337 {strides = array<i32>} : memref<2x64xf32, #tpu.memory_space<vmem>>, vector<1x16xf32>,
        %get3A_338 = arith.constant 1 : i32
        %get3A_339 = arith.index_cast %get3A_338 : i32 to index
        %get3A_340 = arith.constant 16 : index
        %get3A_341 = tpu.vector_load %arg13[%get3A_339, %get3A_340] {strides = array<i32>} : memref<2x64xf32, #tpu.memory_space<vmem>>, vector<1x16xf32>,
        %get3A_342 = vector.shape_cast %get3A_341 : vector<1x16xf32> to vector<16xf32>
        %max3A_343 = arith.constant 1.000000e+00 : f32
        %max3A_344 = vector.broadcast %max3A_343 : f32 to vector<16xf32>
        %max3A_345 = arith.maximumf %get3A_342, %max3A_344 : vector<16xf32>
        %div3A_346 = arith.constant 1.000000e+00 : f32
        %div3A_347 = vector.broadcast %div3A_346 : f32 to vector<16xf32>
        %div3A_348 = arith.divf %div3A_347, %max3A_345 : vector<16xf32>
        %swap3A_349 = arith.constant 1 : i32
        %swap3A_350 = arith.index_cast %swap3A_349 : i32 to index
        %swap3A_351 = arith.constant 16 : index
        %swap3A_352 = tpu.vector_load %arg13[%swap3A_350, %swap3A_351] {strides = array<i32>} : memref<2x64xf32, #tpu.memory_space<vmem>>, vector<1x16xf32>,
        %swap3A_353 = vector.shape_cast %swap3A_352 : vector<1x16xf32> to vector<16xf32>
        %swap3A_354 = vector.shape_cast %div3A_348 : vector<16xf32> to vector<1x16xf32>
        tpu.vector_store %arg13[%swap3A_350, %swap3A_351], %swap3A_354 {strides = array<i32>} : memref<2x64xf32, #tpu.memory_space<vmem>>, vector<1x16xf32>,
        %get3A_355 = arith.constant 1 : i32
        %get3A_356 = arith.index_cast %get3A_355 : i32 to index
        %get3A_357 = arith.constant 32 : index
        %get3A_358 = tpu.vector_load %arg13[%get3A_356, %get3A_357] {strides = array<i32>} : memref<2x64xf32, #tpu.memory_space<vmem>>, vector<1x16xf32>,
        %get3A_359 = vector.shape_cast %get3A_358 : vector<1x16xf32> to vector<16xf32>
        %max3A_360 = arith.constant 1.000000e+00 : f32
        %max3A_361 = vector.broadcast %max3A_360 : f32 to vector<16xf32>
        %max3A_362 = arith.maximumf %get3A_359, %max3A_361 : vector<16xf32>
        %div3A_363 = arith.constant 1.000000e+00 : f32
        %div3A_364 = vector.broadcast %div3A_363 : f32 to vector<16xf32>
        %div3A_365 = arith.divf %div3A_364, %max3A_362 : vector<16xf32>
        %swap3A_366 = arith.constant 1 : i32
        %swap3A_367 = arith.index_cast %swap3A_366 : i32 to index
        %swap3A_368 = arith.constant 32 : index
        %swap3A_369 = tpu.vector_load %arg13[%swap3A_367, %swap3A_368] {strides = array<i32>} : memref<2x64xf32, #tpu.memory_space<vmem>>, vector<1x16xf32>,
        %swap3A_370 = vector.shape_cast %swap3A_369 : vector<1x16xf32> to vector<16xf32>
        %swap3A_371 = vector.shape_cast %div3A_365 : vector<16xf32> to vector<1x16xf32>
        tpu.vector_store %arg13[%swap3A_367, %swap3A_368], %swap3A_371 {strides = array<i32>} : memref<2x64xf32, #tpu.memory_space<vmem>>, vector<1x16xf32>,
        %get3A_372 = arith.constant 1 : i32
        %get3A_373 = arith.index_cast %get3A_372 : i32 to index
        %get3A_374 = arith.constant 48 : index
        %get3A_375 = tpu.vector_load %arg13[%get3A_373, %get3A_374] {strides = array<i32>} : memref<2x64xf32, #tpu.memory_space<vmem>>, vector<1x16xf32>,
        %get3A_376 = vector.shape_cast %get3A_375 : vector<1x16xf32> to vector<16xf32>
        %max3A_377 = arith.constant 1.000000e+00 : f32
        %max3A_378 = vector.broadcast %max3A_377 : f32 to vector<16xf32>
        %max3A_379 = arith.maximumf %get3A_376, %max3A_378 : vector<16xf32>
        %div3A_380 = arith.constant 1.000000e+00 : f32
        %div3A_381 = vector.broadcast %div3A_380 : f32 to vector<16xf32>
        %div3A_382 = arith.divf %div3A_381, %max3A_379 : vector<16xf32>
        %swap3A_383 = arith.constant 1 : i32
        %swap3A_384 = arith.index_cast %swap3A_383 : i32 to index
        %swap3A_385 = arith.constant 48 : index
        %swap3A_386 = tpu.vector_load %arg13[%swap3A_384, %swap3A_385] {strides = array<i32>} : memref<2x64xf32, #tpu.memory_space<vmem>>, vector<1x16xf32>,
        %swap3A_387 = vector.shape_cast %swap3A_386 : vector<1x16xf32> to vector<16xf32>
        %swap3A_388 = vector.shape_cast %div3A_382 : vector<16xf32> to vector<1x16xf32>
        tpu.vector_store %arg13[%swap3A_384, %swap3A_385], %swap3A_388 {strides = array<i32>} : memref<2x64xf32, #tpu.memory_space<vmem>>, vector<1x16xf32>,
        %scan3A_389 = arith.constant 0 : i32
        %scan3A_390 = arith.constant 0 : i32
        %scan3A_391 = arith.constant 40 : i32
        %scan3A_392 = arith.addi %scan3A_390, %scan3A_391 : i32
        %scan3A_393 = arith.constant 1 : i32
        %scan3A_394 = scf.for %scan3A_408 = %scan3A_390 to %scan3A_392 step %scan3A_393 iter_args(%scan3A_409 = %scan3A_389) -> (i32)  : i32 {
          %get3A_410 = arith.constant 1 : i32
          %get3A_411 = arith.index_cast %get3A_410 : i32 to index
          %get3A_412 = arith.index_cast %scan3A_408 : i32 to index
          %get3A_413 = tpu.vector_load %arg13[%get3A_411, %get3A_412] {strides = array<i32>} : memref<2x64xf32, #tpu.memory_space<vmem>>, vector<1x16xf32>,
          %get3A_414 = vector.shape_cast %get3A_413 : vector<1x16xf32> to vector<16xf32>
          %slice3A = vector.extract_strided_slice %get3A_414 {offsets = [0], sizes = [1], strides = [1]} : vector<16xf32> to vector<1xf32>
          %squeeze3A = vector.extract %slice3A[0] : f32 from vector<1xf32>
          %get3A_415 = arith.constant 1 : i32
          %get3A_416 = arith.index_cast %get3A_415 : i32 to index
          %get3A_417 = arith.index_cast %scan3A_408 : i32 to index
          %get3A_418 = arith.constant 0 : index
          %get3A_419 = tpu.vector_load %arg12[%get3A_416, %get3A_417, %get3A_418] {strides = array<i32>} : memref<2x40x64xf32, #tpu.memory_space<vmem>>, vector<1x1x16xf32>,
          %get3A_420 = vector.shape_cast %get3A_419 : vector<1x1x16xf32> to vector<16xf32>
          %mul3A_421 = vector.broadcast %squeeze3A : f32 to vector<16xf32>
          %mul3A_422 = arith.mulf %get3A_420, %mul3A_421 : vector<16xf32>
          %swap3A_423 = arith.constant 1 : i32
          %swap3A_424 = arith.index_cast %swap3A_423 : i32 to index
          %swap3A_425 = arith.index_cast %scan3A_408 : i32 to index
          %swap3A_426 = arith.constant 0 : index
          %swap3A_427 = tpu.vector_load %arg12[%swap3A_424, %swap3A_425, %swap3A_426] {strides = array<i32>} : memref<2x40x64xf32, #tpu.memory_space<vmem>>, vector<1x1x16xf32>,
          %swap3A_428 = vector.shape_cast %swap3A_427 : vector<1x1x16xf32> to vector<16xf32>
          %swap3A_429 = vector.shape_cast %mul3A_422 : vector<16xf32> to vector<1x1x16xf32>
          tpu.vector_store %arg12[%swap3A_424, %swap3A_425, %swap3A_426], %swap3A_429 {strides = array<i32>} : memref<2x40x64xf32, #tpu.memory_space<vmem>>, vector<1x1x16xf32>,
          %get3A_430 = arith.constant 1 : i32
          %get3A_431 = arith.index_cast %get3A_430 : i32 to index
          %get3A_432 = arith.index_cast %scan3A_408 : i32 to index
          %get3A_433 = arith.constant 16 : index
          %get3A_434 = tpu.vector_load %arg12[%get3A_431, %get3A_432, %get3A_433] {strides = array<i32>} : memref<2x40x64xf32, #tpu.memory_space<vmem>>, vector<1x1x16xf32>,
          %get3A_435 = vector.shape_cast %get3A_434 : vector<1x1x16xf32> to vector<16xf32>
          %mul3A_436 = vector.broadcast %squeeze3A : f32 to vector<16xf32>
          %mul3A_437 = arith.mulf %get3A_435, %mul3A_436 : vector<16xf32>
          %swap3A_438 = arith.constant 1 : i32
          %swap3A_439 = arith.index_cast %swap3A_438 : i32 to index
          %swap3A_440 = arith.index_cast %scan3A_408 : i32 to index
          %swap3A_441 = arith.constant 16 : index
          %swap3A_442 = tpu.vector_load %arg12[%swap3A_439, %swap3A_440, %swap3A_441] {strides = array<i32>} : memref<2x40x64xf32, #tpu.memory_space<vmem>>, vector<1x1x16xf32>,
          %swap3A_443 = vector.shape_cast %swap3A_442 : vector<1x1x16xf32> to vector<16xf32>
          %swap3A_444 = vector.shape_cast %mul3A_437 : vector<16xf32> to vector<1x1x16xf32>
          tpu.vector_store %arg12[%swap3A_439, %swap3A_440, %swap3A_441], %swap3A_444 {strides = array<i32>} : memref<2x40x64xf32, #tpu.memory_space<vmem>>, vector<1x1x16xf32>,
          %get3A_445 = arith.constant 1 : i32
          %get3A_446 = arith.index_cast %get3A_445 : i32 to index
          %get3A_447 = arith.index_cast %scan3A_408 : i32 to index
          %get3A_448 = arith.constant 32 : index
          %get3A_449 = tpu.vector_load %arg12[%get3A_446, %get3A_447, %get3A_448] {strides = array<i32>} : memref<2x40x64xf32, #tpu.memory_space<vmem>>, vector<1x1x16xf32>,
          %get3A_450 = vector.shape_cast %get3A_449 : vector<1x1x16xf32> to vector<16xf32>
          %mul3A_451 = vector.broadcast %squeeze3A : f32 to vector<16xf32>
          %mul3A_452 = arith.mulf %get3A_450, %mul3A_451 : vector<16xf32>
          %swap3A_453 = arith.constant 1 : i32
          %swap3A_454 = arith.index_cast %swap3A_453 : i32 to index
          %swap3A_455 = arith.index_cast %scan3A_408 : i32 to index
          %swap3A_456 = arith.constant 32 : index
          %swap3A_457 = tpu.vector_load %arg12[%swap3A_454, %swap3A_455, %swap3A_456] {strides = array<i32>} : memref<2x40x64xf32, #tpu.memory_space<vmem>>, vector<1x1x16xf32>,
          %swap3A_458 = vector.shape_cast %swap3A_457 : vector<1x1x16xf32> to vector<16xf32>
          %swap3A_459 = vector.shape_cast %mul3A_452 : vector<16xf32> to vector<1x1x16xf32>
          tpu.vector_store %arg12[%swap3A_454, %swap3A_455, %swap3A_456], %swap3A_459 {strides = array<i32>} : memref<2x40x64xf32, #tpu.memory_space<vmem>>, vector<1x1x16xf32>,
          %get3A_460 = arith.constant 1 : i32
          %get3A_461 = arith.index_cast %get3A_460 : i32 to index
          %get3A_462 = arith.index_cast %scan3A_408 : i32 to index
          %get3A_463 = arith.constant 48 : index
          %get3A_464 = tpu.vector_load %arg12[%get3A_461, %get3A_462, %get3A_463] {strides = array<i32>} : memref<2x40x64xf32, #tpu.memory_space<vmem>>, vector<1x1x16xf32>,
          %get3A_465 = vector.shape_cast %get3A_464 : vector<1x1x16xf32> to vector<16xf32>
          %mul3A_466 = vector.broadcast %squeeze3A : f32 to vector<16xf32>
          %mul3A_467 = arith.mulf %get3A_465, %mul3A_466 : vector<16xf32>
          %swap3A_468 = arith.constant 1 : i32
          %swap3A_469 = arith.index_cast %swap3A_468 : i32 to index
          %swap3A_470 = arith.index_cast %scan3A_408 : i32 to index
          %swap3A_471 = arith.constant 48 : index
          %swap3A_472 = tpu.vector_load %arg12[%swap3A_469, %swap3A_470, %swap3A_471] {strides = array<i32>} : memref<2x40x64xf32, #tpu.memory_space<vmem>>, vector<1x1x16xf32>,
          %swap3A_473 = vector.shape_cast %swap3A_472 : vector<1x1x16xf32> to vector<16xf32>
          %swap3A_474 = vector.shape_cast %mul3A_467 : vector<16xf32> to vector<1x1x16xf32>
          tpu.vector_store %arg12[%swap3A_469, %swap3A_470, %swap3A_471], %swap3A_474 {strides = array<i32>} : memref<2x40x64xf32, #tpu.memory_space<vmem>>, vector<1x1x16xf32>,
          %scan3A_475 = arith.constant 0 : i32
          scf.yield %scan3A_475 : i32
        }
        %scan3A_395 = arith.constant 40 : i32
        %mul3A_396 = arith.constant 40 : i32
        %mul3A_397 = arith.muli %while3A_264, %mul3A_396 : i32
        %dma_start3A = arith.constant 1 : i32
        %dma_start3A_398 = arith.constant 0 : i32
        %dma_start3A_399 = arith.constant 0 : i32
        %dma_start3A_400 = tpu.memref_slice %arg12[%dma_start3A, %dma_start3A_398, %dma_start3A_399] : memref<2x40x64xf32, #tpu.memory_space<vmem>> -> memref<1x40x64xf32, #tpu.memory_space<vmem>>
        %dma_start3A_401 = tpu.memref_squeeze %dma_start3A_400 : memref<1x40x64xf32, #tpu.memory_space<vmem>> -> memref<40x64xf32, #tpu.memory_space<vmem>>
        %dma_start3A_402 = tpu.memref_slice %arg4[%mul3A_397, %mul3A_0] : memref<25000x128xf32, #tpu.memory_space<hbm>> -> memref<40x64xf32, #tpu.memory_space<hbm>>
        %dma_start3A_403 = tpu.memref_slice %arg4[%mul3A_397, %mul3A_0] : memref<25000x128xf32, #tpu.memory_space<hbm>> -> memref<40x64xf32, #tpu.memory_space<hbm>>
        %dma_start3A_404 = arith.constant 0 : i32
        %dma_start3A_405 = arith.constant 0 : i32
        %dma_start3A_406 = tpu.memref_slice %arg12[%dma_start3A, %dma_start3A_404, %dma_start3A_405] : memref<2x40x64xf32, #tpu.memory_space<vmem>> -> memref<1x40x64xf32, #tpu.memory_space<vmem>>
        %dma_start3A_407 = tpu.memref_squeeze %dma_start3A_406 : memref<1x40x64xf32, #tpu.memory_space<vmem>> -> memref<40x64xf32, #tpu.memory_space<vmem>>
        tpu.enqueue_dma source(%dma_start3A_407 : memref<40x64xf32, #tpu.memory_space<vmem>>) target(%dma_start3A_403 : memref<40x64xf32, #tpu.memory_space<hbm>>) target_semaphore(%arg17 : memref<!tpu.dma_semaphore, #tpu.memory_space<semaphore_mem>>)
      } else {
      }
      %while3A_292 = arith.constant 0 : i32
      scf.yield %while3A_292 : i32
    }
    "tpu.trace_stop"() : () -> ()
    %sub3A_253 = arith.subi %select_n3A_188, %select_n3A_160 : i32
    %ge3A_254 = arith.constant 2 : i32
    %ge3A_255 = arith.cmpi sge, %sub3A_253, %ge3A_254 : i32
    %convert_element_type3A_256 = arith.extui %ge3A_255 : i1 to i32
    %cond3A_257 = arith.constant 0 : i32
    %cond3A_258 = arith.cmpi ne, %convert_element_type3A_256, %cond3A_257 : i32
    scf.if %cond3A_258 {
      %sub3A_264 = arith.constant 2 : i32
      %sub3A_265 = arith.subi %select_n3A_188, %sub3A_264 : i32
      %sub3A_266 = arith.subi %sub3A_265, %select_n3A_160 : i32
      %jit3A_267 = arith.constant 2 : i32
      %eq3A_268 = arith.constant 0 : i32
      %eq3A_269 = arith.cmpi eq, %jit3A_267, %eq3A_268 : i32
      %jit3A_270 = arith.constant 1 : i32
      %select_n3A_271 = arith.select %eq3A_269, %jit3A_270, %jit3A_267 : i32
      %rem3A_272 = arith.remsi %sub3A_266, %select_n3A_271 : i32
      %ne3A_273 = arith.constant 0 : i32
      %ne3A_274 = arith.cmpi ne, %rem3A_272, %ne3A_273 : i32
      %lt3A_275 = arith.constant 0 : i32
      %lt3A_276 = arith.cmpi slt, %rem3A_272, %lt3A_275 : i32
      %lt3A_277 = arith.constant 0 : i32
      %lt3A_278 = arith.cmpi slt, %select_n3A_271, %lt3A_277 : i32
      %ne3A_279 = arith.xori %lt3A_276, %lt3A_278 : i1
      %and3A_280 = arith.andi %ne3A_279, %ne3A_274 : i1
      %add3A_281 = arith.addi %rem3A_272, %select_n3A_271 : i32
      %select_n3A_282 = arith.select %and3A_280, %add3A_281, %rem3A_272 : i32
      %eq3A_283 = arith.constant 0 : i32
      %eq3A_284 = arith.cmpi eq, %select_n3A_282, %eq3A_283 : i32
      %convert_element_type3A_285 = arith.extui %eq3A_284 : i1 to i32
      %cond3A_286 = arith.constant 0 : i32
      %cond3A_287 = arith.cmpi ne, %convert_element_type3A_285, %cond3A_286 : i32
      scf.if %cond3A_287 {
        %mul3A_293 = arith.constant 40 : i32
        %mul3A_294 = arith.muli %sub3A_265, %mul3A_293 : i32
        %dma_wait3A = arith.constant 0 : i32
        %dma_wait3A_295 = arith.constant 0 : i32
        %dma_wait3A_296 = arith.constant 0 : i32
        %dma_wait3A_297 = tpu.memref_slice %arg12[%dma_wait3A, %dma_wait3A_295, %dma_wait3A_296] : memref<2x40x64xf32, #tpu.memory_space<vmem>> -> memref<1x40x64xf32, #tpu.memory_space<vmem>>
        %dma_wait3A_298 = tpu.memref_squeeze %dma_wait3A_297 : memref<1x40x64xf32, #tpu.memory_space<vmem>> -> memref<40x64xf32, #tpu.memory_space<vmem>>
        %dma_wait3A_299 = tpu.memref_slice %arg4[%mul3A_294, %mul3A_0] : memref<25000x128xf32, #tpu.memory_space<hbm>> -> memref<40x64xf32, #tpu.memory_space<hbm>>
        %dma_wait3A_300 = tpu.memref_slice %arg4[%mul3A_294, %mul3A_0] : memref<25000x128xf32, #tpu.memory_space<hbm>> -> memref<40x64xf32, #tpu.memory_space<hbm>>
        %dma_wait3A_301 = arith.constant 0 : i32
        %dma_wait3A_302 = arith.constant 0 : i32
        %dma_wait3A_303 = tpu.memref_slice %arg12[%dma_wait3A, %dma_wait3A_301, %dma_wait3A_302] : memref<2x40x64xf32, #tpu.memory_space<vmem>> -> memref<1x40x64xf32, #tpu.memory_space<vmem>>
        %dma_wait3A_304 = tpu.memref_squeeze %dma_wait3A_303 : memref<1x40x64xf32, #tpu.memory_space<vmem>> -> memref<40x64xf32, #tpu.memory_space<vmem>>
        tpu.wait_dma2 semaphore(%arg16 : memref<!tpu.dma_semaphore, #tpu.memory_space<semaphore_mem>>) src(%dma_wait3A_304 : memref<40x64xf32, #tpu.memory_space<vmem>>) dst(%dma_wait3A_300 : memref<40x64xf32, #tpu.memory_space<hbm>>)
      } else {
      }
      %eq3A_288 = arith.constant 1 : i32
      %eq3A_289 = arith.cmpi eq, %select_n3A_282, %eq3A_288 : i32
      %convert_element_type3A_290 = arith.extui %eq3A_289 : i1 to i32
      %cond3A_291 = arith.constant 0 : i32
      %cond3A_292 = arith.cmpi ne, %convert_element_type3A_290, %cond3A_291 : i32
      scf.if %cond3A_292 {
        %mul3A_293 = arith.constant 40 : i32
        %mul3A_294 = arith.muli %sub3A_265, %mul3A_293 : i32
        %dma_wait3A = arith.constant 1 : i32
        %dma_wait3A_295 = arith.constant 0 : i32
        %dma_wait3A_296 = arith.constant 0 : i32
        %dma_wait3A_297 = tpu.memref_slice %arg12[%dma_wait3A, %dma_wait3A_295, %dma_wait3A_296] : memref<2x40x64xf32, #tpu.memory_space<vmem>> -> memref<1x40x64xf32, #tpu.memory_space<vmem>>
        %dma_wait3A_298 = tpu.memref_squeeze %dma_wait3A_297 : memref<1x40x64xf32, #tpu.memory_space<vmem>> -> memref<40x64xf32, #tpu.memory_space<vmem>>
        %dma_wait3A_299 = tpu.memref_slice %arg4[%mul3A_294, %mul3A_0] : memref<25000x128xf32, #tpu.memory_space<hbm>> -> memref<40x64xf32, #tpu.memory_space<hbm>>
        %dma_wait3A_300 = tpu.memref_slice %arg4[%mul3A_294, %mul3A_0] : memref<25000x128xf32, #tpu.memory_space<hbm>> -> memref<40x64xf32, #tpu.memory_space<hbm>>
        %dma_wait3A_301 = arith.constant 0 : i32
        %dma_wait3A_302 = arith.constant 0 : i32
        %dma_wait3A_303 = tpu.memref_slice %arg12[%dma_wait3A, %dma_wait3A_301, %dma_wait3A_302] : memref<2x40x64xf32, #tpu.memory_space<vmem>> -> memref<1x40x64xf32, #tpu.memory_space<vmem>>
        %dma_wait3A_304 = tpu.memref_squeeze %dma_wait3A_303 : memref<1x40x64xf32, #tpu.memory_space<vmem>> -> memref<40x64xf32, #tpu.memory_space<vmem>>
        tpu.wait_dma2 semaphore(%arg17 : memref<!tpu.dma_semaphore, #tpu.memory_space<semaphore_mem>>) src(%dma_wait3A_304 : memref<40x64xf32, #tpu.memory_space<vmem>>) dst(%dma_wait3A_300 : memref<40x64xf32, #tpu.memory_space<hbm>>)
      } else {
      }
    } else {
    }
    %ge3A_259 = arith.constant 1 : i32
    %ge3A_260 = arith.cmpi sge, %sub3A_253, %ge3A_259 : i32
    %convert_element_type3A_261 = arith.extui %ge3A_260 : i1 to i32
    %cond3A_262 = arith.constant 0 : i32
    %cond3A_263 = arith.cmpi ne, %convert_element_type3A_261, %cond3A_262 : i32
    scf.if %cond3A_263 {
      %sub3A_264 = arith.constant 1 : i32
      %sub3A_265 = arith.subi %select_n3A_188, %sub3A_264 : i32
      %sub3A_266 = arith.subi %sub3A_265, %select_n3A_160 : i32
      %jit3A_267 = arith.constant 2 : i32
      %eq3A_268 = arith.constant 0 : i32
      %eq3A_269 = arith.cmpi eq, %jit3A_267, %eq3A_268 : i32
      %jit3A_270 = arith.constant 1 : i32
      %select_n3A_271 = arith.select %eq3A_269, %jit3A_270, %jit3A_267 : i32
      %rem3A_272 = arith.remsi %sub3A_266, %select_n3A_271 : i32
      %ne3A_273 = arith.constant 0 : i32
      %ne3A_274 = arith.cmpi ne, %rem3A_272, %ne3A_273 : i32
      %lt3A_275 = arith.constant 0 : i32
      %lt3A_276 = arith.cmpi slt, %rem3A_272, %lt3A_275 : i32
      %lt3A_277 = arith.constant 0 : i32
      %lt3A_278 = arith.cmpi slt, %select_n3A_271, %lt3A_277 : i32
      %ne3A_279 = arith.xori %lt3A_276, %lt3A_278 : i1
      %and3A_280 = arith.andi %ne3A_279, %ne3A_274 : i1
      %add3A_281 = arith.addi %rem3A_272, %select_n3A_271 : i32
      %select_n3A_282 = arith.select %and3A_280, %add3A_281, %rem3A_272 : i32
      %eq3A_283 = arith.constant 0 : i32
      %eq3A_284 = arith.cmpi eq, %select_n3A_282, %eq3A_283 : i32
      %convert_element_type3A_285 = arith.extui %eq3A_284 : i1 to i32
      %cond3A_286 = arith.constant 0 : i32
      %cond3A_287 = arith.cmpi ne, %convert_element_type3A_285, %cond3A_286 : i32
      scf.if %cond3A_287 {
        %mul3A_293 = arith.constant 40 : i32
        %mul3A_294 = arith.muli %sub3A_265, %mul3A_293 : i32
        %dma_wait3A = arith.constant 0 : i32
        %dma_wait3A_295 = arith.constant 0 : i32
        %dma_wait3A_296 = arith.constant 0 : i32
        %dma_wait3A_297 = tpu.memref_slice %arg12[%dma_wait3A, %dma_wait3A_295, %dma_wait3A_296] : memref<2x40x64xf32, #tpu.memory_space<vmem>> -> memref<1x40x64xf32, #tpu.memory_space<vmem>>
        %dma_wait3A_298 = tpu.memref_squeeze %dma_wait3A_297 : memref<1x40x64xf32, #tpu.memory_space<vmem>> -> memref<40x64xf32, #tpu.memory_space<vmem>>
        %dma_wait3A_299 = tpu.memref_slice %arg4[%mul3A_294, %mul3A_0] : memref<25000x128xf32, #tpu.memory_space<hbm>> -> memref<40x64xf32, #tpu.memory_space<hbm>>
        %dma_wait3A_300 = tpu.memref_slice %arg4[%mul3A_294, %mul3A_0] : memref<25000x128xf32, #tpu.memory_space<hbm>> -> memref<40x64xf32, #tpu.memory_space<hbm>>
        %dma_wait3A_301 = arith.constant 0 : i32
        %dma_wait3A_302 = arith.constant 0 : i32
        %dma_wait3A_303 = tpu.memref_slice %arg12[%dma_wait3A, %dma_wait3A_301, %dma_wait3A_302] : memref<2x40x64xf32, #tpu.memory_space<vmem>> -> memref<1x40x64xf32, #tpu.memory_space<vmem>>
        %dma_wait3A_304 = tpu.memref_squeeze %dma_wait3A_303 : memref<1x40x64xf32, #tpu.memory_space<vmem>> -> memref<40x64xf32, #tpu.memory_space<vmem>>
        tpu.wait_dma2 semaphore(%arg16 : memref<!tpu.dma_semaphore, #tpu.memory_space<semaphore_mem>>) src(%dma_wait3A_304 : memref<40x64xf32, #tpu.memory_space<vmem>>) dst(%dma_wait3A_300 : memref<40x64xf32, #tpu.memory_space<hbm>>)
      } else {
      }
      %eq3A_288 = arith.constant 1 : i32
      %eq3A_289 = arith.cmpi eq, %select_n3A_282, %eq3A_288 : i32
      %convert_element_type3A_290 = arith.extui %eq3A_289 : i1 to i32
      %cond3A_291 = arith.constant 0 : i32
      %cond3A_292 = arith.cmpi ne, %convert_element_type3A_290, %cond3A_291 : i32
      scf.if %cond3A_292 {
        %mul3A_293 = arith.constant 40 : i32
        %mul3A_294 = arith.muli %sub3A_265, %mul3A_293 : i32
        %dma_wait3A = arith.constant 1 : i32
        %dma_wait3A_295 = arith.constant 0 : i32
        %dma_wait3A_296 = arith.constant 0 : i32
        %dma_wait3A_297 = tpu.memref_slice %arg12[%dma_wait3A, %dma_wait3A_295, %dma_wait3A_296] : memref<2x40x64xf32, #tpu.memory_space<vmem>> -> memref<1x40x64xf32, #tpu.memory_space<vmem>>
        %dma_wait3A_298 = tpu.memref_squeeze %dma_wait3A_297 : memref<1x40x64xf32, #tpu.memory_space<vmem>> -> memref<40x64xf32, #tpu.memory_space<vmem>>
        %dma_wait3A_299 = tpu.memref_slice %arg4[%mul3A_294, %mul3A_0] : memref<25000x128xf32, #tpu.memory_space<hbm>> -> memref<40x64xf32, #tpu.memory_space<hbm>>
        %dma_wait3A_300 = tpu.memref_slice %arg4[%mul3A_294, %mul3A_0] : memref<25000x128xf32, #tpu.memory_space<hbm>> -> memref<40x64xf32, #tpu.memory_space<hbm>>
        %dma_wait3A_301 = arith.constant 0 : i32
        %dma_wait3A_302 = arith.constant 0 : i32
        %dma_wait3A_303 = tpu.memref_slice %arg12[%dma_wait3A, %dma_wait3A_301, %dma_wait3A_302] : memref<2x40x64xf32, #tpu.memory_space<vmem>> -> memref<1x40x64xf32, #tpu.memory_space<vmem>>
        %dma_wait3A_304 = tpu.memref_squeeze %dma_wait3A_303 : memref<1x40x64xf32, #tpu.memory_space<vmem>> -> memref<40x64xf32, #tpu.memory_space<vmem>>
        tpu.wait_dma2 semaphore(%arg17 : memref<!tpu.dma_semaphore, #tpu.memory_space<semaphore_mem>>) src(%dma_wait3A_304 : memref<40x64xf32, #tpu.memory_space<vmem>>) dst(%dma_wait3A_300 : memref<40x64xf32, #tpu.memory_space<hbm>>)
      } else {
      }
    } else {
    }
    return
  }
}

</mosaic_0001>

<sc_bundles>
// kernel: kernel.3.cloned.1.call-start
scs
__scs_entry_jumppad:
0x0: {  	(pc) =	sbr.rel $0x88, $3  }
0x1: {  	(tag) =	ssettag $0x0;
	lr =	simm.s32 $0x1  }
0x2: {  	[smem:$0x3F9E] =	sst lr;
	_ =	strace $0xD0000000  }
0x3: {  	_ = 	snop  }
0x4: {  	_ = 	snop  }
0x5: {  	_ = 	snop  }
0x6: {  	_ = 	snop  }
0x7: {  	_ = 	snop  }
__scs_overlays_trampoline_lowered:
0x8: {  	[smem:$0x3FAD] =	sst s0  }
0x9: {  	[smem:$0x3FAE] =	sst s1  }
0xa: {  	[smem:$0x3FAF] =	sst s2  }
0xb: {  	[smem:$0x3FB0] =	sst s3  }
0xc: {  	[smem:$0x3FB1] =	sst s4  }
0xd: {  	[smem:$0x3FB2] =	sst s5  }
0xe: {  	[smem:$0x3FB3] =	sst s6  }
0xf: {  	[smem:$0x3FB4] =	sst s7  }
0x10: {  	[smem:$0x3FB5] =	sst s8  }
0x11: {  	[smem:$0x3FB6] =	sst s9;
	s0 =	simm.s32 @!p0 $0x0  }
0x12: {  	s1 =	sld [smem:$0x3F9C];
	s0 =	simm.s32 @p0 $0x1  }
0x13: {  	[smem:$0x3FB7] =	sst s0;
	s0 =	simm.s32 @!p1 $0x0  }
0x14: {  	s2 =	sld [smem:$0x3F9B];
	s0 =	simm.s32 @p1 $0x1  }
0x15: {  	[smem:$0x3FB8] =	sst s0;
	s0 =	simm.s32 @!p2 $0x0  }
0x16: {  	s3 =	sld [smem:$0x3FDB];
	s0 =	simm.s32 @p2 $0x1  }
0x17: {  	s4 =	simm.s32 $0x1BF5;
	[smem:$0x3FBA] =	sst s0  }
0x18: {  	s0 =	sld [smem:$0x3F9D];
	_ =	swait.ge [sflag:s4], $0x0  }
0x19: {  	s7 =	sld [smem:$0x3F9E]  }
0x1a: {  	s8 =	sadd.s32 $0xFFFFE003, lr  }
0x1b: {  	s9 =	sadd.s32 $0xFFFFFEF7, lr;
	s5 =	simm.s32 $0xFFFFFFFF;
	p2 =	slt.u32 s8, $0xFFFFF086  }
0x1c: {  	p1 =	slt.u32 s9, $0xF7A;
	s5 =	simm.s32 @!p2 $0x0  }
0x1d: {  	s5 =	simm.s32 @p1 $0x1;
	p0 =	seq.s32 s7, s2  }
0x1e: {  	s7 =	smul.u32 @!p0 $0xF7A, s2;
	p2 =	seq.s32 @!p0 s5, $0x0  }
0x1f: {  	s9 =	smul.u32 $0xF7A, s1;
	s8 =	simm.s32 @!p0 $0x1BF5;
	p2 =	por !p2, p0  }
0x20: {  	[sflag:s8] =	ssyncset.s32 @!p0 $0xFFFFF086;
	s6 =	sadd.s32 @!p0 s3, s7;
	s7 =	simm.s32 @!p0 $0x108  }
0x21: {  	s3 =	sadd.s32 s3, s9;
	s6 =	sadd.s32 @!p0 $0x88, s6;
	s7 =	simm.s32 @p2 $0x1082  }
0x22: {  	[simem:s7], [sflag:s8] =	dma.local @!p0 [hbm:s6], $0xF7A  }
0x23: {  	s9 =	sor.u32 $0xD0000000, s2;
	s6 =	simm.s32 $0x108;
	_ =	swait.ge @!p0 [sflag:s8], $0x0  }
0x24: {  	s3 =	sadd.s32 $0x88, s3;
	s6 =	simm.s32 @!p1 $0x1082;
	[sflag:s4] =	ssyncset.s32 $0xFFFFF086  }
0x25: {  	[simem:s6], [sflag:s4] =	dma.local [hbm:s3], $0xF7A  }
0x26: {  	[smem:$0x3F9E] =	sst s1;
	(tag) =	ssettag s2;
	_ =	strace s9  }
0x27: {  	s1 =	sld [smem:$0x3FAE]  }
0x28: {  	s2 =	sld [smem:$0x3FAF]  }
0x29: {  	s4 =	sld [smem:$0x3FB1]  }
0x2a: {  	p0 =	seq.s32 s5, $0x0;
	s5 =	sld [smem:$0x3FB2]  }
0x2b: {  	s6 =	sld [smem:$0x3FB3]  }
0x2c: {  	s7 =	sld [smem:$0x3FB4]  }
0x2d: {  	s3 =	simm.s32 $0x108;
	s8 =	sld [smem:$0x3FB5]  }
0x2e: {  	s3 =	simm.s32 @!p0 $0x1082;
	s9 =	sld [smem:$0x3FB6]  }
0x2f: {  	lr =	sadd.s32 s0, s3;
	s0 =	sld [smem:$0x3FAD]  }
0x30: {  	s3 =	sld [smem:$0x3FB0]  }
0x31: {  	[smem:$0x3FB9] =	sst s10  }
0x32: {  	s10 =	sld [smem:$0x3FB7];
	_ =	sdelay $0x3  }
0x33: {  	p0 =	seq.s32 s10, $0x1;
	s10 =	sld [smem:$0x3FB9];
	_ =	sdelay $0x3  }
0x34: {  	[smem:$0x3FB9] =	sst s10  }
0x35: {  	s10 =	sld [smem:$0x3FB8];
	_ =	sdelay $0x3  }
0x36: {  	p1 =	seq.s32 s10, $0x1;
	s10 =	sld [smem:$0x3FB9];
	_ =	sdelay $0x3  }
0x37: {  	[smem:$0x3FB9] =	sst s10  }
0x38: {  	s10 =	sld [smem:$0x3FBA]  }
0x39: {  	_ = 	snop;
	(pc) =	sbr.ind lr, $3  }
0x3a: {  	_ = 	snop  }
0x3b: {  	_ = 	snop  }
0x3c: {  	p2 =	seq.s32 s10, $0x1;
	s10 =	sld [smem:$0x3FB9]  }
0x3d: {  	_ =	shalt  }
0x3e: {  	_ =	shalt  }
0x3f: {  	_ =	shalt  }
0x40: {  	_ =	shalt  }
0x41: {  	_ =	shalt  }
0x42: {  	_ =	shalt  }
0x43: {  	_ =	shalt  }
0x44: {  	_ =	shalt  }
0x45: {  	_ =	shalt  }
0x46: {  	_ =	shalt  }
0x47: {  	_ =	shalt  }
0x48: {  	_ =	shalt  }
0x49: {  	_ =	shalt  }
0x4a: {  	_ =	shalt  }
0x4b: {  	_ =	shalt  }
0x4c: {  	_ =	shalt  }
0x4d: {  	_ =	shalt  }
0x4e: {  	_ =	shalt  }
0x4f: {  	_ =	shalt  }
0x50: {  	_ =	shalt  }
0x51: {  	_ =	shalt  }
0x52: {  	_ =	shalt  }
0x53: {  	_ =	shalt  }
0x54: {  	_ =	shalt  }
0x55: {  	_ =	shalt  }
0x56: {  	_ =	shalt  }
0x57: {  	_ =	shalt  }
0x58: {  	_ =	shalt  }
0x59: {  	_ =	shalt  }
0x5a: {  	_ =	shalt  }
0x5b: {  	_ =	shalt  }
0x5c: {  	_ =	shalt  }
0x5d: {  	_ =	shalt  }
0x5e: {  	_ =	shalt  }
0x5f: {  	_ =	shalt  }
0x60: {  	_ =	shalt  }
0x61: {  	_ =	shalt  }
0x62: {  	_ =	shalt  }
0x63: {  	_ =	shalt  }
0x64: {  	_ =	shalt  }
0x65: {  	_ =	shalt  }
0x66: {  	_ =	shalt  }
0x67: {  	_ =	shalt  }
0x68: {  	_ =	shalt  }
0x69: {  	_ =	shalt  }
0x6a: {  	_ =	shalt  }
0x6b: {  	_ =	shalt  }
0x6c: {  	_ =	shalt  }
0x6d: {  	_ =	shalt  }
0x6e: {  	_ =	shalt  }
0x6f: {  	_ =	shalt  }
0x70: {  	_ =	shalt  }
0x71: {  	_ =	shalt  }
0x72: {  	_ =	shalt  }
0x73: {  	_ =	shalt  }
0x74: {  	_ =	shalt  }
0x75: {  	_ =	shalt  }
0x76: {  	_ =	shalt  }
0x77: {  	_ =	shalt  }
0x78: {  	_ =	shalt  }
0x79: {  	_ =	shalt  }
0x7a: {  	_ =	shalt  }
0x7b: {  	_ =	shalt  }
0x7c: {  	_ =	shalt  }
0x7d: {  	_ =	shalt  }
0x7e: {  	_ =	shalt  }
0x7f: {  	_ =	shalt  }
0x80: {  	_ =	shalt  }
0x81: {  	_ =	shalt  }
0x82: {  	_ =	shalt  }
0x83: {  	_ =	shalt  }
0x84: {  	_ =	shalt  }
0x85: {  	_ =	shalt  }
0x86: {  	_ =	shalt  }
0x87: {  	_ =	shalt  }
.Lfunc_end0:
.L_simem_size_0:
called_computation_lowered:
.L_overlay_start_0:
0x88: {  	s2 =	sld [smem:$0x3FD9]  }
0x89: {  	s3 =	sld [smem:$0x3FFE];
	_ =	sdelay $0x1  }
0x8a: {  	s1 =	srdreg.scid  }
0x8b: {  	s0 =	sand.u32 $0x1, s1  }
0x8c: {  	s15 =	sshll.u32 s0, $0xA;
	s2 =	sadd.s32 s3, s2  }
0x8d: {  	s2 =	sadd.s32 s2, s15  }
0x8e: {  	[smem:$0x3FC5] =	sst s2  }
0x8f: {  	_ = 	snop  }
0x90: {  	s2 =	sld [smem:$0x3FD0];
	_ =	sdelay $0x1  }
0x91: {  	s16 =	sld [smem:$0x3FC9]  }
0x92: {  	s5 =	simm.s32 $0xA;
	s6 =	simm.s32 $0x10;
	s4 =	sld [smem:$0x3FC8]  }
0x93: {  	[smem:s6], [sflag:s5] =	dma.local [hbm:s2], $0x1  }
0x94: {  	_ =	swait.eq [sflag:s5], $0x1  }
0x95: {  	[sflag:s5] =	ssyncset.done $0x0  }
0x96: {  	[sflag:s5] =	ssyncadd.s32 $0xFFFFFFFF  }
0x97: {  	s17 =	sld [smem:$0x10];
	(tm) =	ssettm $0x1  }
0x98: {  	s18 =	sld [smem:$0x3FFB];
	_ =	sdelay $0x3  }
0x99: {  	_ =	strace s18  }
0x9a: {  	s5 =	sld [smem:$0x3FFC];
	_ =	sdelay $0x3  }
0x9b: {  	_ =	strace s5  }
0x9c: {  	s5 =	sld [smem:$0x3FFD];
	_ =	sdelay $0x3  }
0x9d: {  	_ =	strace s5  }
0x9e: {  	_ =	strace $0x8FFFFFFF  }
0x9f: {  	s19 =	sld [smem:$0x3FDB];
	_ =	sdelay $0x1  }
0xa0: {  	s20 =	simm.s32 $_scs_section_size  }
0xa1: {  	s7 =	simm.s32 $_size__tile_overlayer_lowered;
	s8 =	simm.s32 $_tile_overlayer_lowered  }
0xa2: {  	s23 =	simm.s32 $0x1BFF;
	s22 =	sshll.u32 s8, $0x1;
	s5 =	sadd.s32 s20, s19  }
0xa3: {  	s9 =	simm.s32 $0x0;
	s21 =	sshll.u32 s7, $0x1;
	s7 =	sadd.s32 s22, s5  }
0xa4: {  	[timem:s9], [sflag:s23] =	dma.local [hbm:s7], s21  }
0xa5: {  	_ =	swait.ge [sflag:s23], s21  }
0xa6: {  	s6 =	ssub.s32 $0x0, s21;
	[sflag:s23] =	ssyncset.done $0x0  }
0xa7: {  	[sflag:s23] =	ssyncadd.s32 s6;
	_ =	sdelay $0x1  }
0xa8: {  	s24 =	simm.s32 $0x1B8B  }
0xa9: {  	_ =	swait.ge [sflag:s24], $0x1  }
0xaa: {  	[sflag:s24] =	ssyncset.done $0x0  }
0xab: {  	s25 =	simm.s32 $0x1B8E;
	[sflag:s24] =	ssyncadd.s32 $0xFFFFFFFF  }
0xac: {  	s26 =	simm.s32 $execute0_lowered;
	[smem:$0x3FD2] =	sst s25  }
0xad: {  	s6 =	sshll.u32 s26, $0x1;
	_ =	strace $0x80000046;
	[dreg:$0x1] =	wrdreg $0xFFFFFFFF  }
0xae: {  	s28 =	simm.s32 $_size_execute0_lowered;
	s5 =	sadd.s32 s5, s6;
	[dreg:$0x0] =	wrdreg $0x0  }
0xaf: {  	s6 =	sshll.u32 s28, $0x1;
	[dreg:$0x2] =	wrdreg s5  }
0xb0: {  	[dreg:$0x3] =	wrdreg s6  }
0xb1: {  	[dreg:$0x4] =	wrdreg $0xC0  }
0xb2: {  	_ =	task [dreg:s9], $0x5FFFF  }
0xb3: {  	[dreg:$0x1] =	wrdreg $0xFFFFFFFF  }
0xb4: {  	[dreg:$0x0] =	wrdreg $0x60  }
0xb5: {  	[dreg:$0x2] =	wrdreg s16  }
0xb6: {  	[dreg:$0x3] =	wrdreg s4  }
0xb7: {  	[dreg:$0x4] =	wrdreg s17  }
0xb8: {  	[dreg:$0x5] =	wrdreg $0x0  }
0xb9: {  	[dreg:$0x6] =	wrdreg $0x186A00  }
0xba: {  	[dreg:$0x7] =	wrdreg $0x9  }
0xbb: {  	_ =	task.clear_ibuf [dreg:s9], $0x8FFFF;
	_ =	strace $0x90000046  }
0xbc: {  	s29 =	simm.s32 $0x9;
	_ =	strace $0x8000004C  }
0xbd: {  	_ =	swait.ge [sflag:s29], $0x1  }
0xbe: {  	[sflag:s29] =	ssyncadd.s32 $0xFFFFFFFF  }
0xbf: {  	_ =	strace $0x9000004C  }
0xc0: {  	_ =	sfence  }
0xc1: {  	s30 =	sld [smem:$0x0];
	_ =	sdelay $0x2  }
0xc2: {  	s31 =	sshll.u32 s1, $0xD;
	s1 =	sshrl.u32 s1, $0x2  }
0xc3: {  	s3 =	sand.u32 $0x4000, s31;
	s1 =	sadd.s32 s1, s30  }
0xc4: {  	s0 =	sor.u32 s3, s0;
	s1 =	sshll.u32 s1, $0x11  }
0xc5: {  	s0 =	sor.u32 s1, s0  }
0xc6: {  	s0 =	sadd.s32 $0x8F2B, s0  }
0xc7: {  	[sflag:s0] =	ssyncadd.remote.s32 $0x1  }
0xc8: {  	_ =	sfence.sel $0xFFFF  }
0xc9: {  	[dreg:$0x0] =	wrdreg $0xFFFFFFFF;
	(pc) =	sbr.abs _section_cstart, $3  }
0xca: {  	[dreg:$0x1] =	wrdreg $0xFFFFFFFF  }
0xcb: {  	_ =	task.clear_ibuf [dreg:s9], $0x2FFFF;
	_ =	strace $0x9FFFFFFF  }
0xcc: {  	(tm) =	ssettm $0x7FFFFFFF  }
0xcd: {  	_ =	shalt  }
tec
execute0_lowered:
.L_overlay_start_1:
0x0: {  	(tag) =	ssettag $0x1  }
0x1: {  	s1 =	rddreg [dreg:$0x0]  }
0x2: {  	s3 =	rddreg [dreg:$0x1]  }
0x3: {  	s2 =	rddreg [dreg:$0x2]  }
0x4: {  	s4 =	rddreg [dreg:$0x3]  }
0x5: {  	s5 =	rddreg [dreg:$0x4]  }
0x6: {  	s0 =	srdreg.scid;
	s18 =	stileid.u32  }
0x7: {  	s6 =	simm.s32 $0x0;
	s29 =	simm.s32 $0x3;
	s31 =	simm.s32 $0x40  }
0x8: {  	s30 =	simm.s32 $0x80;
	s10 =	sand.u32 $0x1, s0;
	s12 =	smul.u32 $0x30D, s18  }
0x9: {  	[smem:$0x7FF] =	sst s6;
	s13 =	smul.u32 $0x271, s18;
	s0 =	ssub.s32 $0x2, s10  }
0xa: {  	p6 =	sne.s32 s18, $0xF;
	_ =	strace $0x80000047;
	s8 =	sshrl.u32 s0, $0x1  }
0xb: {  	s7 =	sshrl.u32 s12, $0x4;
	s9 =	sadd.s32 $0x30D, s12;
	s12 =	sand.u32 $0x3FF0, s12  }
0xc: {  	s21 =	sadd.s32 $0x271, s13;
	s11 =	ssub.s32 s0, s8;
	s8 =	sshll.u32 s10, $0x6  }
0xd: {  	s19 =	sshll.u32 s7, $0xE;
	s9 =	sshrl.u32 s9, $0x4;
	s22 =	sadd.s32 s3, s12  }
0xe: {  	s12 =	sshrl.u32 s13, $0x4;
	s3 =	sadd.s32 $0x30D0, s3;
	s0 =	sor.u32 s8, s19  }
0xf: {  	s19 =	ssub.s32 s9, s7;
	s13 =	ssub.s32 s7, s9;
	[dreg:$0xb] =	wrdreg s3  }
0x10: {  	s23 =	sadd.s32 $0x1, s12;
	[dreg:$0x6] =	wrdreg s22;
	s14 =	sshrl.u32 s0, $0x3  }
0x11: {  	s15 =	sand.u32 $0x1, s19;
	s16 =	sand.u32 $0x1, s13;
	s0 =	sadd.s32 $0x4000, s0  }
0x12: {  	s20 =	sadd.s32 s1, s14;
	s14 =	sshrl.u32 s21, $0x4;
	p1 =	seq.s32 s15, $0x1  }
0x13: {  	p0 =	seq.s32 s16, $0x1;
	s16 =	sadd.s32 $0x2, s12;
	[dreg:$0x1a] =	wrdreg s0  }
0x14: {  	s15 =	simm.s32 $0x4;
	[dreg:$0x7] =	wrdreg s20;
	s20 =	ssub.s32 s14, s12  }
0x15: {  	p3 =	seq.s32 s23, s14;
	s17 =	ssub.s32 s12, s14;
	s15 =	simm.s32 @!p1 $0x3  }
0x16: {  	s26 =	sadd.s32 $0xFFFFFFFA, s14;
	s24 =	sand.u32 $0x1, s20;
	p2 =	seq.s32 @!p3 s16, s14  }
0x17: {  	s25 =	sand.u32 $0x1, s17;
	s17 =	sadd.s32 $0x3, s12;
	s21 =	simm.s32 @!p3 $0x0  }
0x18: {  	s16 =	sadd.s32 $0x4, s12;
	s28 =	smax.u32 s12, s26;
	s21 =	simm.s32 @p3 $0x1  }
0x19: {  	p3 =	por p3, p2;
	p4 =	seq.s32 s24, $0x1;
	[dreg:$0xa] =	wrdreg s28  }
0x1a: {  	p5 =	seq.s32 s25, $0x1;
	s24 =	smax.u32 s11, $0x1;
	[smem:$0x7F3] =	sst s21  }
0x1b: {  	p2 =	seq.s32 @!p3 s17, s14;
	s17 =	simm.s32 @!p3 $0x0;
	s21 =	sadd.s32 $0x5, s12  }
0x1c: {  	[dreg:$0xf] =	wrdreg s24;
	s17 =	simm.s32 @p3 $0x1;
	p2 =	por p3, p2  }
0x1d: {  	[smem:$0x7F4] =	sst s17;
	p1 =	seq.s32 @!p2 s16, s14;
	s23 =	simm.s32 @!p2 $0x0  }
0x1e: {  	s16 =	simm.s32 $0x4;
	s17 =	simm.s32 $0x3;
	s23 =	simm.s32 @p2 $0x1  }
0x1f: {  	p1 =	por p2, p1;
	s17 =	simm.s32 @!p0 $0x4;
	s16 =	simm.s32 @!p4 $0x3  }
0x20: {  	p2 =	slt.s32 s20, $0x2;
	p4 =	sge.u32 s7, s9;
	[smem:$0x7F5] =	sst s23  }
0x21: {  	s23 =	simm.s32 $0x3;
	p0 =	seq.s32 @!p1 s21, s14;
	[dreg:$0x8] =	wrdreg s16  }
0x22: {  	s16 =	simm.s32 @!p2 $0x0;
	s11 =	simm.s32 @!p1 $0x0;
	s23 =	simm.s32 @!p5 $0x4  }
0x23: {  	s16 =	simm.s32 @p2 $0x1;
	p2 =	sne.s32 s20, $0x1;
	[dreg:$0x9] =	wrdreg s23  }
0x24: {  	s20 =	smul.u32 $0x2800, s12;
	s11 =	simm.s32 @p1 $0x1;
	[smem:$0x7F6] =	sst s16  }
0x25: {  	p5 =	por p1, p0;
	s16 =	simm.s32 @!p2 $0x0;
	[smem:$0x7FA] =	sst s11  }
0x26: {  	s11 =	simm.s32 $0x2;
	s16 =	simm.s32 @p2 $0x1;
	p2 =	slt.s32 s19, $0x2  }
0x27: {  	s21 =	sshrl.u32 s20, $0x2;
	[smem:$0x7F7] =	sst s16;
	s16 =	simm.s32 @!p2 $0x0  }
0x28: {  	s28 =	sadd.s32 $0x5000, s20;
	s16 =	simm.s32 @p2 $0x1;
	p2 =	sne.s32 s19, $0x1  }
0x29: {  	s19 =	smul.u32 $0xA0, s12;
	[smem:$0x7F8] =	sst s16;
	s16 =	simm.s32 @!p2 $0x0  }
0x2a: {  	s25 =	sadd.s32 $0x2800, s20;
	s24 =	sshrl.u32 s28, $0x2;
	s16 =	simm.s32 @p2 $0x1  }
0x2b: {  	s26 =	sadd.s32 $0xA0, s19;
	[smem:$0x7F9] =	sst s16;
	s16 =	sshll.u32 s10, $0x3  }
0x2c: {  	s23 =	sshrl.u32 s19, $0x2;
	s10 =	sshrl.u32 s26, $0x2;
	s3 =	sadd.s32 s16, s1  }
0x2d: {  	s16 =	sadd.s32 s21, s4;
	s21 =	sadd.s32 s23, s5;
	s23 =	sadd.s32 s10, s5  }
0x2e: {  	s28 =	sadd.s32 $0x1E0, s19;
	s26 =	sadd.s32 $0x7800, s20;
	[dreg:$0x11] =	wrdreg s23  }
0x2f: {  	s10 =	sshrl.u32 s26, $0x2;
	s26 =	sadd.s32 $0x280, s19;
	[dreg:$0xe] =	wrdreg s21  }
0x30: {  	s3 =	sadd.s32 $0x186800, s3;
	s23 =	sadd.s32 s10, s4;
	[dreg:$0xd] =	wrdreg s16  }
0x31: {  	s10 =	sshrl.u32 s26, $0x2;
	s26 =	sadd.s32 $0x3C00, s16;
	[dreg:$0xc] =	wrdreg s3  }
0x32: {  	s3 =	sshrl.u32 s25, $0x2;
	s25 =	sadd.s32 $0x140, s19;
	[dreg:$0x14] =	wrdreg s23  }
0x33: {  	s10 =	sadd.s32 s10, s5;
	s23 =	sadd.s32 $0x320, s19;
	[dreg:$0x1c] =	wrdreg s26  }
0x34: {  	s19 =	sadd.s32 $0x6, s12;
	s3 =	sadd.s32 s3, s4;
	[dreg:$0x17] =	wrdreg s10  }
0x35: {  	s26 =	simm.s32 $0x1;
	p0 =	seq.s32 @!p5 s19, s14;
	[dreg:$0x10] =	wrdreg s3  }
0x36: {  	s3 =	sadd.s32 s24, s4;
	s24 =	sshrl.u32 s28, $0x2;
	s28 =	sadd.s32 $0xC800, s20  }
0x37: {  	p0 =	por p5, p0;
	[dreg:$0x12] =	wrdreg s3;
	s3 =	sshrl.u32 s25, $0x2  }
0x38: {  	s25 =	sadd.s32 $0xA000, s20;
	s20 =	sshrl.u32 s28, $0x2;
	s28 =	sadd.s32 $0x10, s22  }
0x39: {  	s0 =	simm.s32 @!p0 $0x0;
	s3 =	sadd.s32 s3, s5;
	[dreg:$0x1d] =	wrdreg s28  }
0x3a: {  	s0 =	simm.s32 @p0 $0x1;
	p0 =	sge.u32 s12, s14;
	[dreg:$0x13] =	wrdreg s3  }
0x3b: {  	s3 =	sadd.s32 s24, s5;
	[smem:$0x7FB] =	sst s0;
	s0 =	simm.s32 @!p0 $0x0  }
0x3c: {  	[dreg:$0x15] =	wrdreg s3;
	s3 =	sshrl.u32 s25, $0x2;
	s0 =	simm.s32 @p0 $0x1  }
0x3d: {  	p0 =	slt.u32 s12, s14;
	s25 =	sadd.s32 $0xF0, s21;
	[smem:$0x7FC] =	sst s0  }
.Ltmp0:
0x3e: {  	s3 =	sadd.s32 s3, s4;
	[dreg:$0x1b] =	wrdreg s25;
	(pc) =	sbr.rel .LBB2_1-.Ltmp0, $4  }
0x3f: {  	s0 =	simm.s32 @!p0 $0x0;
	[dreg:$0x16] =	wrdreg s3;
	s3 =	sadd.s32 s20, s4  }
0x40: {  	s24 =	sshrl.u32 s23, $0x2;
	s0 =	simm.s32 @p0 $0x1;
	[dreg:$0x18] =	wrdreg s3  }
0x41: {  	s10 =	simm.s32 $0x1E060;
	s3 =	sadd.s32 s24, s5;
	[smem:$0x7FD] =	sst s0  }
0x42: {  	v0 =	vimm.f32 $0.0e+00;
	v1 =	vimm.f32 $1.000000000e+00;
	s25 =	simm.s32 $0x1EA60;
	[dreg:$0x19] =	wrdreg s3;
	s3 =	simm.s32 $0x1D660  }
.LBB2_29:
0x43: {  	s0 =	rddreg [dreg:$0x8]  }
0x44: {  	_ =	swait.ge [sflag:s0], $0xA00  }
0x45: {  	[sflag:s0] =	ssyncset.done $0x0  }
0x46: {  	[sflag:s0] =	ssyncadd.s32 $0xFFFFF600  }
.LBB2_31:
0x47: {  	s0 =	rddreg [dreg:$0x9]  }
0x48: {  	_ =	swait.ge [sflag:s0], $0xA00  }
0x49: {  	[sflag:s0] =	ssyncset.done $0x0  }
0x4a: {  	[sflag:s0] =	ssyncadd.s32 $0xFFFFF600  }
.LBB2_32:
0x4b: {  	s6 =	sadd.s32 $0x1, s6;
	s0 =	rddreg [dreg:$0xf]  }
0x4c: {  	p0 =	sne.s32 s6, s0  }
.Ltmp1:
0x4d: {  	_ = 	snop;
	(pc) =	sbr.rel @!p0 .LBB2_33-.Ltmp1, $1  }
0x4e: {  	_ =	sdelay $0x3  }
.LBB2_1:
0x4f: {  	s21 =	simm.s32 $0x100;
	s20 =	simm.s32 $0x0  }
.LBB2_2:
0x50: {  	p0 =	sne.s32 s21, $0x2700;
	[tilespmem:s20+$0x1D690] =	vst v0;
	s22 =	smov.u32 s21;
	s21 =	sadd.s32 $0x100, s21  }
.Ltmp2:
0x51: {  	[tilespmem:s20+$0x1D680] =	vst v0;
	(pc) =	sbr.rel @p0 .LBB2_2-.Ltmp2, $3  }
0x52: {  	[tilespmem:s20+$0x1D660] =	vst v0  }
0x53: {  	[tilespmem:s20+$0x1D670] =	vst v0;
	_ =	sdelay $0x1  }
0x54: {  	s20 =	sshra.s32 s22, $0x2  }
0x55: {  	[tilespmem:s20+$0x1D690] =	vst v0  }
0x56: {  	[tilespmem:s20+$0x1D680] =	vst v0  }
0x57: {  	[tilespmem:s20+$0x1D660] =	vst v0  }
0x58: {  	[tilespmem:s20+$0x1D670] =	vst v0  }
0x59: {  	[tilespmem:$0x1EA60] =	vst v0  }
0x5a: {  	[tilespmem:$0x1EA70] =	vst v0  }
0x5b: {  	[tilespmem:$0x1EA80] =	vst v0  }
0x5c: {  	[tilespmem:$0x1EA90] =	vst v0  }
0x5d: {  	[tilespmem:$0x1EAA0] =	vst v0  }
0x5e: {  	[tilespmem:$0x1EAB0] =	vst v0  }
0x5f: {  	[tilespmem:$0x1EAC0] =	vst v0  }
0x60: {  	[tilespmem:$0x1EAD0] =	vst v0  }
0x61: {  	[tilespmem:$0x1D5E0] =	vst v1  }
0x62: {  	[tilespmem:$0x1D5F0] =	vst v1  }
0x63: {  	[tilespmem:$0x1D600] =	vst v1  }
0x64: {  	[tilespmem:$0x1D610] =	vst v1  }
0x65: {  	[tilespmem:$0x1D620] =	vst v1  }
0x66: {  	[tilespmem:$0x1D630] =	vst v1  }
0x67: {  	s20 =	simm.s32 @!p4 $0x0;
	[tilespmem:$0x1D640] =	vst v1  }
0x68: {  	s21 =	simm.s32 @!p4 $0x18CC0;
	s0 =	rddreg [dreg:$0x6];
	s22 =	simm.s32 @!p4 $0x18DE0;
	[tilespmem:$0x1D650] =	vst v1  }
0x69: {  	[tilespmem:s21], [sflag:$0x1] =	stream.linear.gather @!p4 [hbm4b:s0+s20], $0x80, $0x38;
	[tilespmem:$0x1EAE0] =	vst v63  }
0x6a: {  	s20 =	simm.s32 @!p4 $0x40;
	s21 =	simm.s32 @!p4 $0x80;
	s0 =	rddreg [dreg:$0x7]  }
0x6b: {  	[tilespmem:s22], [sflag:$0x1] =	stream.strided.gather @!p4 [hbm4b:s0+s20], $0x2000, s21, s20, $0x38;
	[tilespmem:$0x1EAE0] =	vst v63  }
0x6c: {  	_ =	strace $0x80000048  }
0x6d: {  	s28 =	sld [smem:$0x7FC];
	_ =	sdelay $0x2  }
0x6e: {  	p0 =	seq.s32 s28, $0x1  }
.Ltmp3:
0x6f: {  	_ = 	snop;
	(pc) =	sbr.rel @p0 .LBB2_11-.Ltmp3, $1  }
0x70: {  	_ =	sdelay $0x3  }
0x71: {  	s0 =	rddreg [dreg:$0xd]  }
0x72: {  	s21 =	sld [smem:$0x7F3]  }
0x73: {  	[spmem:s0] =	stream.linear.scatter [tilespmem:s3], [sflag:$0x3], $0xA00, $0x200038;
	[tilespmem:$0x1EAE0] =	vst v63  }
0x74: {  	s20 =	rddreg [dreg:$0xe]  }
0x75: {  	[spmem:s20] =	stream.linear.scatter [tilespmem:s25], [sflag:$0x3], $0x28, $0x200038;
	[tilespmem:$0x1EAE0] =	vst v63  }
0x76: {  	s22 =	sld [smem:$0x7F4];
	p0 =	seq.s32 s21, $0x1  }
0x77: {  	s0 =	rddreg [dreg:$0x10];
	s20 =	simm.s32 @!p0 $0x1D660  }
0x78: {  	[spmem:s0] =	stream.linear.scatter @!p0 [tilespmem:s20], [sflag:$0x3], $0xA00, $0x200038;
	[tilespmem:$0x1EAE0] =	vst v63  }
0x79: {  	s20 =	simm.s32 @!p0 $0x1EA60;
	s0 =	rddreg [dreg:$0x11]  }
0x7a: {  	[spmem:s0] =	stream.linear.scatter @!p0 [tilespmem:s20], [sflag:$0x3], $0x28, $0x200038;
	[tilespmem:$0x1EAE0] =	vst v63  }
0x7b: {  	s23 =	sld [smem:$0x7F5];
	p0 =	seq.s32 s22, $0x1  }
0x7c: {  	s0 =	rddreg [dreg:$0x12];
	s20 =	simm.s32 @!p0 $0x1D660  }
0x7d: {  	[spmem:s0] =	stream.linear.scatter @!p0 [tilespmem:s20], [sflag:$0x3], $0xA00, $0x200038;
	[tilespmem:$0x1EAE0] =	vst v63  }
0x7e: {  	s20 =	simm.s32 @!p0 $0x1EA60;
	s0 =	rddreg [dreg:$0x13]  }
0x7f: {  	[spmem:s0] =	stream.linear.scatter @!p0 [tilespmem:s20], [sflag:$0x3], $0x28, $0x200038;
	[tilespmem:$0x1EAE0] =	vst v63  }
0x80: {  	s24 =	sld [smem:$0x7FA];
	p0 =	seq.s32 s23, $0x1  }
0x81: {  	s0 =	rddreg [dreg:$0x14];
	s20 =	simm.s32 @!p0 $0x1D660  }
0x82: {  	[spmem:s0] =	stream.linear.scatter @!p0 [tilespmem:s20], [sflag:$0x3], $0xA00, $0x200038;
	[tilespmem:$0x1EAE0] =	vst v63  }
0x83: {  	s20 =	simm.s32 @!p0 $0x1EA60;
	s0 =	rddreg [dreg:$0x15]  }
0x84: {  	[spmem:s0] =	stream.linear.scatter @!p0 [tilespmem:s20], [sflag:$0x3], $0x28, $0x200038;
	[tilespmem:$0x1EAE0] =	vst v63  }
0x85: {  	s28 =	sld [smem:$0x7FB];
	p0 =	seq.s32 s24, $0x1  }
0x86: {  	s0 =	rddreg [dreg:$0x16];
	s20 =	simm.s32 @!p0 $0x1D660  }
0x87: {  	[spmem:s0] =	stream.linear.scatter @!p0 [tilespmem:s20], [sflag:$0x3], $0xA00, $0x200038;
	[tilespmem:$0x1EAE0] =	vst v63  }
0x88: {  	s20 =	simm.s32 @!p0 $0x1EA60;
	s0 =	rddreg [dreg:$0x17]  }
0x89: {  	[spmem:s0] =	stream.linear.scatter @!p0 [tilespmem:s20], [sflag:$0x3], $0x28, $0x200038;
	[tilespmem:$0x1EAE0] =	vst v63  }
0x8a: {  	p0 =	seq.s32 s28, $0x1  }
.Ltmp4:
0x8b: {  	_ = 	snop;
	(pc) =	sbr.rel @p0 .LBB2_8-.Ltmp4, $4  }
0x8c: {  	s20 =	simm.s32 @!p5 $0x1D660;
	s0 =	rddreg [dreg:$0x18]  }
0x8d: {  	[spmem:s0] =	stream.linear.scatter @!p5 [tilespmem:s20], [sflag:$0x3], $0xA00, $0x200038;
	[tilespmem:$0x1EAE0] =	vst v63  }
0x8e: {  	s20 =	simm.s32 @!p5 $0x1EA60;
	s0 =	rddreg [dreg:$0x19]  }
0x8f: {  	[spmem:s0] =	stream.linear.scatter @!p5 [tilespmem:s20], [sflag:$0x3], $0x28, $0x200038;
	[tilespmem:$0x1EAE0] =	vst v63  }
0x90: {  	s0 =	rddreg [dreg:$0x1c];
	s20 =	sadd.s32 $0x1, s19  }
0x91: {  	[spmem:s0] =	stream.linear.scatter [tilespmem:s3], [sflag:$0x3], $0xA00, $0x200038;
	[tilespmem:$0x1EAE0] =	vst v63  }
0x92: {  	p0 =	slt.u32 s19, s19;
	s23 =	rddreg [dreg:$0x1b];
	p1 =	sne.s32 s14, s20  }
0x93: {  	[spmem:s23] =	stream.linear.scatter [tilespmem:s25], [sflag:$0x3], $0x28, $0x200038;
	[tilespmem:$0x1EAE0] =	vst v63  }
.Ltmp5:
0x94: {  	s21 =	simm.s32 @!p0 $0x3;
	(pc) =	sbr.rel @!p1 .LBB2_7-.Ltmp5, $4  }
0x95: {  	_ =	swait.ge @!p0 [sflag:s21], $0xA00  }
0x96: {  	[sflag:s21] =	ssyncset.done @!p0 $0x0  }
0x97: {  	[sflag:s21] =	ssyncadd.s32 @!p0 $0xFFFFF600  }
0x98: {  	s22 =	sadd.s32 $0xA00, s0;
	_ =	swait.ge @!p0 [sflag:s21], $0x28  }
.LBB2_6:
0x99: {  	[sflag:s21] =	ssyncset.done @!p0 $0x0  }
0x9a: {  	s23 =	sadd.s32 $0x28, s23;
	s24 =	smov.u32 s20;
	s20 =	sadd.s32 $0x1, s20  }
0x9b: {  	p1 =	sne.s32 s14, s20;
	[sflag:s21] =	ssyncadd.s32 @!p0 $0xFFFFFFD8  }
0x9c: {  	[spmem:s22] =	stream.linear.scatter [tilespmem:s3], [sflag:$0x3], $0xA00, $0x200038;
	[tilespmem:$0x1EAE0] =	vst v63  }
0x9d: {  	p0 =	slt.u32 s24, s19  }
0x9e: {  	[spmem:s23] =	stream.linear.scatter [tilespmem:s25], [sflag:$0x3], $0x28, $0x200038;
	[tilespmem:$0x1EAE0] =	vst v63  }
.Ltmp6:
0x9f: {  	s21 =	simm.s32 @!p0 $0x3;
	(pc) =	sbr.rel @p1 .LBB2_6-.Ltmp6, $4  }
0xa0: {  	_ =	swait.ge @!p0 [sflag:s21], $0xA00  }
0xa1: {  	[sflag:s21] =	ssyncset.done @!p0 $0x0  }
0xa2: {  	[sflag:s21] =	ssyncadd.s32 @!p0 $0xFFFFF600  }
0xa3: {  	s22 =	sadd.s32 $0xA00, s22;
	_ =	swait.ge @!p0 [sflag:s21], $0x28  }
.LBB2_7:
0xa4: {  	[sflag:s21] =	ssyncset.done @!p0 $0x0  }
0xa5: {  	[sflag:s21] =	ssyncadd.s32 @!p0 $0xFFFFFFD8  }
.LBB2_8:
0xa6: {  	_ =	swait.ge [sflag:s29], $0xA00  }
0xa7: {  	s0 =	rddreg [dreg:$0xa]  }
0xa8: {  	s20 =	sadd.s32 $0x1, s0  }
0xa9: {  	p0 =	slt.u32 s20, s14  }
.Ltmp7:
0xaa: {  	_ = 	snop;
	(pc) =	sbr.rel @!p0 .LBB2_10-.Ltmp7, $4  }
0xab: {  	[sflag:s29] =	ssyncset.done $0x0  }
0xac: {  	[sflag:s29] =	ssyncadd.s32 $0xFFFFF600  }
0xad: {  	_ =	swait.ge [sflag:s29], $0x28  }
0xae: {  	[sflag:s29] =	ssyncset.done $0x0  }
.LBB2_9:
0xaf: {  	s20 =	sadd.s32 $0x1, s20  }
0xb0: {  	[sflag:s29] =	ssyncadd.s32 $0xFFFFFFD8;
	p0 =	slt.u32 s20, s14  }
.Ltmp8:
0xb1: {  	_ =	swait.ge [sflag:s29], $0xA00;
	(pc) =	sbr.rel @p0 .LBB2_9-.Ltmp8, $4  }
0xb2: {  	[sflag:s29] =	ssyncset.done $0x0  }
0xb3: {  	[sflag:s29] =	ssyncadd.s32 $0xFFFFF600  }
0xb4: {  	_ =	swait.ge [sflag:s29], $0x28  }
0xb5: {  	[sflag:s29] =	ssyncset.done $0x0  }
.LBB2_10:
0xb6: {  	[sflag:s29] =	ssyncadd.s32 $0xFFFFFFD8  }
.LBB2_11:
.Ltmp9:
0xb7: {  	[bflag:$0x0] =	sbarrier.arrive $0xFFFF;
	(pc) =	sbr.rel @p4 .LBB2_13-.Ltmp9, $4  }
0xb8: {  	_ =	strace $0x90000048  }
0xb9: {  	_ =	strace $0x80000049  }
0xba: {  	s21 =	rddreg [dreg:$0x1d]  }
0xbb: {  	s20 =	simm.s32 $0x0;
	s28 =	rddreg [dreg:$0x1a]  }
.LBB2_12:
0xbc: {  	s22 =	sand.u32 $0x1, s20  }
0xbd: {  	s23 =	sadd.s32 s20, s7;
	p0 =	seq.s32 s22, $0x1  }
0xbe: {  	s22 =	sadd.s32 $0x1, s23;
	s24 =	simm.s32 @p0 $0x2  }
0xbf: {  	p2 =	sge.u32 @p0 s22, s9;
	_ =	swait.ge @p0 [sflag:s24], $0x80  }
0xc0: {  	p1 =	por p2, !p0;
	[sflag:s24] =	ssyncset.done @p0 $0x0  }
0xc1: {  	p3 =	sle.u32 @!p1 s23, s7;
	[sflag:s24] =	ssyncadd.s32 @p0 $0xFFFFFF80  }
0xc2: {  	p2 =	por @p0 p3, p2;
	_ =	swait.ge @p0 [sflag:s24], $0x2000  }
0xc3: {  	p2 =	por p2, !p0;
	[sflag:s24] =	ssyncset.done @p0 $0x0  }
0xc4: {  	[sflag:s24] =	ssyncadd.s32 @p0 $0xFFFFE000;
	s24 =	simm.s32 @!p2 $0x3  }
0xc5: {  	_ =	swait.ge @!p2 [sflag:s24], $0x2000  }
0xc6: {  	[sflag:s24] =	ssyncset.done @!p2 $0x0  }
0xc7: {  	[sflag:s24] =	ssyncadd.s32 @!p2 $0xFFFFE000  }
0xc8: {  	_ =	swait.ge @!p2 [sflag:s24], $0x80  }
0xc9: {  	[sflag:s24] =	ssyncset.done @!p2 $0x0  }
0xca: {  	s0 =	simm.s32 @!p1 $0x18CC0;
	[sflag:s24] =	ssyncadd.s32 @!p2 $0xFFFFFF80;
	s24 =	simm.s32 @!p1 $0x0  }
0xcb: {  	[tilespmem:s0], [sflag:$0x1] =	stream.linear.gather @!p1 [hbm4b:s21+s24], $0x80, $0x200038;
	[tilespmem:$0x1EAE0] =	vst v63  }
0xcc: {  	s16 =	simm.s32 @!p1 $0x80;
	s0 =	sshrl.u32 @!p1 s28, $0x3  }
0xcd: {  	s18 =	simm.s32 @!p1 $0x18DE0;
	s24 =	simm.s32 @!p1 $0x40;
	s0 =	sadd.s32 @!p1 s1, s0  }
0xce: {  	[tilespmem:s18], [sflag:$0x1] =	stream.strided.gather @!p1 [hbm4b:s0+s24], $0x2000, s16, s24, $0x200038;
	[tilespmem:$0x1EAE0] =	vst v63  }
0xcf: {  	s0 =	simm.s32 @p0 $0x80;
	s16 =	simm.s32 @p0 $0x18D40;
	s18 =	simm.s32 @p0 $0x1ADE0  }
0xd0: {  	[spmem:s4] =	stream.indirect.scatter.add.f32 @p0 [tilespmem:s18], [sflag:$0x4], $0x40, s16, s0, $0x2000b8;
	[tilespmem:$0x1EAE0] =	vst v63  }
0xd1: {  	s18 =	simm.s32 @p0 $0x1D5E0  }
0xd2: {  	[spmem:s5] =	stream.indirect.scatter.add.f32 @p0 [tilespmem:s18], [sflag:$0x4], $0x1, s16, s0, $0x2000b8;
	[tilespmem:$0x1EAE0] =	vst v63  }
0xd3: {  	s0 =	simm.s32 @!p0 $0x1  }
0xd4: {  	p2 =	sge.u32 @!p0 s22, s9;
	_ =	swait.ge @!p0 [sflag:s0], $0x80  }
0xd5: {  	p1 =	por p2, p0;
	[sflag:s0] =	ssyncset.done @!p0 $0x0  }
0xd6: {  	p3 =	sle.u32 @!p1 s23, s7;
	[sflag:s0] =	ssyncadd.s32 @!p0 $0xFFFFFF80  }
0xd7: {  	p2 =	por @!p0 p3, p2;
	_ =	swait.ge @!p0 [sflag:s0], $0x2000  }
0xd8: {  	p2 =	por p2, p0;
	[sflag:s0] =	ssyncset.done @!p0 $0x0  }
0xd9: {  	[sflag:s0] =	ssyncadd.s32 @!p0 $0xFFFFE000;
	s0 =	simm.s32 @!p2 $0x4  }
0xda: {  	_ =	swait.ge @!p2 [sflag:s0], $0x2000  }
0xdb: {  	[sflag:s0] =	ssyncset.done @!p2 $0x0  }
0xdc: {  	[sflag:s0] =	ssyncadd.s32 @!p2 $0xFFFFE000  }
0xdd: {  	_ =	swait.ge @!p2 [sflag:s0], $0x80  }
0xde: {  	[sflag:s0] =	ssyncset.done @!p2 $0x0  }
0xdf: {  	s16 =	simm.s32 @!p1 $0x18D40;
	[sflag:s0] =	ssyncadd.s32 @!p2 $0xFFFFFF80;
	s0 =	simm.s32 @!p1 $0x0  }
0xe0: {  	[tilespmem:s16], [sflag:$0x2] =	stream.linear.gather @!p1 [hbm4b:s21+s0], $0x80, $0x200038;
	[tilespmem:$0x1EAE0] =	vst v63  }
0xe1: {  	s20 =	sadd.s32 $0x1, s20;
	s22 =	simm.s32 @!p1 $0x1ADE0;
	s0 =	sshrl.u32 @!p1 s28, $0x3  }
0xe2: {  	s18 =	simm.s32 @!p1 $0x80;
	s16 =	simm.s32 @!p1 $0x40;
	s0 =	sadd.s32 @!p1 s1, s0  }
0xe3: {  	[tilespmem:s22], [sflag:$0x2] =	stream.strided.gather @!p1 [hbm4b:s0+s16], $0x2000, s18, s16, $0x200038;
	[tilespmem:$0x1EAE0] =	vst v63  }
0xe4: {  	s0 =	simm.s32 @!p0 $0x80;
	s16 =	simm.s32 @!p0 $0x18CC0;
	s18 =	simm.s32 @!p0 $0x18DE0  }
0xe5: {  	[spmem:s4] =	stream.indirect.scatter.add.f32 @!p0 [tilespmem:s18], [sflag:$0x3], $0x40, s16, s0, $0x2000b8;
	[tilespmem:$0x1EAE0] =	vst v63  }
0xe6: {  	s24 =	sadd.s32 s20, s13;
	s18 =	simm.s32 @!p0 $0x1D5E0  }
0xe7: {  	[spmem:s5] =	stream.indirect.scatter.add.f32 @!p0 [tilespmem:s18], [sflag:$0x3], $0x1, s16, s0, $0x2000b8;
	[tilespmem:$0x1EAE0] =	vst v63  }
0xe8: {  	p0 =	sne.s32 s24, $0x0  }
.Ltmp10:
0xe9: {  	_ = 	snop;
	(pc) =	sbr.rel @p0 .LBB2_12-.Ltmp10, $2  }
0xea: {  	_ =	sdelay $0x2  }
0xeb: {  	s28 =	sadd.s32 $0x4000, s28;
	s21 =	sadd.s32 $0x10, s21  }
.LBB2_13:
0xec: {  	_ =	strace $0x90000049  }
0xed: {  	_ =	strace $0x8000004A  }
0xee: {  	s0 =	sld [smem:$0x7F8];
	_ =	sdelay $0x2  }
0xef: {  	p0 =	seq.s32 s0, $0x1  }
.Ltmp11:
0xf0: {  	_ = 	snop;
	(pc) =	sbr.rel @p0 .LBB2_15-.Ltmp11, $1  }
0xf1: {  	_ =	sdelay $0x3  }
0xf2: {  	_ =	swait.ge [sflag:s15], $0x2000  }
.Ltmp12:
0xf3: {  	[sflag:s15] =	ssyncset.done $0x0;
	(pc) =	sbr.rel .LBB2_16-.Ltmp12, $4  }
0xf4: {  	[sflag:s15] =	ssyncadd.s32 $0xFFFFE000  }
0xf5: {  	_ =	swait.ge [sflag:s15], $0x80  }
0xf6: {  	[sflag:s15] =	ssyncset.done $0x0  }
0xf7: {  	[sflag:s15] =	ssyncadd.s32 $0xFFFFFF80  }
.LBB2_15:
0xf8: {  	s0 =	sld [smem:$0x7F9];
	_ =	sdelay $0x2  }
0xf9: {  	p0 =	seq.s32 s0, $0x1  }
.Ltmp13:
0xfa: {  	_ = 	snop;
	(pc) =	sbr.rel @p0 .LBB2_17-.Ltmp13, $1  }
0xfb: {  	_ =	sdelay $0x3  }
.LBB2_16:
0xfc: {  	_ =	swait.ge [sflag:s17], $0x2000  }
0xfd: {  	[sflag:s17] =	ssyncset.done $0x0  }
0xfe: {  	[sflag:s17] =	ssyncadd.s32 $0xFFFFE000  }
0xff: {  	_ =	swait.ge [sflag:s17], $0x80  }
0x100: {  	[sflag:s17] =	ssyncset.done $0x0  }
0x101: {  	[sflag:s17] =	ssyncadd.s32 $0xFFFFFF80  }
.LBB2_17:
0x102: {  	_ =	strace $0x9000004A  }
0x103: {  	s0 =	simm.s32 @!p6 $0x0;
	s16 =	simm.s32 @!p6 $0x18DC0;
	s18 =	rddreg [dreg:$0xb]  }
0x104: {  	[tilespmem:s16], [sflag:$0x5] =	stream.linear.gather @!p6 [hbm4b:s18+s0], $0x20, $0x38;
	[tilespmem:$0x1EAE0] =	vst v63  }
0x105: {  	s0 =	simm.s32 @!p6 $0x5  }
0x106: {  	_ =	swait.ge @!p6 [sflag:s0], $0x20  }
0x107: {  	s20 =	simm.s32 @!p6 $0x80;
	s21 =	simm.s32 @!p6 $0x1CDE0;
	[sflag:s0] =	ssyncset.done @!p6 $0x0  }
0x108: {  	s18 =	simm.s32 @!p6 $0x40;
	s22 =	rddreg [dreg:$0xc];
	[sflag:s0] =	ssyncadd.s32 @!p6 $0xFFFFFFE0  }
0x109: {  	[tilespmem:s21], [sflag:$0x5] =	stream.strided.gather @!p6 [hbm4b:s22+s18], $0x800, s20, s18, $0x38;
	[tilespmem:$0x1EAE0] =	vst v63  }
0x10a: {  	_ =	swait.ge @!p6 [sflag:s0], $0x800  }
0x10b: {  	[sflag:s0] =	ssyncset.done @!p6 $0x0  }
0x10c: {  	s18 =	simm.s32 @!p6 $0x20;
	[sflag:s0] =	ssyncadd.s32 @!p6 $0xFFFFF800  }
0x10d: {  	[spmem:s4] =	stream.indirect.scatter.add.f32 @!p6 [tilespmem:s21], [sflag:$0x5], $0x40, s16, s18, $0xb8;
	[tilespmem:$0x1EAE0] =	vst v63  }
0x10e: {  	_ =	swait.ge @!p6 [sflag:s0], $0x800  }
0x10f: {  	[sflag:s0] =	ssyncset.done @!p6 $0x0  }
0x110: {  	s20 =	simm.s32 @!p6 $0x1D5E0;
	[sflag:s0] =	ssyncadd.s32 @!p6 $0xFFFFF800  }
0x111: {  	[spmem:s5] =	stream.indirect.scatter.add.f32 @!p6 [tilespmem:s20], [sflag:$0x5], $0x1, s16, s18, $0xb8;
	[tilespmem:$0x1EAE0] =	vst v63  }
0x112: {  	_ =	swait.ge @!p6 [sflag:s0], $0x20  }
0x113: {  	[sflag:s0] =	ssyncset.done @!p6 $0x0  }
0x114: {  	[sflag:s0] =	ssyncadd.s32 @!p6 $0xFFFFFFE0  }
0x115: {  	[bflag:$0x0] =	sbarrier.arrive $0xFFFF  }
0x116: {  	s28 =	sld [smem:$0x7FD];
	_ =	sdelay $0x2  }
0x117: {  	p0 =	seq.s32 s28, $0x1  }
.Ltmp14:
0x118: {  	_ = 	snop;
	(pc) =	sbr.rel @!p0 .LBB2_18-.Ltmp14, $1  }
0x119: {  	_ =	sdelay $0x3  }
.Ltmp15:
0x11a: {  	s0 =	rddreg [dreg:$0xd];
	(pc) =	sbr.rel .LBB2_20-.Ltmp15, $4  }
0x11b: {  	[tilespmem:s3], [sflag:$0x1] =	stream.linear.gather [spmem:s0], $0xA00, $0x38;
	[tilespmem:$0x1EAE0] =	vst v63  }
0x11c: {  	s28 =	rddreg [dreg:$0xe]  }
0x11d: {  	[tilespmem:s25], [sflag:$0x1] =	stream.linear.gather [spmem:s28], $0x28, $0x38;
	[tilespmem:$0x1EAE0] =	vst v63  }
0x11e: {  	s20 =	smov.u32 s12;
	_ =	strace $0x8000004B  }
.LBB2_26:
0x11f: {  	v4 =	vld.msk [tilespmem:s24+$0x1EAA0 ss:$0x0], $0xffff  }
0x120: {  	v5 =	vld [tilespmem:s28+$0xFFFFFFD0];
	_ =	sdelay $0x2  }
0x121: {  	v6 =	vld [tilespmem:s28+$0x0];
	_ =	sdelay $0x1  }
0x122: {  	v5 =	vmul.f32 v4, v5  }
0x123: {  	s0 =	smul.u32 $0x1400, s20;
	v3 =	vmul.f32 v3, v4  }
0x124: {  	v2 =	vmul.f32 v2, v4;
	[tilespmem:s28+$0xFFFFFFD0] =	vst v5  }
0x125: {  	s0 =	sor.u32 s8, s0;
	v4 =	vmul.f32 v6, v4;
	[tilespmem:s22+$0xFFFFFFE0] =	vst v3  }
0x126: {  	s0 =	sshrl.u32 s0, $0x3;
	[tilespmem:s22+$0xFFFFFFF0] =	vst v2  }
0x127: {  	s0 =	sadd.s32 s2, s0;
	[tilespmem:s22+$0x0] =	vst v4  }
0x128: {  	[hbm4b:s0+s31] =	stream.strided.scatter [tilespmem:s10], [sflag:$0x4], $0xA00, s30, s31, $0x200038;
	[tilespmem:$0x1EAE0] =	vst v63  }
.LBB2_27:
0x129: {  	p0 =	sne.s32 s21, s14  }
.Ltmp16:
0x12a: {  	_ = 	snop;
	(pc) =	sbr.rel @!p0 .LBB2_28-.Ltmp16, $2  }
0x12b: {  	_ =	sdelay $0x2  }
0x12c: {  	s20 =	smov.u32 s21  }
.LBB2_20:
0x12d: {  	s0 =	ssub.s32 s20, s12  }
0x12e: {  	s0 =	sand.u32 $0x1, s0  }
0x12f: {  	p2 =	seq.s32 s0, $0x1  }
.Ltmp17:
0x130: {  	_ = 	snop;
	(pc) =	sbr.rel @p2 .LBB2_24-.Ltmp17, $4  }
0x131: {  	s21 =	sadd.s32 $0x1, s20  }
0x132: {  	p0 =	sge.u32 s21, s14  }
0x133: {  	s23 =	smul.u32 @!p0 $0x2800, s21  }
0x134: {  	p1 =	sle.u32 @!p0 s20, s12;
	s22 =	smul.u32 @!p0 $0xA0, s21  }
0x135: {  	_ =	swait.ge [sflag:s26], $0xA00  }
0x136: {  	[sflag:s26] =	ssyncset.done $0x0  }
0x137: {  	[sflag:s26] =	ssyncadd.s32 $0xFFFFF600  }
0x138: {  	_ =	swait.ge [sflag:s26], $0x28  }
0x139: {  	p1 =	por p1, p0;
	[sflag:s26] =	ssyncset.done $0x0  }
0x13a: {  	s0 =	simm.s32 @!p1 $0x4;
	[sflag:s26] =	ssyncadd.s32 $0xFFFFFFD8  }
0x13b: {  	_ =	swait.ge @!p1 [sflag:s0], $0xA00  }
0x13c: {  	s16 =	sshra.s32 @!p0 s23, $0x2;
	[sflag:s0] =	ssyncset.done @!p1 $0x0  }
0x13d: {  	[sflag:s0] =	ssyncadd.s32 @!p1 $0xFFFFF600;
	s0 =	sadd.s32 @!p0 s16, s4;
	s16 =	simm.s32 @!p0 $0x1E060  }
0x13e: {  	[tilespmem:s16], [sflag:$0x2] =	stream.linear.gather @!p0 [spmem:s0], $0xA00, $0x200038;
	[tilespmem:$0x1EAE0] =	vst v63  }
0x13f: {  	s0 =	sshra.s32 @!p0 s22, $0x2  }
0x140: {  	s16 =	simm.s32 @!p0 $0x1EAA0;
	s0 =	sadd.s32 @!p0 s0, s5  }
0x141: {  	[tilespmem:s16], [sflag:$0x2] =	stream.linear.gather @!p0 [spmem:s0], $0x28, $0x200038;
	[tilespmem:$0x1EAE0] =	vst v63  }
0x142: {  	v2 =	vld [tilespmem:$0x1EA60]  }
0x143: {  	v3 =	vld [tilespmem:$0x1EA70]  }
0x144: {  	v4 =	vld [tilespmem:$0x1EA80]  }
0x145: {  	v5 =	vld [tilespmem:$0x1EA90];
	_ =	sdelay $0x1  }
0x146: {  	v2 =	vmax.f32 v2, $1.000000000e+00  }
0x147: {  	(erf) = vrcp.f32 v2;
	v2 =	vmax.f32 v3, $1.000000000e+00  }
0x148: {  	(erf) = vrcp.f32 v2;
	v2 =	vmax.f32 v4, $1.000000000e+00  }
0x149: {  	(erf) = vrcp.f32 v2;
	v2 =	vmax.f32 v5, $1.000000000e+00  }
0x14a: {  	(erf) = vrcp.f32 v2;
	_ =	sdelay $0x5  }
0x14b: {  	v2 =	vpop (erf)  }
0x14c: {  	v3 =	vpop (erf);
	[tilespmem:$0x1EA60] =	vst v2  }
0x14d: {  	v2 =	vpop (erf);
	[tilespmem:$0x1EA70] =	vst v3  }
0x14e: {  	[tilespmem:$0x1EA80] =	vst v2;
	v2 =	vpop (erf)  }
0x14f: {  	s28 =	simm.s32 $0x1D680;
	[tilespmem:$0x1EA90] =	vst v2  }
0x150: {  	v2 =	vld [tilespmem:s28+$0xFFFFFFF0]  }
0x151: {  	s24 =	simm.s32 $0x0;
	v4 =	vld [tilespmem:s28+$0x10]  }
0x152: {  	v6 =	vld.msk [tilespmem:s24+$0x1EA60 ss:$0x0], $0xffff  }
0x153: {  	v3 =	vld [tilespmem:s28+$0xFFFFFFE0]  }
0x154: {  	v7 =	vld [tilespmem:s28+$0x0];
	_ =	sdelay $0x3  }
0x155: {  	v3 =	vmul.f32 v6, v3;
	v5 =	vmul.f32 v4, v6  }
0x156: {  	s23 =	simm.s32 $0x1D680;
	s22 =	simm.s32 $0x4;
	v4 =	vmul.f32 v2, v6;
	v2 =	vmul.f32 v7, v6  }
.LBB2_22:
0x157: {  	p0 =	sne.s32 s22, $0x9C  }
0x158: {  	[tilespmem:s28+$0x10] =	vst v5;
	s23 =	sadd.s32 $0x40, s23;
	s0 =	smov.u32 s22;
	s22 =	sadd.s32 $0x4, s22  }
0x159: {  	[tilespmem:s28+$0xFFFFFFE0] =	vst v3  }
0x15a: {  	v6 =	vld [tilespmem:s23+$0xFFFFFFF0];
	[tilespmem:s28+$0xFFFFFFF0] =	vst v4  }
0x15b: {  	s0 =	sshra.s32 s0, $0x2;
	v4 =	vld [tilespmem:s23+$0x10];
	[tilespmem:s28+$0x0] =	vst v2;
	s28 =	smov.u32 s23  }
0x15c: {  	v2 =	vld.msk [tilespmem:s0+$0x1EA60 ss:$0x0], $0xffff  }
0x15d: {  	v3 =	vld [tilespmem:s23+$0xFFFFFFE0]  }
0x15e: {  	v7 =	vld [tilespmem:s23+$0x0]  }
.Ltmp18:
0x15f: {  	(pc) =	sbr.rel @p0 .LBB2_22-.Ltmp18, $3  }
0x160: {  	_ =	sdelay $0x1  }
0x161: {  	v5 =	vmul.f32 v4, v2;
	v3 =	vmul.f32 v2, v3  }
0x162: {  	v4 =	vmul.f32 v6, v2;
	v2 =	vmul.f32 v7, v2  }
0x163: {  	s0 =	smul.u32 $0x1400, s20  }
.Ltmp19:
0x164: {  	[tilespmem:s28+$0x10] =	vst v5;
	(pc) =	sbr.rel .LBB2_27-.Ltmp19, $4  }
0x165: {  	[tilespmem:s28+$0xFFFFFFE0] =	vst v3;
	s0 =	sor.u32 s8, s0  }
0x166: {  	[tilespmem:s28+$0xFFFFFFF0] =	vst v4;
	s0 =	sshrl.u32 s0, $0x3  }
0x167: {  	[tilespmem:s28+$0x0] =	vst v2;
	s0 =	sadd.s32 s2, s0  }
0x168: {  	[hbm4b:s0+s31] =	stream.strided.scatter [tilespmem:s3], [sflag:$0x3], $0xA00, s30, s31, $0x200038;
	[tilespmem:$0x1EAE0] =	vst v63  }
.LBB2_24:
0x169: {  	_ =	swait.ge [sflag:s11], $0xA00  }
0x16a: {  	[sflag:s11] =	ssyncset.done $0x0  }
0x16b: {  	[sflag:s11] =	ssyncadd.s32 $0xFFFFF600  }
0x16c: {  	_ =	swait.ge [sflag:s11], $0x28  }
0x16d: {  	p1 =	por p1, p0;
	[sflag:s11] =	ssyncset.done $0x0  }
0x16e: {  	s0 =	simm.s32 @!p1 $0x3;
	[sflag:s11] =	ssyncadd.s32 $0xFFFFFFD8  }
0x16f: {  	_ =	swait.ge @!p1 [sflag:s0], $0xA00  }
0x170: {  	s16 =	sshra.s32 @!p0 s23, $0x2;
	[sflag:s0] =	ssyncset.done @!p1 $0x0  }
0x171: {  	[sflag:s0] =	ssyncadd.s32 @!p1 $0xFFFFF600;
	s0 =	sadd.s32 @!p0 s16, s4;
	s16 =	simm.s32 @!p0 $0x1D660  }
0x172: {  	[tilespmem:s16], [sflag:$0x1] =	stream.linear.gather @!p0 [spmem:s0], $0xA00, $0x200038;
	[tilespmem:$0x1EAE0] =	vst v63  }
0x173: {  	s0 =	sshra.s32 @!p0 s22, $0x2  }
0x174: {  	s16 =	simm.s32 @!p0 $0x1EA60;
	s0 =	sadd.s32 @!p0 s0, s5  }
0x175: {  	[tilespmem:s16], [sflag:$0x1] =	stream.linear.gather @!p0 [spmem:s0], $0x28, $0x200038;
	[tilespmem:$0x1EAE0] =	vst v63  }
0x176: {  	v2 =	vld [tilespmem:$0x1EAA0]  }
0x177: {  	v3 =	vld [tilespmem:$0x1EAB0]  }
0x178: {  	v4 =	vld [tilespmem:$0x1EAC0]  }
0x179: {  	v5 =	vld [tilespmem:$0x1EAD0];
	_ =	sdelay $0x1  }
0x17a: {  	v2 =	vmax.f32 v2, $1.000000000e+00  }
0x17b: {  	(erf) = vrcp.f32 v2;
	v2 =	vmax.f32 v3, $1.000000000e+00  }
0x17c: {  	(erf) = vrcp.f32 v2;
	v2 =	vmax.f32 v4, $1.000000000e+00  }
0x17d: {  	(erf) = vrcp.f32 v2;
	v2 =	vmax.f32 v5, $1.000000000e+00  }
0x17e: {  	(erf) = vrcp.f32 v2;
	_ =	sdelay $0x5  }
0x17f: {  	v2 =	vpop (erf)  }
0x180: {  	v3 =	vpop (erf);
	[tilespmem:$0x1EAA0] =	vst v2  }
0x181: {  	v2 =	vpop (erf);
	[tilespmem:$0x1EAB0] =	vst v3  }
0x182: {  	[tilespmem:$0x1EAC0] =	vst v2;
	v2 =	vpop (erf)  }
0x183: {  	s28 =	simm.s32 $0x1E090;
	[tilespmem:$0x1EAD0] =	vst v2  }
0x184: {  	s24 =	simm.s32 $0x0;
	v2 =	vld [tilespmem:s28+$0xFFFFFFF0]  }
0x185: {  	s23 =	simm.s32 $0x1;
	s24 =	sand.u32 $0x3F, s24;
	s22 =	simm.s32 $0x1E090;
	v3 =	vld [tilespmem:s28+$0xFFFFFFE0]  }
.LBB2_25:
0x186: {  	p0 =	sne.s32 s23, $0x27;
	v4 =	vld.msk [tilespmem:s24+$0x1EAA0 ss:$0x0], $0xffff  }
0x187: {  	v5 =	vld [tilespmem:s28+$0xFFFFFFD0]  }
0x188: {  	v6 =	vld [tilespmem:s28+$0x0];
	_ =	sdelay $0x3  }
0x189: {  	v3 =	vmul.f32 v3, v4;
	v5 =	vmul.f32 v4, v5  }
.Ltmp20:
0x18a: {  	v7 =	vmul.f32 v2, v4;
	v4 =	vmul.f32 v6, v4;
	(pc) =	sbr.rel @p0 .LBB2_25-.Ltmp20, $4  }
0x18b: {  	[tilespmem:s28+$0xFFFFFFD0] =	vst v5  }
0x18c: {  	s28 =	sadd.s32 $0x40, s28;
	[tilespmem:s22+$0xFFFFFFE0] =	vst v3  }
0x18d: {  	v2 =	vld [tilespmem:s28+$0xFFFFFFF0];
	[tilespmem:s22+$0xFFFFFFF0] =	vst v7  }
0x18e: {  	s24 =	sand.u32 $0x3F, s23;
	s23 =	sadd.s32 $0x1, s23;
	v3 =	vld [tilespmem:s28+$0xFFFFFFE0];
	[tilespmem:s22+$0x0] =	vst v4;
	s22 =	smov.u32 s28  }
.Ltmp21:
0x18f: {  	_ = 	snop;
	(pc) =	sbr.rel .LBB2_26-.Ltmp21, $1  }
0x190: {  	_ =	sdelay $0x3  }
.LBB2_18:
0x191: {  	_ =	strace $0x8000004B  }
.LBB2_28:
0x192: {  	_ =	strace $0x9000004B  }
0x193: {  	s0 =	sld [smem:$0x7F6];
	_ =	sdelay $0x2  }
0x194: {  	p0 =	seq.s32 s0, $0x1  }
.Ltmp22:
0x195: {  	_ = 	snop;
	(pc) =	sbr.rel @!p0 .LBB2_29-.Ltmp22, $1  }
0x196: {  	_ =	sdelay $0x3  }
0x197: {  	s0 =	sld [smem:$0x7F7];
	_ =	sdelay $0x2  }
0x198: {  	p0 =	seq.s32 s0, $0x1  }
.Ltmp23:
0x199: {  	_ = 	snop;
	(pc) =	sbr.rel @p0 .LBB2_32-.Ltmp23, $4  }
.Ltmp24:
0x19a: {  	_ = 	snop;
	(pc) =	sbr.rel @!p0 .LBB2_31-.Ltmp24, $4  }
0x19b: {  	_ = 	snop  }
0x19c: {  	_ = 	snop  }
0x19d: {  	_ = 	snop  }
0x19e: {  	_ = 	snop  }
.LBB2_33:
0x19f: {  	_ =	sfence.sel $0x180000  }
0x1a0: {  	[bflag:$0x0] =	sbarrier.arrive $0xFFFF  }
0x1a1: {  	_ =	strace $0x90000047  }
0x1a2: {  	s0 =	stileid.u32;
	[bflag:$0x2] =	sbarrier.arrive $0xFFFF  }
0x1a3: {  	p0 =	sne.s32 s0, $0x0;
	s0 =	rddreg [dreg:$0x5]  }
0x1a4: {  	s0 =	sadd.s32 @!p0 $0x100000, s0  }
0x1a5: {  	[sflag:s0] =	ssyncadd.tile.s32 @!p0 $0x1;
	_ =	shalt  }
.Lfunc_end2:
_tile_overlayer_lowered:
.L_overlay_start_2:
0x1a6: {  	(tag) =	ssettag $0x2  }
0x1a7: {  	s0 =	rddreg [dreg:$0x0];
	s2 =	stileid.u32  }
0x1a8: {  	s1 =	rddreg [dreg:$0x1];
	p0 =	sne.s32 s2, $0x0  }
0x1a9: {  	s3 =	rddreg [dreg:$0x2];
	[bflag:$0x3] =	sbarrier.arrive $0xFFFF;
	s2 =	simm.s32 @!p0 $0x1C05  }
0x1aa: {  	[timem:s3], [sflag:s2] =	dma.local @!p0 [hbm:s0], s1  }
0x1ab: {  	s0 =	simm.s32 @!p0 $0x5  }
0x1ac: {  	_ =	swait.ge @!p0 [sflag:s0], s1  }
0x1ad: {  	s1 =	ssub.s32 @!p0 $0x0, s1;
	[sflag:s0] =	ssyncset.done @!p0 $0x0  }
0x1ae: {  	[sflag:s0] =	ssyncadd.s32 @!p0 s1  }
0x1af: {  	[bflag:$0x3] =	sbarrier.arrive $0xFFFF  }
0x1b0: {  	_ =	shalt  }

</sc_bundles>
